<compile_context>
chip_gen: v7x
topology: tpu7x:2x2x1
jax: 0.10.2.dev20260603
libtpu: 0.0.44.dev20260713+nightly
codegen_flags: <defaults>
</compile_context>

<pallas_src>
import jax
import jax.numpy as jnp
from jax import lax
from jax.experimental import pallas as pl
from jax.experimental.pallas import tpu as pltpu
from jax.experimental.pallas import tpu_sc as plsc

B = 4
C = 16
H = 512
W = 512
HP = H + 3
NPTS = H * W
CLIP_HI = 513.0

NC = 2
NS = 16
BATCHES_PER_CORE = B // NC
PTS_PER_TILE = NPTS // NS
CHUNK = 2048
NCHUNK = PTS_PER_TILE // CHUNK
IDXROW = 128
NSTREAM = CHUNK * 4 // IDXROW
RPAD = 266240
ZWORDS = RPAD * BATCHES_PER_CORE // NS
ZBUF = 16640
OUT_ROWS_PER_TILE = H // NS
RB = 8
ROWBUF = 4128


def _sc_body(gi_hbm, gj_hbm, b3_hbm, gibuf, gjbuf, idxbuf, valbuf, zbuf,
             rowbuf, bbuf, acc, sem_in, sem_sc):
    cid = lax.axis_index("c")
    sid = lax.axis_index("s")

    zvec = jnp.zeros((16,), jnp.float32)

    def zinit(v, carry):
        zbuf[pl.ds(v * 16, 16)] = zvec
        return carry

    lax.fori_loop(0, ZBUF // 16, zinit, 0, unroll=8)
    for z in range(ZWORDS // ZBUF):
        pltpu.sync_copy(zbuf, acc.at[pl.ds(sid * ZWORDS + z * ZBUF, ZBUF)])
    plsc.subcore_barrier()

    NTOT = BATCHES_PER_CORE * NCHUNK
    IN_BYTES = 2 * CHUNK * 4
    SC_BYTES = NSTREAM * IDXROW * 4

    def fire_inputs(ch):
        p = ch // NCHUNK
        batch = BATCHES_PER_CORE * cid + p
        off = batch * NPTS + sid * PTS_PER_TILE + (ch % NCHUNK) * CHUNK
        s = ch % 2
        pltpu.async_copy(gi_hbm.at[pl.ds(off, CHUNK)], gibuf.at[s], sem_in)
        pltpu.async_copy(gj_hbm.at[pl.ds(off, CHUNK)], gjbuf.at[s], sem_in)

    def compute_chunk(ch):
        s = ch % 2
        plane = (ch // NCHUNK) * RPAD

        def vec_body(v, carry2):
            gi = gibuf[s, pl.ds(v * 16, 16)]
            gj = gjbuf[s, pl.ds(v * 16, 16)]
            fi = gi * (0.5 * H) + (0.5 * H + 1.0)
            fj = gj * (0.5 * W) + (0.5 * W + 1.0)
            fi = jnp.minimum(jnp.maximum(fi, 0.0), CLIP_HI)
            fj = jnp.minimum(jnp.maximum(fj, 0.0), CLIP_HI)
            li = fi.astype(jnp.int32)
            lj = fj.astype(jnp.int32)
            wi1 = fi - li.astype(jnp.float32)
            wj1 = fj - lj.astype(jnp.float32)
            wi0 = 1.0 - wi1
            wj0 = 1.0 - wj1
            e00 = plane + li * HP + lj
            row = v // (IDXROW // 16)
            col = (v * 16) % IDXROW
            nseg = CHUNK // IDXROW
            idxbuf[s, 0 * nseg + row, pl.ds(col, 16)] = e00
            idxbuf[s, 1 * nseg + row, pl.ds(col, 16)] = e00 + 1
            idxbuf[s, 2 * nseg + row, pl.ds(col, 16)] = e00 + HP
            idxbuf[s, 3 * nseg + row, pl.ds(col, 16)] = e00 + HP + 1
            vb = v * 16
            valbuf[s, pl.ds(0 * CHUNK + vb, 16)] = wi0 * wj0
            valbuf[s, pl.ds(1 * CHUNK + vb, 16)] = wi0 * wj1
            valbuf[s, pl.ds(2 * CHUNK + vb, 16)] = wi1 * wj0
            valbuf[s, pl.ds(3 * CHUNK + vb, 16)] = wi1 * wj1
            return carry2

        lax.fori_loop(0, CHUNK // 16, vec_body, 0, unroll=8)

    def fire_scatter(ch):
        s = ch % 2

        def stream_body(j, carry):
            pltpu.async_copy(valbuf.at[s, pl.ds(j * IDXROW, IDXROW)],
                             acc.at[idxbuf.at[s, j]], sem_sc, add=True)
            return carry

        lax.fori_loop(0, NSTREAM, stream_body, 0, unroll=8)

    fire_inputs(0)

    def drain_in(s):
        pltpu.make_async_copy(gi_hbm.at[pl.ds(0, CHUNK)], gibuf.at[s],
                              sem_in).wait()
        pltpu.make_async_copy(gj_hbm.at[pl.ds(0, CHUNK)], gjbuf.at[s],
                              sem_in).wait()

    def drain_sc(s):
        pltpu.make_async_copy(gi_hbm.at[pl.ds(0, CHUNK * 4)], valbuf.at[s],
                              sem_sc).wait()

    def chunk_body(ch, carry):
        s = ch % 2

        @pl.when(ch + 1 < NTOT)
        def _():
            fire_inputs(ch + 1)

        drain_in(s)

        @pl.when(ch >= 2)
        def _():
            drain_sc(s)

        compute_chunk(ch)
        fire_scatter(ch)
        return carry

    lax.fori_loop(0, NTOT, chunk_body, 0)
    drain_sc(0)
    drain_sc(1)
    plsc.subcore_barrier()

    def drain_out(s):
        pltpu.make_async_copy(gi_hbm.at[pl.ds(0, RB * W)], bbuf.at[s],
                              sem_in).wait()

    def block_body(t8, carry):
        p = t8 // (OUT_ROWS_PER_TILE // RB)
        blk = t8 % (OUT_ROWS_PER_TILE // RB)
        batch = BATCHES_PER_CORE * cid + p
        io0 = sid * OUT_ROWS_PER_TILE + blk * RB
        base0 = p * RPAD + (io0 + 1) * HP + 1
        abase = (base0 // 8) * 8
        delta = base0 - abase
        s = t8 % 2
        pltpu.sync_copy(acc.at[pl.ds(abase, ROWBUF)], rowbuf)

        @pl.when(t8 >= 2)
        def _():
            drain_out(s)

        def copy_body(t, carry2):
            d = t // (W // 16)
            j = t % (W // 16)
            vec = rowbuf[pl.ds(delta + d * HP + j * 16, 16)]
            bbuf[s, pl.ds(d * W + j * 16, 16)] = vec
            return carry2

        lax.fori_loop(0, RB * (W // 16), copy_body, 0, unroll=8)
        pltpu.async_copy(
            bbuf.at[s], b3_hbm.at[pl.ds((batch * H + io0) * W, RB * W)],
            sem_in)
        return carry

    lax.fori_loop(
        0, BATCHES_PER_CORE * (OUT_ROWS_PER_TILE // RB), block_body, 0)
    drain_out(0)
    drain_out(1)


@jax.jit
def _sc_scatter(gi_flat, gj_flat):
    mesh = plsc.VectorSubcoreMesh(core_axis_name="c", subcore_axis_name="s")
    return pl.kernel(
        _sc_body,
        out_type=jax.ShapeDtypeStruct((B * H * W,), jnp.float32),
        mesh=mesh,
        scratch_types=[
            pltpu.VMEM((2, CHUNK), jnp.float32),
            pltpu.VMEM((2, CHUNK), jnp.float32),
            pltpu.VMEM((2, CHUNK * 4 // IDXROW, IDXROW), jnp.int32),
            pltpu.VMEM((2, CHUNK * 4), jnp.float32),
            pltpu.VMEM((ZBUF,), jnp.float32),
            pltpu.VMEM((ROWBUF,), jnp.float32),
            pltpu.VMEM((2, RB * W), jnp.float32),
            pltpu.VMEM_SHARED((RPAD * BATCHES_PER_CORE,), jnp.float32),
            pltpu.SemaphoreType.DMA,
            pltpu.SemaphoreType.DMA,
        ],
    )(gi_flat, gj_flat)


BCROWS = 128


def _bcast_body(b_ref, o_ref):
    o_ref[...] = jnp.broadcast_to(b_ref[...][:, None, :, :],
                                  (1, C, BCROWS, W))


@jax.jit
def _broadcast(b3):
    return pl.pallas_call(
        _bcast_body,
        grid=(B, H // BCROWS),
        in_specs=[pl.BlockSpec((1, BCROWS, W), lambda b, r: (b, r, 0))],
        out_specs=pl.BlockSpec((1, C, BCROWS, W), lambda b, r: (b, 0, r, 0)),
        out_shape=jax.ShapeDtypeStruct((B, C, H, W), jnp.float32),
    )(b3)


def kernel(x, inv_grid):
    del x
    gi = inv_grid[..., 0].reshape(-1)
    gj = inv_grid[..., 1].reshape(-1)
    b3 = _sc_scatter(gi, gj).reshape(B, H, W)
    return _broadcast(b3)

# --- scband reference (transcript-rebuilt; emitter-appended) ---
"""Pipeline reference for scband-inv-grid-sampler-denominator-3066606649874 (READ-ONLY COPY).

The authoritative reference and input builder live on the scoring server;
editing this copy changes nothing except your own understanding.
"""

import jax, jax.numpy as jnp
import numpy as np

BATCH = 4
C = 16
H = 512
W = 512


def setup_inputs(seed: int = 0) -> dict:
    key = jax.random.key(seed)
    k1, k2 = jax.random.split(key)
    x = jax.random.normal(k1, (BATCH, C, H, W), dtype=jnp.float32)
    # inv_grid values in [-1, 1] as in torch grid-sample convention
    inv_grid = jax.random.uniform(k2, (BATCH, H, W, 2), dtype=jnp.float32, minval=-1.0, maxval=1.0)
    return {"x": x, "inv_grid": inv_grid}


def reference(x, inv_grid):
    eps = 1e-10
    batch, n_channels, h_in, w_in = x.shape
    # OH, OW are None -> h = x.size(2), w = x.size(3)
    h, w = h_in, w_in
    g = (inv_grid + 1.0) / 2.0
    gi = g[..., 0] * h + 1.0
    gj = g[..., 1] * w + 1.0
    gi = jnp.clip(gi, 0.0, h + 1 - 2 * eps)
    gj = jnp.clip(gj, 0.0, w + 1 - 2 * eps)
    fi = gi.reshape(-1)
    fj = gj.reshape(-1)
    # torch .long() truncates toward zero; values are >= 0 here so floor is identical
    li = jnp.floor(fi).astype(jnp.int32)
    lj = jnp.floor(fj).astype(jnp.int32)
    inds_b = jnp.repeat(jnp.arange(batch, dtype=jnp.int32), h_in * w_in)
    acc = jnp.zeros((batch * (h + 3) * (w + 3),), dtype=jnp.float32)
    for di in range(2):
        oi = li + di
        wi = jax.nn.relu(1.0 - jnp.abs(fi - oi.astype(jnp.float32)))
        for dj in range(2):
            oj = lj + dj
            wgt = wi * jax.nn.relu(1.0 - jnp.abs(fj - oj.astype(jnp.float32)))
            flat = (inds_b * (h + 3) + oi) * (w + 3) + oj
            acc = acc.at[flat].add(wgt)
    B = acc.reshape(batch, h + 3, w + 3)
    B = B[:, 1:h + 1, 1:w + 1]
    # torch accumulates B_ch[:, None] into a (batch, C, h+3, w+3) buffer; equivalent to broadcast of the sum
    out = jnp.broadcast_to(B[:, None, :, :], (batch, n_channels, h, w))
    return out

if __name__ == "__main__":
    import jax
    _d = setup_inputs()
    print(jax.jit(kernel)(*tuple(_d.values())))

</pallas_src>

<mosaic_0001>
#map = affine_map<(d0, d1) -> (0)>
module attributes {stable_mosaic.version = 14 : i64} {
  func.func @_sc_body(%arg0: i32, %arg1: i32, %arg2: memref<1048576xf32, #tpu.memory_space<hbm>>, %arg3: memref<1048576xf32, #tpu.memory_space<hbm>>, %arg4: memref<1048576xf32, #tpu.memory_space<hbm>>, %arg5: memref<2x2048xf32, #tpu.memory_space<vmem>>, %arg6: memref<2x2048xf32, #tpu.memory_space<vmem>>, %arg7: memref<2x64x128xi32, #tpu.memory_space<vmem>>, %arg8: memref<2x8192xf32, #tpu.memory_space<vmem>>, %arg9: memref<16640xf32, #tpu.memory_space<vmem>>, %arg10: memref<4128xf32, #tpu.memory_space<vmem>>, %arg11: memref<2x4096xf32, #tpu.memory_space<vmem>>, %arg12: memref<532480xf32, #tpu.memory_space<vmem_shared>>, %arg13: memref<!tpu.dma_semaphore, #tpu.memory_space<semaphore_mem>>, %arg14: memref<!tpu.dma_semaphore, #tpu.memory_space<semaphore_mem>>) attributes {dimension_semantics = [#tpu.dimension_semantics<core_parallel>, #tpu.dimension_semantics<subcore_parallel>], iteration_bounds = array<i64: 2, 16>, scalar_prefetch = 0 : i64, scratch_operands = 10 : i64, tpu.core_type = #tpu.core_type<sc_vector_subcore>, window_params = [{transform_indices = #map}, {transform_indices = #map}, {transform_indices = #map}]} {
    %broadcast_in_dim3A = arith.constant 0.000000e+00 : f32
    %broadcast_in_dim3A_0 = vector.broadcast %broadcast_in_dim3A : f32 to vector<16xf32>
    %scan3A = arith.constant 0 : i32
    %scan3A_1 = arith.constant 0 : i32
    %scan3A_2 = arith.constant 1040 : i32
    %scan3A_3 = arith.addi %scan3A_1, %scan3A_2 : i32
    %scan3A_4 = arith.constant 8 : i32
    scf.for %scan3A_96 = %scan3A_1 to %scan3A_3 step %scan3A_4  : i32 {
      %mul3A_97 = arith.constant 16 : i32
      %mul3A_98 = arith.muli %scan3A_96, %mul3A_97 : i32
      %swap3A = arith.index_cast %mul3A_98 : i32 to index
      %swap3A_99 = tpu.vector_load %arg9[%swap3A] {strides = array<i32>} : memref<16640xf32, #tpu.memory_space<vmem>>, vector<16xf32>,
      %swap3A_100 = vector.shape_cast %swap3A_99 : vector<16xf32> to vector<16xf32>
      %swap3A_101 = vector.shape_cast %broadcast_in_dim3A_0 : vector<16xf32> to vector<16xf32>
      tpu.vector_store %arg9[%swap3A], %swap3A_101 {strides = array<i32>} : memref<16640xf32, #tpu.memory_space<vmem>>, vector<16xf32>,
      %scan3A_102 = arith.constant 1 : i32
      %scan3A_103 = arith.addi %scan3A_96, %scan3A_102 : i32
      %mul3A_104 = arith.constant 16 : i32
      %mul3A_105 = arith.muli %scan3A_103, %mul3A_104 : i32
      %swap3A_106 = arith.index_cast %mul3A_105 : i32 to index
      %swap3A_107 = tpu.vector_load %arg9[%swap3A_106] {strides = array<i32>} : memref<16640xf32, #tpu.memory_space<vmem>>, vector<16xf32>,
      %swap3A_108 = vector.shape_cast %swap3A_107 : vector<16xf32> to vector<16xf32>
      %swap3A_109 = vector.shape_cast %broadcast_in_dim3A_0 : vector<16xf32> to vector<16xf32>
      tpu.vector_store %arg9[%swap3A_106], %swap3A_109 {strides = array<i32>} : memref<16640xf32, #tpu.memory_space<vmem>>, vector<16xf32>,
      %scan3A_110 = arith.constant 2 : i32
      %scan3A_111 = arith.addi %scan3A_96, %scan3A_110 : i32
      %mul3A_112 = arith.constant 16 : i32
      %mul3A_113 = arith.muli %scan3A_111, %mul3A_112 : i32
      %swap3A_114 = arith.index_cast %mul3A_113 : i32 to index
      %swap3A_115 = tpu.vector_load %arg9[%swap3A_114] {strides = array<i32>} : memref<16640xf32, #tpu.memory_space<vmem>>, vector<16xf32>,
      %swap3A_116 = vector.shape_cast %swap3A_115 : vector<16xf32> to vector<16xf32>
      %swap3A_117 = vector.shape_cast %broadcast_in_dim3A_0 : vector<16xf32> to vector<16xf32>
      tpu.vector_store %arg9[%swap3A_114], %swap3A_117 {strides = array<i32>} : memref<16640xf32, #tpu.memory_space<vmem>>, vector<16xf32>,
      %scan3A_118 = arith.constant 3 : i32
      %scan3A_119 = arith.addi %scan3A_96, %scan3A_118 : i32
      %mul3A_120 = arith.constant 16 : i32
      %mul3A_121 = arith.muli %scan3A_119, %mul3A_120 : i32
      %swap3A_122 = arith.index_cast %mul3A_121 : i32 to index
      %swap3A_123 = tpu.vector_load %arg9[%swap3A_122] {strides = array<i32>} : memref<16640xf32, #tpu.memory_space<vmem>>, vector<16xf32>,
      %swap3A_124 = vector.shape_cast %swap3A_123 : vector<16xf32> to vector<16xf32>
      %swap3A_125 = vector.shape_cast %broadcast_in_dim3A_0 : vector<16xf32> to vector<16xf32>
      tpu.vector_store %arg9[%swap3A_122], %swap3A_125 {strides = array<i32>} : memref<16640xf32, #tpu.memory_space<vmem>>, vector<16xf32>,
      %scan3A_126 = arith.constant 4 : i32
      %scan3A_127 = arith.addi %scan3A_96, %scan3A_126 : i32
      %mul3A_128 = arith.constant 16 : i32
      %mul3A_129 = arith.muli %scan3A_127, %mul3A_128 : i32
      %swap3A_130 = arith.index_cast %mul3A_129 : i32 to index
      %swap3A_131 = tpu.vector_load %arg9[%swap3A_130] {strides = array<i32>} : memref<16640xf32, #tpu.memory_space<vmem>>, vector<16xf32>,
      %swap3A_132 = vector.shape_cast %swap3A_131 : vector<16xf32> to vector<16xf32>
      %swap3A_133 = vector.shape_cast %broadcast_in_dim3A_0 : vector<16xf32> to vector<16xf32>
      tpu.vector_store %arg9[%swap3A_130], %swap3A_133 {strides = array<i32>} : memref<16640xf32, #tpu.memory_space<vmem>>, vector<16xf32>,
      %scan3A_134 = arith.constant 5 : i32
      %scan3A_135 = arith.addi %scan3A_96, %scan3A_134 : i32
      %mul3A_136 = arith.constant 16 : i32
      %mul3A_137 = arith.muli %scan3A_135, %mul3A_136 : i32
      %swap3A_138 = arith.index_cast %mul3A_137 : i32 to index
      %swap3A_139 = tpu.vector_load %arg9[%swap3A_138] {strides = array<i32>} : memref<16640xf32, #tpu.memory_space<vmem>>, vector<16xf32>,
      %swap3A_140 = vector.shape_cast %swap3A_139 : vector<16xf32> to vector<16xf32>
      %swap3A_141 = vector.shape_cast %broadcast_in_dim3A_0 : vector<16xf32> to vector<16xf32>
      tpu.vector_store %arg9[%swap3A_138], %swap3A_141 {strides = array<i32>} : memref<16640xf32, #tpu.memory_space<vmem>>, vector<16xf32>,
      %scan3A_142 = arith.constant 6 : i32
      %scan3A_143 = arith.addi %scan3A_96, %scan3A_142 : i32
      %mul3A_144 = arith.constant 16 : i32
      %mul3A_145 = arith.muli %scan3A_143, %mul3A_144 : i32
      %swap3A_146 = arith.index_cast %mul3A_145 : i32 to index
      %swap3A_147 = tpu.vector_load %arg9[%swap3A_146] {strides = array<i32>} : memref<16640xf32, #tpu.memory_space<vmem>>, vector<16xf32>,
      %swap3A_148 = vector.shape_cast %swap3A_147 : vector<16xf32> to vector<16xf32>
      %swap3A_149 = vector.shape_cast %broadcast_in_dim3A_0 : vector<16xf32> to vector<16xf32>
      tpu.vector_store %arg9[%swap3A_146], %swap3A_149 {strides = array<i32>} : memref<16640xf32, #tpu.memory_space<vmem>>, vector<16xf32>,
      %scan3A_150 = arith.constant 7 : i32
      %scan3A_151 = arith.addi %scan3A_96, %scan3A_150 : i32
      %mul3A_152 = arith.constant 16 : i32
      %mul3A_153 = arith.muli %scan3A_151, %mul3A_152 : i32
      %swap3A_154 = arith.index_cast %mul3A_153 : i32 to index
      %swap3A_155 = tpu.vector_load %arg9[%swap3A_154] {strides = array<i32>} : memref<16640xf32, #tpu.memory_space<vmem>>, vector<16xf32>,
      %swap3A_156 = vector.shape_cast %swap3A_155 : vector<16xf32> to vector<16xf32>
      %swap3A_157 = vector.shape_cast %broadcast_in_dim3A_0 : vector<16xf32> to vector<16xf32>
      tpu.vector_store %arg9[%swap3A_154], %swap3A_157 {strides = array<i32>} : memref<16640xf32, #tpu.memory_space<vmem>>, vector<16xf32>,
    }
    %scan3A_5 = arith.constant 1040 : i32
    %mul3A = arith.constant 33280 : i32
    %mul3A_6 = arith.muli %arg1, %mul3A : i32
    %add3A = arith.constant 0 : i32
    %add3A_7 = arith.addi %mul3A_6, %add3A : i32
    "tpu.region"() ({
      %run_scoped3A = tpu.sem_alloc : memref<!tpu.dma_semaphore, #tpu.memory_space<semaphore_mem>>
      %dma_start3A_96 = tpu.memref_slice %arg12[%add3A_7] : memref<532480xf32, #tpu.memory_space<vmem_shared>> -> memref<16640xf32, #tpu.memory_space<vmem_shared>>
      %dma_start3A_97 = tpu.memref_slice %arg12[%add3A_7] : memref<532480xf32, #tpu.memory_space<vmem_shared>> -> memref<16640xf32, #tpu.memory_space<vmem_shared>>
      tpu.enqueue_dma source(%arg9 : memref<16640xf32, #tpu.memory_space<vmem>>) target(%dma_start3A_97 : memref<16640xf32, #tpu.memory_space<vmem_shared>>) target_semaphore(%run_scoped3A : memref<!tpu.dma_semaphore, #tpu.memory_space<semaphore_mem>>)
      %dma_wait3A_98 = tpu.memref_slice %arg12[%add3A_7] : memref<532480xf32, #tpu.memory_space<vmem_shared>> -> memref<16640xf32, #tpu.memory_space<vmem_shared>>
      %dma_wait3A_99 = tpu.memref_slice %arg12[%add3A_7] : memref<532480xf32, #tpu.memory_space<vmem_shared>> -> memref<16640xf32, #tpu.memory_space<vmem_shared>>
      tpu.wait_dma2 semaphore(%run_scoped3A : memref<!tpu.dma_semaphore, #tpu.memory_space<semaphore_mem>>) src(%arg9 : memref<16640xf32, #tpu.memory_space<vmem>>) dst(%dma_wait3A_99 : memref<16640xf32, #tpu.memory_space<vmem_shared>>)
      tpu.yield
    }) : () -> ()
    %mul3A_8 = arith.constant 33280 : i32
    %mul3A_9 = arith.muli %arg1, %mul3A_8 : i32
    %add3A_10 = arith.constant 16640 : i32
    %add3A_11 = arith.addi %mul3A_9, %add3A_10 : i32
    "tpu.region"() ({
      %run_scoped3A = tpu.sem_alloc : memref<!tpu.dma_semaphore, #tpu.memory_space<semaphore_mem>>
      %dma_start3A_96 = tpu.memref_slice %arg12[%add3A_11] : memref<532480xf32, #tpu.memory_space<vmem_shared>> -> memref<16640xf32, #tpu.memory_space<vmem_shared>>
      %dma_start3A_97 = tpu.memref_slice %arg12[%add3A_11] : memref<532480xf32, #tpu.memory_space<vmem_shared>> -> memref<16640xf32, #tpu.memory_space<vmem_shared>>
      tpu.enqueue_dma source(%arg9 : memref<16640xf32, #tpu.memory_space<vmem>>) target(%dma_start3A_97 : memref<16640xf32, #tpu.memory_space<vmem_shared>>) target_semaphore(%run_scoped3A : memref<!tpu.dma_semaphore, #tpu.memory_space<semaphore_mem>>)
      %dma_wait3A_98 = tpu.memref_slice %arg12[%add3A_11] : memref<532480xf32, #tpu.memory_space<vmem_shared>> -> memref<16640xf32, #tpu.memory_space<vmem_shared>>
      %dma_wait3A_99 = tpu.memref_slice %arg12[%add3A_11] : memref<532480xf32, #tpu.memory_space<vmem_shared>> -> memref<16640xf32, #tpu.memory_space<vmem_shared>>
      tpu.wait_dma2 semaphore(%run_scoped3A : memref<!tpu.dma_semaphore, #tpu.memory_space<semaphore_mem>>) src(%arg9 : memref<16640xf32, #tpu.memory_space<vmem>>) dst(%dma_wait3A_99 : memref<16640xf32, #tpu.memory_space<vmem_shared>>)
      tpu.yield
    }) : () -> ()
    %barrier3A = arith.constant 0 : index
    tpu.barrier barrier_id(%barrier3A)
    %mul3A_12 = arith.constant 2 : i32
    %mul3A_13 = arith.muli %mul3A_12, %arg0 : i32
    %add3A_14 = arith.constant 0 : i32
    %add3A_15 = arith.addi %mul3A_13, %add3A_14 : i32
    %mul3A_16 = arith.constant 262144 : i32
    %mul3A_17 = arith.muli %add3A_15, %mul3A_16 : i32
    %mul3A_18 = arith.constant 16384 : i32
    %mul3A_19 = arith.muli %arg1, %mul3A_18 : i32
    %add3A_20 = arith.addi %mul3A_17, %mul3A_19 : i32
    %add3A_21 = arith.constant 0 : i32
    %add3A_22 = arith.addi %add3A_20, %add3A_21 : i32
    %dma_start3A = arith.constant 0 : i32
    %dma_start3A_23 = arith.constant 0 : i32
    %dma_start3A_24 = tpu.memref_slice %arg5[%dma_start3A, %dma_start3A_23] : memref<2x2048xf32, #tpu.memory_space<vmem>> -> memref<1x2048xf32, #tpu.memory_space<vmem>>
    %dma_start3A_25 = tpu.memref_squeeze %dma_start3A_24 : memref<1x2048xf32, #tpu.memory_space<vmem>> -> memref<2048xf32, #tpu.memory_space<vmem>>
    %dma_start3A_26 = tpu.memref_slice %arg2[%add3A_22] : memref<1048576xf32, #tpu.memory_space<hbm>> -> memref<2048xf32, #tpu.memory_space<hbm>>
    %dma_start3A_27 = arith.constant 0 : i32
    %dma_start3A_28 = tpu.memref_slice %arg5[%dma_start3A, %dma_start3A_27] : memref<2x2048xf32, #tpu.memory_space<vmem>> -> memref<1x2048xf32, #tpu.memory_space<vmem>>
    %dma_start3A_29 = tpu.memref_squeeze %dma_start3A_28 : memref<1x2048xf32, #tpu.memory_space<vmem>> -> memref<2048xf32, #tpu.memory_space<vmem>>
    %dma_start3A_30 = tpu.memref_slice %arg2[%add3A_22] : memref<1048576xf32, #tpu.memory_space<hbm>> -> memref<2048xf32, #tpu.memory_space<hbm>>
    tpu.enqueue_dma source(%dma_start3A_30 : memref<2048xf32, #tpu.memory_space<hbm>>) target(%dma_start3A_29 : memref<2048xf32, #tpu.memory_space<vmem>>) target_semaphore(%arg13 : memref<!tpu.dma_semaphore, #tpu.memory_space<semaphore_mem>>)
    %dma_start3A_31 = arith.constant 0 : i32
    %dma_start3A_32 = arith.constant 0 : i32
    %dma_start3A_33 = tpu.memref_slice %arg6[%dma_start3A_31, %dma_start3A_32] : memref<2x2048xf32, #tpu.memory_space<vmem>> -> memref<1x2048xf32, #tpu.memory_space<vmem>>
    %dma_start3A_34 = tpu.memref_squeeze %dma_start3A_33 : memref<1x2048xf32, #tpu.memory_space<vmem>> -> memref<2048xf32, #tpu.memory_space<vmem>>
    %dma_start3A_35 = tpu.memref_slice %arg3[%add3A_22] : memref<1048576xf32, #tpu.memory_space<hbm>> -> memref<2048xf32, #tpu.memory_space<hbm>>
    %dma_start3A_36 = arith.constant 0 : i32
    %dma_start3A_37 = tpu.memref_slice %arg6[%dma_start3A_31, %dma_start3A_36] : memref<2x2048xf32, #tpu.memory_space<vmem>> -> memref<1x2048xf32, #tpu.memory_space<vmem>>
    %dma_start3A_38 = tpu.memref_squeeze %dma_start3A_37 : memref<1x2048xf32, #tpu.memory_space<vmem>> -> memref<2048xf32, #tpu.memory_space<vmem>>
    %dma_start3A_39 = tpu.memref_slice %arg3[%add3A_22] : memref<1048576xf32, #tpu.memory_space<hbm>> -> memref<2048xf32, #tpu.memory_space<hbm>>
    tpu.enqueue_dma source(%dma_start3A_39 : memref<2048xf32, #tpu.memory_space<hbm>>) target(%dma_start3A_38 : memref<2048xf32, #tpu.memory_space<vmem>>) target_semaphore(%arg13 : memref<!tpu.dma_semaphore, #tpu.memory_space<semaphore_mem>>)
    %scan3A_40 = arith.constant 0 : i32
    %scan3A_41 = arith.constant 0 : i32
    %scan3A_42 = arith.constant 16 : i32
    %scan3A_43 = arith.addi %scan3A_41, %scan3A_42 : i32
    %scan3A_44 = arith.constant 1 : i32
    scf.for %scan3A_96 = %scan3A_41 to %scan3A_43 step %scan3A_44  : i32 {
      %jit3A = arith.constant 2 : i32
      %eq3A = arith.constant 0 : i32
      %eq3A_97 = arith.cmpi eq, %jit3A, %eq3A : i32
      %jit3A_98 = arith.constant 1 : i32
      %select_n3A = arith.select %eq3A_97, %jit3A_98, %jit3A : i32
      %rem3A = arith.remsi %scan3A_96, %select_n3A : i32
      %ne3A = arith.constant 0 : i32
      %ne3A_99 = arith.cmpi ne, %rem3A, %ne3A : i32
      %lt3A = arith.constant 0 : i32
      %lt3A_100 = arith.cmpi slt, %rem3A, %lt3A : i32
      %lt3A_101 = arith.constant 0 : i32
      %lt3A_102 = arith.cmpi slt, %select_n3A, %lt3A_101 : i32
      %ne3A_103 = arith.xori %lt3A_100, %lt3A_102 : i1
      %and3A = arith.andi %ne3A_103, %ne3A_99 : i1
      %add3A_104 = arith.addi %rem3A, %select_n3A : i32
      %select_n3A_105 = arith.select %and3A, %add3A_104, %rem3A : i32
      %add3A_106 = arith.constant 1 : i32
      %add3A_107 = arith.addi %scan3A_96, %add3A_106 : i32
      %lt3A_108 = arith.constant 16 : i32
      %lt3A_109 = arith.cmpi slt, %add3A_107, %lt3A_108 : i32
      %convert_element_type3A = arith.extui %lt3A_109 : i1 to i32
      %cond3A = arith.constant 0 : i32
      %cond3A_110 = arith.cmpi ne, %convert_element_type3A, %cond3A : i32
      scf.if %cond3A_110 {
        %add3A_202 = arith.constant 1 : i32
        %add3A_203 = arith.addi %scan3A_96, %add3A_202 : i32
        %jit3A_204 = arith.constant 8 : i32
        %div3A_205 = arith.divsi %add3A_203, %jit3A_204 : i32
        %sign3A_206 = arith.constant 0 : i32
        %sign3A_207 = arith.cmpi sgt, %add3A_203, %sign3A_206 : i32
        %sign3A_208 = arith.extui %sign3A_207 : i1 to i32
        %sign3A_209 = arith.constant 0 : i32
        %sign3A_210 = arith.cmpi slt, %add3A_203, %sign3A_209 : i32
        %sign3A_211 = arith.extui %sign3A_210 : i1 to i32
        %sign3A_212 = arith.subi %sign3A_208, %sign3A_211 : i32
        %sign3A_213 = arith.constant 0 : i32
        %sign3A_214 = arith.cmpi sgt, %jit3A_204, %sign3A_213 : i32
        %sign3A_215 = arith.extui %sign3A_214 : i1 to i32
        %sign3A_216 = arith.constant 0 : i32
        %sign3A_217 = arith.cmpi slt, %jit3A_204, %sign3A_216 : i32
        %sign3A_218 = arith.extui %sign3A_217 : i1 to i32
        %sign3A_219 = arith.subi %sign3A_215, %sign3A_218 : i32
        %ne3A_220 = arith.cmpi ne, %sign3A_212, %sign3A_219 : i32
        %rem3A_221 = arith.remsi %add3A_203, %jit3A_204 : i32
        %ne3A_222 = arith.constant 0 : i32
        %ne3A_223 = arith.cmpi ne, %rem3A_221, %ne3A_222 : i32
        %and3A_224 = arith.andi %ne3A_220, %ne3A_223 : i1
        %sub3A_225 = arith.constant 1 : i32
        %sub3A_226 = arith.subi %div3A_205, %sub3A_225 : i32
        %select_n3A_227 = arith.select %and3A_224, %sub3A_226, %div3A_205 : i32
        %mul3A_228 = arith.constant 2 : i32
        %mul3A_229 = arith.muli %mul3A_228, %arg0 : i32
        %add3A_230 = arith.addi %mul3A_229, %select_n3A_227 : i32
        %mul3A_231 = arith.constant 262144 : i32
        %mul3A_232 = arith.muli %add3A_230, %mul3A_231 : i32
        %mul3A_233 = arith.constant 16384 : i32
        %mul3A_234 = arith.muli %arg1, %mul3A_233 : i32
        %add3A_235 = arith.addi %mul3A_232, %mul3A_234 : i32
        %jit3A_236 = arith.constant 8 : i32
        %eq3A_237 = arith.constant 0 : i32
        %eq3A_238 = arith.cmpi eq, %jit3A_236, %eq3A_237 : i32
        %jit3A_239 = arith.constant 1 : i32
        %select_n3A_240 = arith.select %eq3A_238, %jit3A_239, %jit3A_236 : i32
        %rem3A_241 = arith.remsi %add3A_203, %select_n3A_240 : i32
        %ne3A_242 = arith.constant 0 : i32
        %ne3A_243 = arith.cmpi ne, %rem3A_241, %ne3A_242 : i32
        %lt3A_244 = arith.constant 0 : i32
        %lt3A_245 = arith.cmpi slt, %rem3A_241, %lt3A_244 : i32
        %lt3A_246 = arith.constant 0 : i32
        %lt3A_247 = arith.cmpi slt, %select_n3A_240, %lt3A_246 : i32
        %ne3A_248 = arith.xori %lt3A_245, %lt3A_247 : i1
        %and3A_249 = arith.andi %ne3A_248, %ne3A_243 : i1
        %add3A_250 = arith.addi %rem3A_241, %select_n3A_240 : i32
        %select_n3A_251 = arith.select %and3A_249, %add3A_250, %rem3A_241 : i32
        %mul3A_252 = arith.constant 2048 : i32
        %mul3A_253 = arith.muli %select_n3A_251, %mul3A_252 : i32
        %add3A_254 = arith.addi %add3A_235, %mul3A_253 : i32
        %jit3A_255 = arith.constant 2 : i32
        %eq3A_256 = arith.constant 0 : i32
        %eq3A_257 = arith.cmpi eq, %jit3A_255, %eq3A_256 : i32
        %jit3A_258 = arith.constant 1 : i32
        %select_n3A_259 = arith.select %eq3A_257, %jit3A_258, %jit3A_255 : i32
        %rem3A_260 = arith.remsi %add3A_203, %select_n3A_259 : i32
        %ne3A_261 = arith.constant 0 : i32
        %ne3A_262 = arith.cmpi ne, %rem3A_260, %ne3A_261 : i32
        %lt3A_263 = arith.constant 0 : i32
        %lt3A_264 = arith.cmpi slt, %rem3A_260, %lt3A_263 : i32
        %lt3A_265 = arith.constant 0 : i32
        %lt3A_266 = arith.cmpi slt, %select_n3A_259, %lt3A_265 : i32
        %ne3A_267 = arith.xori %lt3A_264, %lt3A_266 : i1
        %and3A_268 = arith.andi %ne3A_267, %ne3A_262 : i1
        %add3A_269 = arith.addi %rem3A_260, %select_n3A_259 : i32
        %select_n3A_270 = arith.select %and3A_268, %add3A_269, %rem3A_260 : i32
        %dma_start3A_271 = arith.constant 0 : i32
        %dma_start3A_272 = tpu.memref_slice %arg5[%select_n3A_270, %dma_start3A_271] : memref<2x2048xf32, #tpu.memory_space<vmem>> -> memref<1x2048xf32, #tpu.memory_space<vmem>>
        %dma_start3A_273 = tpu.memref_squeeze %dma_start3A_272 : memref<1x2048xf32, #tpu.memory_space<vmem>> -> memref<2048xf32, #tpu.memory_space<vmem>>
        %dma_start3A_274 = tpu.memref_slice %arg2[%add3A_254] : memref<1048576xf32, #tpu.memory_space<hbm>> -> memref<2048xf32, #tpu.memory_space<hbm>>
        %dma_start3A_275 = arith.constant 0 : i32
        %dma_start3A_276 = tpu.memref_slice %arg5[%select_n3A_270, %dma_start3A_275] : memref<2x2048xf32, #tpu.memory_space<vmem>> -> memref<1x2048xf32, #tpu.memory_space<vmem>>
        %dma_start3A_277 = tpu.memref_squeeze %dma_start3A_276 : memref<1x2048xf32, #tpu.memory_space<vmem>> -> memref<2048xf32, #tpu.memory_space<vmem>>
        %dma_start3A_278 = tpu.memref_slice %arg2[%add3A_254] : memref<1048576xf32, #tpu.memory_space<hbm>> -> memref<2048xf32, #tpu.memory_space<hbm>>
        tpu.enqueue_dma source(%dma_start3A_278 : memref<2048xf32, #tpu.memory_space<hbm>>) target(%dma_start3A_277 : memref<2048xf32, #tpu.memory_space<vmem>>) target_semaphore(%arg13 : memref<!tpu.dma_semaphore, #tpu.memory_space<semaphore_mem>>)
        %dma_start3A_279 = arith.constant 0 : i32
        %dma_start3A_280 = tpu.memref_slice %arg6[%select_n3A_270, %dma_start3A_279] : memref<2x2048xf32, #tpu.memory_space<vmem>> -> memref<1x2048xf32, #tpu.memory_space<vmem>>
        %dma_start3A_281 = tpu.memref_squeeze %dma_start3A_280 : memref<1x2048xf32, #tpu.memory_space<vmem>> -> memref<2048xf32, #tpu.memory_space<vmem>>
        %dma_start3A_282 = tpu.memref_slice %arg3[%add3A_254] : memref<1048576xf32, #tpu.memory_space<hbm>> -> memref<2048xf32, #tpu.memory_space<hbm>>
        %dma_start3A_283 = arith.constant 0 : i32
        %dma_start3A_284 = tpu.memref_slice %arg6[%select_n3A_270, %dma_start3A_283] : memref<2x2048xf32, #tpu.memory_space<vmem>> -> memref<1x2048xf32, #tpu.memory_space<vmem>>
        %dma_start3A_285 = tpu.memref_squeeze %dma_start3A_284 : memref<1x2048xf32, #tpu.memory_space<vmem>> -> memref<2048xf32, #tpu.memory_space<vmem>>
        %dma_start3A_286 = tpu.memref_slice %arg3[%add3A_254] : memref<1048576xf32, #tpu.memory_space<hbm>> -> memref<2048xf32, #tpu.memory_space<hbm>>
        tpu.enqueue_dma source(%dma_start3A_286 : memref<2048xf32, #tpu.memory_space<hbm>>) target(%dma_start3A_285 : memref<2048xf32, #tpu.memory_space<vmem>>) target_semaphore(%arg13 : memref<!tpu.dma_semaphore, #tpu.memory_space<semaphore_mem>>)
      } else {
      }
      %dma_wait3A_111 = arith.constant 0 : i32
      %dma_wait3A_112 = tpu.memref_slice %arg5[%select_n3A_105, %dma_wait3A_111] : memref<2x2048xf32, #tpu.memory_space<vmem>> -> memref<1x2048xf32, #tpu.memory_space<vmem>>
      %dma_wait3A_113 = tpu.memref_squeeze %dma_wait3A_112 : memref<1x2048xf32, #tpu.memory_space<vmem>> -> memref<2048xf32, #tpu.memory_space<vmem>>
      %dma_wait3A_114 = arith.constant 0 : i32
      %dma_wait3A_115 = tpu.memref_slice %arg2[%dma_wait3A_114] : memref<1048576xf32, #tpu.memory_space<hbm>> -> memref<2048xf32, #tpu.memory_space<hbm>>
      %dma_wait3A_116 = arith.constant 0 : i32
      %dma_wait3A_117 = tpu.memref_slice %arg5[%select_n3A_105, %dma_wait3A_116] : memref<2x2048xf32, #tpu.memory_space<vmem>> -> memref<1x2048xf32, #tpu.memory_space<vmem>>
      %dma_wait3A_118 = tpu.memref_squeeze %dma_wait3A_117 : memref<1x2048xf32, #tpu.memory_space<vmem>> -> memref<2048xf32, #tpu.memory_space<vmem>>
      %dma_wait3A_119 = arith.constant 0 : i32
      %dma_wait3A_120 = tpu.memref_slice %arg2[%dma_wait3A_119] : memref<1048576xf32, #tpu.memory_space<hbm>> -> memref<2048xf32, #tpu.memory_space<hbm>>
      tpu.wait_dma2 semaphore(%arg13 : memref<!tpu.dma_semaphore, #tpu.memory_space<semaphore_mem>>) src(%dma_wait3A_120 : memref<2048xf32, #tpu.memory_space<hbm>>) dst(%dma_wait3A_118 : memref<2048xf32, #tpu.memory_space<vmem>>)
      %dma_wait3A_121 = arith.constant 0 : i32
      %dma_wait3A_122 = tpu.memref_slice %arg6[%select_n3A_105, %dma_wait3A_121] : memref<2x2048xf32, #tpu.memory_space<vmem>> -> memref<1x2048xf32, #tpu.memory_space<vmem>>
      %dma_wait3A_123 = tpu.memref_squeeze %dma_wait3A_122 : memref<1x2048xf32, #tpu.memory_space<vmem>> -> memref<2048xf32, #tpu.memory_space<vmem>>
      %dma_wait3A_124 = arith.constant 0 : i32
      %dma_wait3A_125 = tpu.memref_slice %arg3[%dma_wait3A_124] : memref<1048576xf32, #tpu.memory_space<hbm>> -> memref<2048xf32, #tpu.memory_space<hbm>>
      %dma_wait3A_126 = arith.constant 0 : i32
      %dma_wait3A_127 = tpu.memref_slice %arg6[%select_n3A_105, %dma_wait3A_126] : memref<2x2048xf32, #tpu.memory_space<vmem>> -> memref<1x2048xf32, #tpu.memory_space<vmem>>
      %dma_wait3A_128 = tpu.memref_squeeze %dma_wait3A_127 : memref<1x2048xf32, #tpu.memory_space<vmem>> -> memref<2048xf32, #tpu.memory_space<vmem>>
      %dma_wait3A_129 = arith.constant 0 : i32
      %dma_wait3A_130 = tpu.memref_slice %arg3[%dma_wait3A_129] : memref<1048576xf32, #tpu.memory_space<hbm>> -> memref<2048xf32, #tpu.memory_space<hbm>>
      tpu.wait_dma2 semaphore(%arg13 : memref<!tpu.dma_semaphore, #tpu.memory_space<semaphore_mem>>) src(%dma_wait3A_130 : memref<2048xf32, #tpu.memory_space<hbm>>) dst(%dma_wait3A_128 : memref<2048xf32, #tpu.memory_space<vmem>>)
      %ge3A = arith.constant 2 : i32
      %ge3A_131 = arith.cmpi sge, %scan3A_96, %ge3A : i32
      %convert_element_type3A_132 = arith.extui %ge3A_131 : i1 to i32
      %cond3A_133 = arith.constant 0 : i32
      %cond3A_134 = arith.cmpi ne, %convert_element_type3A_132, %cond3A_133 : i32
      scf.if %cond3A_134 {
        %dma_wait3A_202 = arith.constant 0 : i32
        %dma_wait3A_203 = tpu.memref_slice %arg8[%select_n3A_105, %dma_wait3A_202] : memref<2x8192xf32, #tpu.memory_space<vmem>> -> memref<1x8192xf32, #tpu.memory_space<vmem>>
        %dma_wait3A_204 = tpu.memref_squeeze %dma_wait3A_203 : memref<1x8192xf32, #tpu.memory_space<vmem>> -> memref<8192xf32, #tpu.memory_space<vmem>>
        %dma_wait3A_205 = arith.constant 0 : i32
        %dma_wait3A_206 = tpu.memref_slice %arg2[%dma_wait3A_205] : memref<1048576xf32, #tpu.memory_space<hbm>> -> memref<8192xf32, #tpu.memory_space<hbm>>
        %dma_wait3A_207 = arith.constant 0 : i32
        %dma_wait3A_208 = tpu.memref_slice %arg8[%select_n3A_105, %dma_wait3A_207] : memref<2x8192xf32, #tpu.memory_space<vmem>> -> memref<1x8192xf32, #tpu.memory_space<vmem>>
        %dma_wait3A_209 = tpu.memref_squeeze %dma_wait3A_208 : memref<1x8192xf32, #tpu.memory_space<vmem>> -> memref<8192xf32, #tpu.memory_space<vmem>>
        %dma_wait3A_210 = arith.constant 0 : i32
        %dma_wait3A_211 = tpu.memref_slice %arg2[%dma_wait3A_210] : memref<1048576xf32, #tpu.memory_space<hbm>> -> memref<8192xf32, #tpu.memory_space<hbm>>
        tpu.wait_dma2 semaphore(%arg14 : memref<!tpu.dma_semaphore, #tpu.memory_space<semaphore_mem>>) src(%dma_wait3A_211 : memref<8192xf32, #tpu.memory_space<hbm>>) dst(%dma_wait3A_209 : memref<8192xf32, #tpu.memory_space<vmem>>)
      } else {
      }
      %jit3A_135 = arith.constant 2 : i32
      %eq3A_136 = arith.constant 0 : i32
      %eq3A_137 = arith.cmpi eq, %jit3A_135, %eq3A_136 : i32
      %jit3A_138 = arith.constant 1 : i32
      %select_n3A_139 = arith.select %eq3A_137, %jit3A_138, %jit3A_135 : i32
      %rem3A_140 = arith.remsi %scan3A_96, %select_n3A_139 : i32
      %ne3A_141 = arith.constant 0 : i32
      %ne3A_142 = arith.cmpi ne, %rem3A_140, %ne3A_141 : i32
      %lt3A_143 = arith.constant 0 : i32
      %lt3A_144 = arith.cmpi slt, %rem3A_140, %lt3A_143 : i32
      %lt3A_145 = arith.constant 0 : i32
      %lt3A_146 = arith.cmpi slt, %select_n3A_139, %lt3A_145 : i32
      %ne3A_147 = arith.xori %lt3A_144, %lt3A_146 : i1
      %and3A_148 = arith.andi %ne3A_147, %ne3A_142 : i1
      %add3A_149 = arith.addi %rem3A_140, %select_n3A_139 : i32
      %select_n3A_150 = arith.select %and3A_148, %add3A_149, %rem3A_140 : i32
      %jit3A_151 = arith.constant 8 : i32
      %div3A = arith.divsi %scan3A_96, %jit3A_151 : i32
      %sign3A = arith.constant 0 : i32
      %sign3A_152 = arith.cmpi sgt, %scan3A_96, %sign3A : i32
      %sign3A_153 = arith.extui %sign3A_152 : i1 to i32
      %sign3A_154 = arith.constant 0 : i32
      %sign3A_155 = arith.cmpi slt, %scan3A_96, %sign3A_154 : i32
      %sign3A_156 = arith.extui %sign3A_155 : i1 to i32
      %sign3A_157 = arith.subi %sign3A_153, %sign3A_156 : i32
      %sign3A_158 = arith.constant 0 : i32
      %sign3A_159 = arith.cmpi sgt, %jit3A_151, %sign3A_158 : i32
      %sign3A_160 = arith.extui %sign3A_159 : i1 to i32
      %sign3A_161 = arith.constant 0 : i32
      %sign3A_162 = arith.cmpi slt, %jit3A_151, %sign3A_161 : i32
      %sign3A_163 = arith.extui %sign3A_162 : i1 to i32
      %sign3A_164 = arith.subi %sign3A_160, %sign3A_163 : i32
      %ne3A_165 = arith.cmpi ne, %sign3A_157, %sign3A_164 : i32
      %rem3A_166 = arith.remsi %scan3A_96, %jit3A_151 : i32
      %ne3A_167 = arith.constant 0 : i32
      %ne3A_168 = arith.cmpi ne, %rem3A_166, %ne3A_167 : i32
      %and3A_169 = arith.andi %ne3A_165, %ne3A_168 : i1
      %sub3A = arith.constant 1 : i32
      %sub3A_170 = arith.subi %div3A, %sub3A : i32
      %select_n3A_171 = arith.select %and3A_169, %sub3A_170, %div3A : i32
      %mul3A_172 = arith.constant 266240 : i32
      %mul3A_173 = arith.muli %select_n3A_171, %mul3A_172 : i32
      %scan3A_174 = arith.constant 0 : i32
      %scan3A_175 = arith.constant 0 : i32
      %scan3A_176 = arith.constant 128 : i32
      %scan3A_177 = arith.addi %scan3A_175, %scan3A_176 : i32
      %scan3A_178 = arith.constant 8 : i32
      scf.for %scan3A_202 = %scan3A_175 to %scan3A_177 step %scan3A_178  : i32 {
        %mul3A_203 = arith.constant 16 : i32
        %mul3A_204 = arith.muli %scan3A_202, %mul3A_203 : i32
        %get3A = arith.index_cast %select_n3A_150 : i32 to index
        %get3A_205 = arith.index_cast %mul3A_204 : i32 to index
        %get3A_206 = tpu.vector_load %arg5[%get3A, %get3A_205] {strides = array<i32>} : memref<2x2048xf32, #tpu.memory_space<vmem>>, vector<1x16xf32>,
        %get3A_207 = vector.shape_cast %get3A_206 : vector<1x16xf32> to vector<16xf32>
        %mul3A_208 = arith.constant 16 : i32
        %mul3A_209 = arith.muli %scan3A_202, %mul3A_208 : i32
        %get3A_210 = arith.index_cast %select_n3A_150 : i32 to index
        %get3A_211 = arith.index_cast %mul3A_209 : i32 to index
        %get3A_212 = tpu.vector_load %arg6[%get3A_210, %get3A_211] {strides = array<i32>} : memref<2x2048xf32, #tpu.memory_space<vmem>>, vector<1x16xf32>,
        %get3A_213 = vector.shape_cast %get3A_212 : vector<1x16xf32> to vector<16xf32>
        %mul3A_214 = arith.constant 2.560000e+02 : f32
        %mul3A_215 = vector.broadcast %mul3A_214 : f32 to vector<16xf32>
        %mul3A_216 = arith.mulf %get3A_207, %mul3A_215 : vector<16xf32>
        %add3A_217 = arith.constant 2.570000e+02 : f32
        %add3A_218 = vector.broadcast %add3A_217 : f32 to vector<16xf32>
        %add3A_219 = arith.addf %mul3A_216, %add3A_218 : vector<16xf32>
        %mul3A_220 = arith.constant 2.560000e+02 : f32
        %mul3A_221 = vector.broadcast %mul3A_220 : f32 to vector<16xf32>
        %mul3A_222 = arith.mulf %get3A_213, %mul3A_221 : vector<16xf32>
        %add3A_223 = arith.constant 2.570000e+02 : f32
        %add3A_224 = vector.broadcast %add3A_223 : f32 to vector<16xf32>
        %add3A_225 = arith.addf %mul3A_222, %add3A_224 : vector<16xf32>
        %max3A = arith.constant 0.000000e+00 : f32
        %max3A_226 = vector.broadcast %max3A : f32 to vector<16xf32>
        %max3A_227 = arith.maximumf %add3A_219, %max3A_226 : vector<16xf32>
        %min3A = arith.constant 5.130000e+02 : f32
        %min3A_228 = vector.broadcast %min3A : f32 to vector<16xf32>
        %min3A_229 = arith.minimumf %max3A_227, %min3A_228 : vector<16xf32>
        %max3A_230 = arith.constant 0.000000e+00 : f32
        %max3A_231 = vector.broadcast %max3A_230 : f32 to vector<16xf32>
        %max3A_232 = arith.maximumf %add3A_225, %max3A_231 : vector<16xf32>
        %min3A_233 = arith.constant 5.130000e+02 : f32
        %min3A_234 = vector.broadcast %min3A_233 : f32 to vector<16xf32>
        %min3A_235 = arith.minimumf %max3A_232, %min3A_234 : vector<16xf32>
        %convert_element_type3A_236 = arith.fptosi %min3A_229 : vector<16xf32> to vector<16xi32>
        %convert_element_type3A_237 = arith.fptosi %min3A_235 : vector<16xf32> to vector<16xi32>
        %convert_element_type3A_238 = arith.sitofp %convert_element_type3A_236 : vector<16xi32> to vector<16xf32>
        %sub3A_239 = arith.subf %min3A_229, %convert_element_type3A_238 : vector<16xf32>
        %convert_element_type3A_240 = arith.sitofp %convert_element_type3A_237 : vector<16xi32> to vector<16xf32>
        %sub3A_241 = arith.subf %min3A_235, %convert_element_type3A_240 : vector<16xf32>
        %sub3A_242 = arith.constant 1.000000e+00 : f32
        %sub3A_243 = vector.broadcast %sub3A_242 : f32 to vector<16xf32>
        %sub3A_244 = arith.subf %sub3A_243, %sub3A_239 : vector<16xf32>
        %sub3A_245 = arith.constant 1.000000e+00 : f32
        %sub3A_246 = vector.broadcast %sub3A_245 : f32 to vector<16xf32>
        %sub3A_247 = arith.subf %sub3A_246, %sub3A_241 : vector<16xf32>
        %mul3A_248 = arith.constant 515 : i32
        %mul3A_249 = vector.broadcast %mul3A_248 : i32 to vector<16xi32>
        %mul3A_250 = arith.muli %convert_element_type3A_236, %mul3A_249 : vector<16xi32>
        %add3A_251 = vector.broadcast %mul3A_173 : i32 to vector<16xi32>
        %add3A_252 = arith.addi %add3A_251, %mul3A_250 : vector<16xi32>
        %add3A_253 = arith.addi %add3A_252, %convert_element_type3A_237 : vector<16xi32>
        %jit3A_254 = arith.constant 8 : i32
        %div3A_255 = arith.divsi %scan3A_202, %jit3A_254 : i32
        %sign3A_256 = arith.constant 0 : i32
        %sign3A_257 = arith.cmpi sgt, %scan3A_202, %sign3A_256 : i32
        %sign3A_258 = arith.extui %sign3A_257 : i1 to i32
        %sign3A_259 = arith.constant 0 : i32
        %sign3A_260 = arith.cmpi slt, %scan3A_202, %sign3A_259 : i32
        %sign3A_261 = arith.extui %sign3A_260 : i1 to i32
        %sign3A_262 = arith.subi %sign3A_258, %sign3A_261 : i32
        %sign3A_263 = arith.constant 0 : i32
        %sign3A_264 = arith.cmpi sgt, %jit3A_254, %sign3A_263 : i32
        %sign3A_265 = arith.extui %sign3A_264 : i1 to i32
        %sign3A_266 = arith.constant 0 : i32
        %sign3A_267 = arith.cmpi slt, %jit3A_254, %sign3A_266 : i32
        %sign3A_268 = arith.extui %sign3A_267 : i1 to i32
        %sign3A_269 = arith.subi %sign3A_265, %sign3A_268 : i32
        %ne3A_270 = arith.cmpi ne, %sign3A_262, %sign3A_269 : i32
        %rem3A_271 = arith.remsi %scan3A_202, %jit3A_254 : i32
        %ne3A_272 = arith.constant 0 : i32
        %ne3A_273 = arith.cmpi ne, %rem3A_271, %ne3A_272 : i32
        %and3A_274 = arith.andi %ne3A_270, %ne3A_273 : i1
        %sub3A_275 = arith.constant 1 : i32
        %sub3A_276 = arith.subi %div3A_255, %sub3A_275 : i32
        %select_n3A_277 = arith.select %and3A_274, %sub3A_276, %div3A_255 : i32
        %mul3A_278 = arith.constant 16 : i32
        %mul3A_279 = arith.muli %scan3A_202, %mul3A_278 : i32
        %jit3A_280 = arith.constant 128 : i32
        %eq3A_281 = arith.constant 0 : i32
        %eq3A_282 = arith.cmpi eq, %jit3A_280, %eq3A_281 : i32
        %jit3A_283 = arith.constant 1 : i32
        %select_n3A_284 = arith.select %eq3A_282, %jit3A_283, %jit3A_280 : i32
        %rem3A_285 = arith.remsi %mul3A_279, %select_n3A_284 : i32
        %ne3A_286 = arith.constant 0 : i32
        %ne3A_287 = arith.cmpi ne, %rem3A_285, %ne3A_286 : i32
        %lt3A_288 = arith.constant 0 : i32
        %lt3A_289 = arith.cmpi slt, %rem3A_285, %lt3A_288 : i32
        %lt3A_290 = arith.constant 0 : i32
        %lt3A_291 = arith.cmpi slt, %select_n3A_284, %lt3A_290 : i32
        %ne3A_292 = arith.xori %lt3A_289, %lt3A_291 : i1
        %and3A_293 = arith.andi %ne3A_292, %ne3A_287 : i1
        %add3A_294 = arith.addi %rem3A_285, %select_n3A_284 : i32
        %select_n3A_295 = arith.select %and3A_293, %add3A_294, %rem3A_285 : i32
        %add3A_296 = arith.constant 0 : i32
        %add3A_297 = arith.addi %add3A_296, %select_n3A_277 : i32
        %swap3A = arith.index_cast %select_n3A_150 : i32 to index
        %swap3A_298 = arith.index_cast %add3A_297 : i32 to index
        %swap3A_299 = arith.index_cast %select_n3A_295 : i32 to index
        %swap3A_300 = tpu.vector_load %arg7[%swap3A, %swap3A_298, %swap3A_299] {strides = array<i32>} : memref<2x64x128xi32, #tpu.memory_space<vmem>>, vector<1x1x16xi32>,
        %swap3A_301 = vector.shape_cast %swap3A_300 : vector<1x1x16xi32> to vector<16xi32>
        %swap3A_302 = vector.shape_cast %add3A_253 : vector<16xi32> to vector<1x1x16xi32>
        tpu.vector_store %arg7[%swap3A, %swap3A_298, %swap3A_299], %swap3A_302 {strides = array<i32>} : memref<2x64x128xi32, #tpu.memory_space<vmem>>, vector<1x1x16xi32>,
        %add3A_303 = arith.constant 1 : i32
        %add3A_304 = vector.broadcast %add3A_303 : i32 to vector<16xi32>
        %add3A_305 = arith.addi %add3A_253, %add3A_304 : vector<16xi32>
        %add3A_306 = arith.constant 16 : i32
        %add3A_307 = arith.addi %add3A_306, %select_n3A_277 : i32
        %swap3A_308 = arith.index_cast %select_n3A_150 : i32 to index
        %swap3A_309 = arith.index_cast %add3A_307 : i32 to index
        %swap3A_310 = arith.index_cast %select_n3A_295 : i32 to index
        %swap3A_311 = tpu.vector_load %arg7[%swap3A_308, %swap3A_309, %swap3A_310] {strides = array<i32>} : memref<2x64x128xi32, #tpu.memory_space<vmem>>, vector<1x1x16xi32>,
        %swap3A_312 = vector.shape_cast %swap3A_311 : vector<1x1x16xi32> to vector<16xi32>
        %swap3A_313 = vector.shape_cast %add3A_305 : vector<16xi32> to vector<1x1x16xi32>
        tpu.vector_store %arg7[%swap3A_308, %swap3A_309, %swap3A_310], %swap3A_313 {strides = array<i32>} : memref<2x64x128xi32, #tpu.memory_space<vmem>>, vector<1x1x16xi32>,
        %add3A_314 = arith.constant 515 : i32
        %add3A_315 = vector.broadcast %add3A_314 : i32 to vector<16xi32>
        %add3A_316 = arith.addi %add3A_253, %add3A_315 : vector<16xi32>
        %add3A_317 = arith.constant 32 : i32
        %add3A_318 = arith.addi %add3A_317, %select_n3A_277 : i32
        %swap3A_319 = arith.index_cast %select_n3A_150 : i32 to index
        %swap3A_320 = arith.index_cast %add3A_318 : i32 to index
        %swap3A_321 = arith.index_cast %select_n3A_295 : i32 to index
        %swap3A_322 = tpu.vector_load %arg7[%swap3A_319, %swap3A_320, %swap3A_321] {strides = array<i32>} : memref<2x64x128xi32, #tpu.memory_space<vmem>>, vector<1x1x16xi32>,
        %swap3A_323 = vector.shape_cast %swap3A_322 : vector<1x1x16xi32> to vector<16xi32>
        %swap3A_324 = vector.shape_cast %add3A_316 : vector<16xi32> to vector<1x1x16xi32>
        tpu.vector_store %arg7[%swap3A_319, %swap3A_320, %swap3A_321], %swap3A_324 {strides = array<i32>} : memref<2x64x128xi32, #tpu.memory_space<vmem>>, vector<1x1x16xi32>,
        %add3A_325 = arith.constant 515 : i32
        %add3A_326 = vector.broadcast %add3A_325 : i32 to vector<16xi32>
        %add3A_327 = arith.addi %add3A_253, %add3A_326 : vector<16xi32>
        %add3A_328 = arith.constant 1 : i32
        %add3A_329 = vector.broadcast %add3A_328 : i32 to vector<16xi32>
        %add3A_330 = arith.addi %add3A_327, %add3A_329 : vector<16xi32>
        %add3A_331 = arith.constant 48 : i32
        %add3A_332 = arith.addi %add3A_331, %select_n3A_277 : i32
        %swap3A_333 = arith.index_cast %select_n3A_150 : i32 to index
        %swap3A_334 = arith.index_cast %add3A_332 : i32 to index
        %swap3A_335 = arith.index_cast %select_n3A_295 : i32 to index
        %swap3A_336 = tpu.vector_load %arg7[%swap3A_333, %swap3A_334, %swap3A_335] {strides = array<i32>} : memref<2x64x128xi32, #tpu.memory_space<vmem>>, vector<1x1x16xi32>,
        %swap3A_337 = vector.shape_cast %swap3A_336 : vector<1x1x16xi32> to vector<16xi32>
        %swap3A_338 = vector.shape_cast %add3A_330 : vector<16xi32> to vector<1x1x16xi32>
        tpu.vector_store %arg7[%swap3A_333, %swap3A_334, %swap3A_335], %swap3A_338 {strides = array<i32>} : memref<2x64x128xi32, #tpu.memory_space<vmem>>, vector<1x1x16xi32>,
        %mul3A_339 = arith.constant 16 : i32
        %mul3A_340 = arith.muli %scan3A_202, %mul3A_339 : i32
        %mul3A_341 = arith.mulf %sub3A_244, %sub3A_247 : vector<16xf32>
        %add3A_342 = arith.constant 0 : i32
        %add3A_343 = arith.addi %add3A_342, %mul3A_340 : i32
        %swap3A_344 = arith.index_cast %select_n3A_150 : i32 to index
        %swap3A_345 = arith.index_cast %add3A_343 : i32 to index
        %swap3A_346 = tpu.vector_load %arg8[%swap3A_344, %swap3A_345] {strides = array<i32>} : memref<2x8192xf32, #tpu.memory_space<vmem>>, vector<1x16xf32>,
        %swap3A_347 = vector.shape_cast %swap3A_346 : vector<1x16xf32> to vector<16xf32>
        %swap3A_348 = vector.shape_cast %mul3A_341 : vector<16xf32> to vector<1x16xf32>
        tpu.vector_store %arg8[%swap3A_344, %swap3A_345], %swap3A_348 {strides = array<i32>} : memref<2x8192xf32, #tpu.memory_space<vmem>>, vector<1x16xf32>,
        %mul3A_349 = arith.mulf %sub3A_244, %sub3A_241 : vector<16xf32>
        %add3A_350 = arith.constant 2048 : i32
        %add3A_351 = arith.addi %add3A_350, %mul3A_340 : i32
        %swap3A_352 = arith.index_cast %select_n3A_150 : i32 to index
        %swap3A_353 = arith.index_cast %add3A_351 : i32 to index
        %swap3A_354 = tpu.vector_load %arg8[%swap3A_352, %swap3A_353] {strides = array<i32>} : memref<2x8192xf32, #tpu.memory_space<vmem>>, vector<1x16xf32>,
        %swap3A_355 = vector.shape_cast %swap3A_354 : vector<1x16xf32> to vector<16xf32>
        %swap3A_356 = vector.shape_cast %mul3A_349 : vector<16xf32> to vector<1x16xf32>
        tpu.vector_store %arg8[%swap3A_352, %swap3A_353], %swap3A_356 {strides = array<i32>} : memref<2x8192xf32, #tpu.memory_space<vmem>>, vector<1x16xf32>,
        %mul3A_357 = arith.mulf %sub3A_239, %sub3A_247 : vector<16xf32>
        %add3A_358 = arith.constant 4096 : i32
        %add3A_359 = arith.addi %add3A_358, %mul3A_340 : i32
        %swap3A_360 = arith.index_cast %select_n3A_150 : i32 to index
        %swap3A_361 = arith.index_cast %add3A_359 : i32 to index
        %swap3A_362 = tpu.vector_load %arg8[%swap3A_360, %swap3A_361] {strides = array<i32>} : memref<2x8192xf32, #tpu.memory_space<vmem>>, vector<1x16xf32>,
        %swap3A_363 = vector.shape_cast %swap3A_362 : vector<1x16xf32> to vector<16xf32>
        %swap3A_364 = vector.shape_cast %mul3A_357 : vector<16xf32> to vector<1x16xf32>
        tpu.vector_store %arg8[%swap3A_360, %swap3A_361], %swap3A_364 {strides = array<i32>} : memref<2x8192xf32, #tpu.memory_space<vmem>>, vector<1x16xf32>,
        %mul3A_365 = arith.mulf %sub3A_239, %sub3A_241 : vector<16xf32>
        %add3A_366 = arith.constant 6144 : i32
        %add3A_367 = arith.addi %add3A_366, %mul3A_340 : i32
        %swap3A_368 = arith.index_cast %select_n3A_150 : i32 to index
        %swap3A_369 = arith.index_cast %add3A_367 : i32 to index
        %swap3A_370 = tpu.vector_load %arg8[%swap3A_368, %swap3A_369] {strides = array<i32>} : memref<2x8192xf32, #tpu.memory_space<vmem>>, vector<1x16xf32>,
        %swap3A_371 = vector.shape_cast %swap3A_370 : vector<1x16xf32> to vector<16xf32>
        %swap3A_372 = vector.shape_cast %mul3A_365 : vector<16xf32> to vector<1x16xf32>
        tpu.vector_store %arg8[%swap3A_368, %swap3A_369], %swap3A_372 {strides = array<i32>} : memref<2x8192xf32, #tpu.memory_space<vmem>>, vector<1x16xf32>,
        %scan3A_373 = arith.constant 1 : i32
        %scan3A_374 = arith.addi %scan3A_202, %scan3A_373 : i32
        %mul3A_375 = arith.constant 16 : i32
        %mul3A_376 = arith.muli %scan3A_374, %mul3A_375 : i32
        %get3A_377 = arith.index_cast %select_n3A_150 : i32 to index
        %get3A_378 = arith.index_cast %mul3A_376 : i32 to index
        %get3A_379 = tpu.vector_load %arg5[%get3A_377, %get3A_378] {strides = array<i32>} : memref<2x2048xf32, #tpu.memory_space<vmem>>, vector<1x16xf32>,
        %get3A_380 = vector.shape_cast %get3A_379 : vector<1x16xf32> to vector<16xf32>
        %mul3A_381 = arith.constant 16 : i32
        %mul3A_382 = arith.muli %scan3A_374, %mul3A_381 : i32
        %get3A_383 = arith.index_cast %select_n3A_150 : i32 to index
        %get3A_384 = arith.index_cast %mul3A_382 : i32 to index
        %get3A_385 = tpu.vector_load %arg6[%get3A_383, %get3A_384] {strides = array<i32>} : memref<2x2048xf32, #tpu.memory_space<vmem>>, vector<1x16xf32>,
        %get3A_386 = vector.shape_cast %get3A_385 : vector<1x16xf32> to vector<16xf32>
        %mul3A_387 = arith.constant 2.560000e+02 : f32
        %mul3A_388 = vector.broadcast %mul3A_387 : f32 to vector<16xf32>
        %mul3A_389 = arith.mulf %get3A_380, %mul3A_388 : vector<16xf32>
        %add3A_390 = arith.constant 2.570000e+02 : f32
        %add3A_391 = vector.broadcast %add3A_390 : f32 to vector<16xf32>
        %add3A_392 = arith.addf %mul3A_389, %add3A_391 : vector<16xf32>
        %mul3A_393 = arith.constant 2.560000e+02 : f32
        %mul3A_394 = vector.broadcast %mul3A_393 : f32 to vector<16xf32>
        %mul3A_395 = arith.mulf %get3A_386, %mul3A_394 : vector<16xf32>
        %add3A_396 = arith.constant 2.570000e+02 : f32
        %add3A_397 = vector.broadcast %add3A_396 : f32 to vector<16xf32>
        %add3A_398 = arith.addf %mul3A_395, %add3A_397 : vector<16xf32>
        %max3A_399 = arith.constant 0.000000e+00 : f32
        %max3A_400 = vector.broadcast %max3A_399 : f32 to vector<16xf32>
        %max3A_401 = arith.maximumf %add3A_392, %max3A_400 : vector<16xf32>
        %min3A_402 = arith.constant 5.130000e+02 : f32
        %min3A_403 = vector.broadcast %min3A_402 : f32 to vector<16xf32>
        %min3A_404 = arith.minimumf %max3A_401, %min3A_403 : vector<16xf32>
        %max3A_405 = arith.constant 0.000000e+00 : f32
        %max3A_406 = vector.broadcast %max3A_405 : f32 to vector<16xf32>
        %max3A_407 = arith.maximumf %add3A_398, %max3A_406 : vector<16xf32>
        %min3A_408 = arith.constant 5.130000e+02 : f32
        %min3A_409 = vector.broadcast %min3A_408 : f32 to vector<16xf32>
        %min3A_410 = arith.minimumf %max3A_407, %min3A_409 : vector<16xf32>
        %convert_element_type3A_411 = arith.fptosi %min3A_404 : vector<16xf32> to vector<16xi32>
        %convert_element_type3A_412 = arith.fptosi %min3A_410 : vector<16xf32> to vector<16xi32>
        %convert_element_type3A_413 = arith.sitofp %convert_element_type3A_411 : vector<16xi32> to vector<16xf32>
        %sub3A_414 = arith.subf %min3A_404, %convert_element_type3A_413 : vector<16xf32>
        %convert_element_type3A_415 = arith.sitofp %convert_element_type3A_412 : vector<16xi32> to vector<16xf32>
        %sub3A_416 = arith.subf %min3A_410, %convert_element_type3A_415 : vector<16xf32>
        %sub3A_417 = arith.constant 1.000000e+00 : f32
        %sub3A_418 = vector.broadcast %sub3A_417 : f32 to vector<16xf32>
        %sub3A_419 = arith.subf %sub3A_418, %sub3A_414 : vector<16xf32>
        %sub3A_420 = arith.constant 1.000000e+00 : f32
        %sub3A_421 = vector.broadcast %sub3A_420 : f32 to vector<16xf32>
        %sub3A_422 = arith.subf %sub3A_421, %sub3A_416 : vector<16xf32>
        %mul3A_423 = arith.constant 515 : i32
        %mul3A_424 = vector.broadcast %mul3A_423 : i32 to vector<16xi32>
        %mul3A_425 = arith.muli %convert_element_type3A_411, %mul3A_424 : vector<16xi32>
        %add3A_426 = vector.broadcast %mul3A_173 : i32 to vector<16xi32>
        %add3A_427 = arith.addi %add3A_426, %mul3A_425 : vector<16xi32>
        %add3A_428 = arith.addi %add3A_427, %convert_element_type3A_412 : vector<16xi32>
        %jit3A_429 = arith.constant 8 : i32
        %div3A_430 = arith.divsi %scan3A_374, %jit3A_429 : i32
        %sign3A_431 = arith.constant 0 : i32
        %sign3A_432 = arith.cmpi sgt, %scan3A_374, %sign3A_431 : i32
        %sign3A_433 = arith.extui %sign3A_432 : i1 to i32
        %sign3A_434 = arith.constant 0 : i32
        %sign3A_435 = arith.cmpi slt, %scan3A_374, %sign3A_434 : i32
        %sign3A_436 = arith.extui %sign3A_435 : i1 to i32
        %sign3A_437 = arith.subi %sign3A_433, %sign3A_436 : i32
        %sign3A_438 = arith.constant 0 : i32
        %sign3A_439 = arith.cmpi sgt, %jit3A_429, %sign3A_438 : i32
        %sign3A_440 = arith.extui %sign3A_439 : i1 to i32
        %sign3A_441 = arith.constant 0 : i32
        %sign3A_442 = arith.cmpi slt, %jit3A_429, %sign3A_441 : i32
        %sign3A_443 = arith.extui %sign3A_442 : i1 to i32
        %sign3A_444 = arith.subi %sign3A_440, %sign3A_443 : i32
        %ne3A_445 = arith.cmpi ne, %sign3A_437, %sign3A_444 : i32
        %rem3A_446 = arith.remsi %scan3A_374, %jit3A_429 : i32
        %ne3A_447 = arith.constant 0 : i32
        %ne3A_448 = arith.cmpi ne, %rem3A_446, %ne3A_447 : i32
        %and3A_449 = arith.andi %ne3A_445, %ne3A_448 : i1
        %sub3A_450 = arith.constant 1 : i32
        %sub3A_451 = arith.subi %div3A_430, %sub3A_450 : i32
        %select_n3A_452 = arith.select %and3A_449, %sub3A_451, %div3A_430 : i32
        %mul3A_453 = arith.constant 16 : i32
        %mul3A_454 = arith.muli %scan3A_374, %mul3A_453 : i32
        %jit3A_455 = arith.constant 128 : i32
        %eq3A_456 = arith.constant 0 : i32
        %eq3A_457 = arith.cmpi eq, %jit3A_455, %eq3A_456 : i32
        %jit3A_458 = arith.constant 1 : i32
        %select_n3A_459 = arith.select %eq3A_457, %jit3A_458, %jit3A_455 : i32
        %rem3A_460 = arith.remsi %mul3A_454, %select_n3A_459 : i32
        %ne3A_461 = arith.constant 0 : i32
        %ne3A_462 = arith.cmpi ne, %rem3A_460, %ne3A_461 : i32
        %lt3A_463 = arith.constant 0 : i32
        %lt3A_464 = arith.cmpi slt, %rem3A_460, %lt3A_463 : i32
        %lt3A_465 = arith.constant 0 : i32
        %lt3A_466 = arith.cmpi slt, %select_n3A_459, %lt3A_465 : i32
        %ne3A_467 = arith.xori %lt3A_464, %lt3A_466 : i1
        %and3A_468 = arith.andi %ne3A_467, %ne3A_462 : i1
        %add3A_469 = arith.addi %rem3A_460, %select_n3A_459 : i32
        %select_n3A_470 = arith.select %and3A_468, %add3A_469, %rem3A_460 : i32
        %add3A_471 = arith.constant 0 : i32
        %add3A_472 = arith.addi %add3A_471, %select_n3A_452 : i32
        %swap3A_473 = arith.index_cast %select_n3A_150 : i32 to index
        %swap3A_474 = arith.index_cast %add3A_472 : i32 to index
        %swap3A_475 = arith.index_cast %select_n3A_470 : i32 to index
        %swap3A_476 = tpu.vector_load %arg7[%swap3A_473, %swap3A_474, %swap3A_475] {strides = array<i32>} : memref<2x64x128xi32, #tpu.memory_space<vmem>>, vector<1x1x16xi32>,
        %swap3A_477 = vector.shape_cast %swap3A_476 : vector<1x1x16xi32> to vector<16xi32>
        %swap3A_478 = vector.shape_cast %add3A_428 : vector<16xi32> to vector<1x1x16xi32>
        tpu.vector_store %arg7[%swap3A_473, %swap3A_474, %swap3A_475], %swap3A_478 {strides = array<i32>} : memref<2x64x128xi32, #tpu.memory_space<vmem>>, vector<1x1x16xi32>,
        %add3A_479 = arith.constant 1 : i32
        %add3A_480 = vector.broadcast %add3A_479 : i32 to vector<16xi32>
        %add3A_481 = arith.addi %add3A_428, %add3A_480 : vector<16xi32>
        %add3A_482 = arith.constant 16 : i32
        %add3A_483 = arith.addi %add3A_482, %select_n3A_452 : i32
        %swap3A_484 = arith.index_cast %select_n3A_150 : i32 to index
        %swap3A_485 = arith.index_cast %add3A_483 : i32 to index
        %swap3A_486 = arith.index_cast %select_n3A_470 : i32 to index
        %swap3A_487 = tpu.vector_load %arg7[%swap3A_484, %swap3A_485, %swap3A_486] {strides = array<i32>} : memref<2x64x128xi32, #tpu.memory_space<vmem>>, vector<1x1x16xi32>,
        %swap3A_488 = vector.shape_cast %swap3A_487 : vector<1x1x16xi32> to vector<16xi32>
        %swap3A_489 = vector.shape_cast %add3A_481 : vector<16xi32> to vector<1x1x16xi32>
        tpu.vector_store %arg7[%swap3A_484, %swap3A_485, %swap3A_486], %swap3A_489 {strides = array<i32>} : memref<2x64x128xi32, #tpu.memory_space<vmem>>, vector<1x1x16xi32>,
        %add3A_490 = arith.constant 515 : i32
        %add3A_491 = vector.broadcast %add3A_490 : i32 to vector<16xi32>
        %add3A_492 = arith.addi %add3A_428, %add3A_491 : vector<16xi32>
        %add3A_493 = arith.constant 32 : i32
        %add3A_494 = arith.addi %add3A_493, %select_n3A_452 : i32
        %swap3A_495 = arith.index_cast %select_n3A_150 : i32 to index
        %swap3A_496 = arith.index_cast %add3A_494 : i32 to index
        %swap3A_497 = arith.index_cast %select_n3A_470 : i32 to index
        %swap3A_498 = tpu.vector_load %arg7[%swap3A_495, %swap3A_496, %swap3A_497] {strides = array<i32>} : memref<2x64x128xi32, #tpu.memory_space<vmem>>, vector<1x1x16xi32>,
        %swap3A_499 = vector.shape_cast %swap3A_498 : vector<1x1x16xi32> to vector<16xi32>
        %swap3A_500 = vector.shape_cast %add3A_492 : vector<16xi32> to vector<1x1x16xi32>
        tpu.vector_store %arg7[%swap3A_495, %swap3A_496, %swap3A_497], %swap3A_500 {strides = array<i32>} : memref<2x64x128xi32, #tpu.memory_space<vmem>>, vector<1x1x16xi32>,
        %add3A_501 = arith.constant 515 : i32
        %add3A_502 = vector.broadcast %add3A_501 : i32 to vector<16xi32>
        %add3A_503 = arith.addi %add3A_428, %add3A_502 : vector<16xi32>
        %add3A_504 = arith.constant 1 : i32
        %add3A_505 = vector.broadcast %add3A_504 : i32 to vector<16xi32>
        %add3A_506 = arith.addi %add3A_503, %add3A_505 : vector<16xi32>
        %add3A_507 = arith.constant 48 : i32
        %add3A_508 = arith.addi %add3A_507, %select_n3A_452 : i32
        %swap3A_509 = arith.index_cast %select_n3A_150 : i32 to index
        %swap3A_510 = arith.index_cast %add3A_508 : i32 to index
        %swap3A_511 = arith.index_cast %select_n3A_470 : i32 to index
        %swap3A_512 = tpu.vector_load %arg7[%swap3A_509, %swap3A_510, %swap3A_511] {strides = array<i32>} : memref<2x64x128xi32, #tpu.memory_space<vmem>>, vector<1x1x16xi32>,
        %swap3A_513 = vector.shape_cast %swap3A_512 : vector<1x1x16xi32> to vector<16xi32>
        %swap3A_514 = vector.shape_cast %add3A_506 : vector<16xi32> to vector<1x1x16xi32>
        tpu.vector_store %arg7[%swap3A_509, %swap3A_510, %swap3A_511], %swap3A_514 {strides = array<i32>} : memref<2x64x128xi32, #tpu.memory_space<vmem>>, vector<1x1x16xi32>,
        %mul3A_515 = arith.constant 16 : i32
        %mul3A_516 = arith.muli %scan3A_374, %mul3A_515 : i32
        %mul3A_517 = arith.mulf %sub3A_419, %sub3A_422 : vector<16xf32>
        %add3A_518 = arith.constant 0 : i32
        %add3A_519 = arith.addi %add3A_518, %mul3A_516 : i32
        %swap3A_520 = arith.index_cast %select_n3A_150 : i32 to index
        %swap3A_521 = arith.index_cast %add3A_519 : i32 to index
        %swap3A_522 = tpu.vector_load %arg8[%swap3A_520, %swap3A_521] {strides = array<i32>} : memref<2x8192xf32, #tpu.memory_space<vmem>>, vector<1x16xf32>,
        %swap3A_523 = vector.shape_cast %swap3A_522 : vector<1x16xf32> to vector<16xf32>
        %swap3A_524 = vector.shape_cast %mul3A_517 : vector<16xf32> to vector<1x16xf32>
        tpu.vector_store %arg8[%swap3A_520, %swap3A_521], %swap3A_524 {strides = array<i32>} : memref<2x8192xf32, #tpu.memory_space<vmem>>, vector<1x16xf32>,
        %mul3A_525 = arith.mulf %sub3A_419, %sub3A_416 : vector<16xf32>
        %add3A_526 = arith.constant 2048 : i32
        %add3A_527 = arith.addi %add3A_526, %mul3A_516 : i32
        %swap3A_528 = arith.index_cast %select_n3A_150 : i32 to index
        %swap3A_529 = arith.index_cast %add3A_527 : i32 to index
        %swap3A_530 = tpu.vector_load %arg8[%swap3A_528, %swap3A_529] {strides = array<i32>} : memref<2x8192xf32, #tpu.memory_space<vmem>>, vector<1x16xf32>,
        %swap3A_531 = vector.shape_cast %swap3A_530 : vector<1x16xf32> to vector<16xf32>
        %swap3A_532 = vector.shape_cast %mul3A_525 : vector<16xf32> to vector<1x16xf32>
        tpu.vector_store %arg8[%swap3A_528, %swap3A_529], %swap3A_532 {strides = array<i32>} : memref<2x8192xf32, #tpu.memory_space<vmem>>, vector<1x16xf32>,
        %mul3A_533 = arith.mulf %sub3A_414, %sub3A_422 : vector<16xf32>
        %add3A_534 = arith.constant 4096 : i32
        %add3A_535 = arith.addi %add3A_534, %mul3A_516 : i32
        %swap3A_536 = arith.index_cast %select_n3A_150 : i32 to index
        %swap3A_537 = arith.index_cast %add3A_535 : i32 to index
        %swap3A_538 = tpu.vector_load %arg8[%swap3A_536, %swap3A_537] {strides = array<i32>} : memref<2x8192xf32, #tpu.memory_space<vmem>>, vector<1x16xf32>,
        %swap3A_539 = vector.shape_cast %swap3A_538 : vector<1x16xf32> to vector<16xf32>
        %swap3A_540 = vector.shape_cast %mul3A_533 : vector<16xf32> to vector<1x16xf32>
        tpu.vector_store %arg8[%swap3A_536, %swap3A_537], %swap3A_540 {strides = array<i32>} : memref<2x8192xf32, #tpu.memory_space<vmem>>, vector<1x16xf32>,
        %mul3A_541 = arith.mulf %sub3A_414, %sub3A_416 : vector<16xf32>
        %add3A_542 = arith.constant 6144 : i32
        %add3A_543 = arith.addi %add3A_542, %mul3A_516 : i32
        %swap3A_544 = arith.index_cast %select_n3A_150 : i32 to index
        %swap3A_545 = arith.index_cast %add3A_543 : i32 to index
        %swap3A_546 = tpu.vector_load %arg8[%swap3A_544, %swap3A_545] {strides = array<i32>} : memref<2x8192xf32, #tpu.memory_space<vmem>>, vector<1x16xf32>,
        %swap3A_547 = vector.shape_cast %swap3A_546 : vector<1x16xf32> to vector<16xf32>
        %swap3A_548 = vector.shape_cast %mul3A_541 : vector<16xf32> to vector<1x16xf32>
        tpu.vector_store %arg8[%swap3A_544, %swap3A_545], %swap3A_548 {strides = array<i32>} : memref<2x8192xf32, #tpu.memory_space<vmem>>, vector<1x16xf32>,
        %scan3A_549 = arith.constant 2 : i32
        %scan3A_550 = arith.addi %scan3A_202, %scan3A_549 : i32
        %mul3A_551 = arith.constant 16 : i32
        %mul3A_552 = arith.muli %scan3A_550, %mul3A_551 : i32
        %get3A_553 = arith.index_cast %select_n3A_150 : i32 to index
        %get3A_554 = arith.index_cast %mul3A_552 : i32 to index
        %get3A_555 = tpu.vector_load %arg5[%get3A_553, %get3A_554] {strides = array<i32>} : memref<2x2048xf32, #tpu.memory_space<vmem>>, vector<1x16xf32>,
        %get3A_556 = vector.shape_cast %get3A_555 : vector<1x16xf32> to vector<16xf32>
        %mul3A_557 = arith.constant 16 : i32
        %mul3A_558 = arith.muli %scan3A_550, %mul3A_557 : i32
        %get3A_559 = arith.index_cast %select_n3A_150 : i32 to index
        %get3A_560 = arith.index_cast %mul3A_558 : i32 to index
        %get3A_561 = tpu.vector_load %arg6[%get3A_559, %get3A_560] {strides = array<i32>} : memref<2x2048xf32, #tpu.memory_space<vmem>>, vector<1x16xf32>,
        %get3A_562 = vector.shape_cast %get3A_561 : vector<1x16xf32> to vector<16xf32>
        %mul3A_563 = arith.constant 2.560000e+02 : f32
        %mul3A_564 = vector.broadcast %mul3A_563 : f32 to vector<16xf32>
        %mul3A_565 = arith.mulf %get3A_556, %mul3A_564 : vector<16xf32>
        %add3A_566 = arith.constant 2.570000e+02 : f32
        %add3A_567 = vector.broadcast %add3A_566 : f32 to vector<16xf32>
        %add3A_568 = arith.addf %mul3A_565, %add3A_567 : vector<16xf32>
        %mul3A_569 = arith.constant 2.560000e+02 : f32
        %mul3A_570 = vector.broadcast %mul3A_569 : f32 to vector<16xf32>
        %mul3A_571 = arith.mulf %get3A_562, %mul3A_570 : vector<16xf32>
        %add3A_572 = arith.constant 2.570000e+02 : f32
        %add3A_573 = vector.broadcast %add3A_572 : f32 to vector<16xf32>
        %add3A_574 = arith.addf %mul3A_571, %add3A_573 : vector<16xf32>
        %max3A_575 = arith.constant 0.000000e+00 : f32
        %max3A_576 = vector.broadcast %max3A_575 : f32 to vector<16xf32>
        %max3A_577 = arith.maximumf %add3A_568, %max3A_576 : vector<16xf32>
        %min3A_578 = arith.constant 5.130000e+02 : f32
        %min3A_579 = vector.broadcast %min3A_578 : f32 to vector<16xf32>
        %min3A_580 = arith.minimumf %max3A_577, %min3A_579 : vector<16xf32>
        %max3A_581 = arith.constant 0.000000e+00 : f32
        %max3A_582 = vector.broadcast %max3A_581 : f32 to vector<16xf32>
        %max3A_583 = arith.maximumf %add3A_574, %max3A_582 : vector<16xf32>
        %min3A_584 = arith.constant 5.130000e+02 : f32
        %min3A_585 = vector.broadcast %min3A_584 : f32 to vector<16xf32>
        %min3A_586 = arith.minimumf %max3A_583, %min3A_585 : vector<16xf32>
        %convert_element_type3A_587 = arith.fptosi %min3A_580 : vector<16xf32> to vector<16xi32>
        %convert_element_type3A_588 = arith.fptosi %min3A_586 : vector<16xf32> to vector<16xi32>
        %convert_element_type3A_589 = arith.sitofp %convert_element_type3A_587 : vector<16xi32> to vector<16xf32>
        %sub3A_590 = arith.subf %min3A_580, %convert_element_type3A_589 : vector<16xf32>
        %convert_element_type3A_591 = arith.sitofp %convert_element_type3A_588 : vector<16xi32> to vector<16xf32>
        %sub3A_592 = arith.subf %min3A_586, %convert_element_type3A_591 : vector<16xf32>
        %sub3A_593 = arith.constant 1.000000e+00 : f32
        %sub3A_594 = vector.broadcast %sub3A_593 : f32 to vector<16xf32>
        %sub3A_595 = arith.subf %sub3A_594, %sub3A_590 : vector<16xf32>
        %sub3A_596 = arith.constant 1.000000e+00 : f32
        %sub3A_597 = vector.broadcast %sub3A_596 : f32 to vector<16xf32>
        %sub3A_598 = arith.subf %sub3A_597, %sub3A_592 : vector<16xf32>
        %mul3A_599 = arith.constant 515 : i32
        %mul3A_600 = vector.broadcast %mul3A_599 : i32 to vector<16xi32>
        %mul3A_601 = arith.muli %convert_element_type3A_587, %mul3A_600 : vector<16xi32>
        %add3A_602 = vector.broadcast %mul3A_173 : i32 to vector<16xi32>
        %add3A_603 = arith.addi %add3A_602, %mul3A_601 : vector<16xi32>
        %add3A_604 = arith.addi %add3A_603, %convert_element_type3A_588 : vector<16xi32>
        %jit3A_605 = arith.constant 8 : i32
        %div3A_606 = arith.divsi %scan3A_550, %jit3A_605 : i32
        %sign3A_607 = arith.constant 0 : i32
        %sign3A_608 = arith.cmpi sgt, %scan3A_550, %sign3A_607 : i32
        %sign3A_609 = arith.extui %sign3A_608 : i1 to i32
        %sign3A_610 = arith.constant 0 : i32
        %sign3A_611 = arith.cmpi slt, %scan3A_550, %sign3A_610 : i32
        %sign3A_612 = arith.extui %sign3A_611 : i1 to i32
        %sign3A_613 = arith.subi %sign3A_609, %sign3A_612 : i32
        %sign3A_614 = arith.constant 0 : i32
        %sign3A_615 = arith.cmpi sgt, %jit3A_605, %sign3A_614 : i32
        %sign3A_616 = arith.extui %sign3A_615 : i1 to i32
        %sign3A_617 = arith.constant 0 : i32
        %sign3A_618 = arith.cmpi slt, %jit3A_605, %sign3A_617 : i32
        %sign3A_619 = arith.extui %sign3A_618 : i1 to i32
        %sign3A_620 = arith.subi %sign3A_616, %sign3A_619 : i32
        %ne3A_621 = arith.cmpi ne, %sign3A_613, %sign3A_620 : i32
        %rem3A_622 = arith.remsi %scan3A_550, %jit3A_605 : i32
        %ne3A_623 = arith.constant 0 : i32
        %ne3A_624 = arith.cmpi ne, %rem3A_622, %ne3A_623 : i32
        %and3A_625 = arith.andi %ne3A_621, %ne3A_624 : i1
        %sub3A_626 = arith.constant 1 : i32
        %sub3A_627 = arith.subi %div3A_606, %sub3A_626 : i32
        %select_n3A_628 = arith.select %and3A_625, %sub3A_627, %div3A_606 : i32
        %mul3A_629 = arith.constant 16 : i32
        %mul3A_630 = arith.muli %scan3A_550, %mul3A_629 : i32
        %jit3A_631 = arith.constant 128 : i32
        %eq3A_632 = arith.constant 0 : i32
        %eq3A_633 = arith.cmpi eq, %jit3A_631, %eq3A_632 : i32
        %jit3A_634 = arith.constant 1 : i32
        %select_n3A_635 = arith.select %eq3A_633, %jit3A_634, %jit3A_631 : i32
        %rem3A_636 = arith.remsi %mul3A_630, %select_n3A_635 : i32
        %ne3A_637 = arith.constant 0 : i32
        %ne3A_638 = arith.cmpi ne, %rem3A_636, %ne3A_637 : i32
        %lt3A_639 = arith.constant 0 : i32
        %lt3A_640 = arith.cmpi slt, %rem3A_636, %lt3A_639 : i32
        %lt3A_641 = arith.constant 0 : i32
        %lt3A_642 = arith.cmpi slt, %select_n3A_635, %lt3A_641 : i32
        %ne3A_643 = arith.xori %lt3A_640, %lt3A_642 : i1
        %and3A_644 = arith.andi %ne3A_643, %ne3A_638 : i1
        %add3A_645 = arith.addi %rem3A_636, %select_n3A_635 : i32
        %select_n3A_646 = arith.select %and3A_644, %add3A_645, %rem3A_636 : i32
        %add3A_647 = arith.constant 0 : i32
        %add3A_648 = arith.addi %add3A_647, %select_n3A_628 : i32
        %swap3A_649 = arith.index_cast %select_n3A_150 : i32 to index
        %swap3A_650 = arith.index_cast %add3A_648 : i32 to index
        %swap3A_651 = arith.index_cast %select_n3A_646 : i32 to index
        %swap3A_652 = tpu.vector_load %arg7[%swap3A_649, %swap3A_650, %swap3A_651] {strides = array<i32>} : memref<2x64x128xi32, #tpu.memory_space<vmem>>, vector<1x1x16xi32>,
        %swap3A_653 = vector.shape_cast %swap3A_652 : vector<1x1x16xi32> to vector<16xi32>
        %swap3A_654 = vector.shape_cast %add3A_604 : vector<16xi32> to vector<1x1x16xi32>
        tpu.vector_store %arg7[%swap3A_649, %swap3A_650, %swap3A_651], %swap3A_654 {strides = array<i32>} : memref<2x64x128xi32, #tpu.memory_space<vmem>>, vector<1x1x16xi32>,
        %add3A_655 = arith.constant 1 : i32
        %add3A_656 = vector.broadcast %add3A_655 : i32 to vector<16xi32>
        %add3A_657 = arith.addi %add3A_604, %add3A_656 : vector<16xi32>
        %add3A_658 = arith.constant 16 : i32
        %add3A_659 = arith.addi %add3A_658, %select_n3A_628 : i32
        %swap3A_660 = arith.index_cast %select_n3A_150 : i32 to index
        %swap3A_661 = arith.index_cast %add3A_659 : i32 to index
        %swap3A_662 = arith.index_cast %select_n3A_646 : i32 to index
        %swap3A_663 = tpu.vector_load %arg7[%swap3A_660, %swap3A_661, %swap3A_662] {strides = array<i32>} : memref<2x64x128xi32, #tpu.memory_space<vmem>>, vector<1x1x16xi32>,
        %swap3A_664 = vector.shape_cast %swap3A_663 : vector<1x1x16xi32> to vector<16xi32>
        %swap3A_665 = vector.shape_cast %add3A_657 : vector<16xi32> to vector<1x1x16xi32>
        tpu.vector_store %arg7[%swap3A_660, %swap3A_661, %swap3A_662], %swap3A_665 {strides = array<i32>} : memref<2x64x128xi32, #tpu.memory_space<vmem>>, vector<1x1x16xi32>,
        %add3A_666 = arith.constant 515 : i32
        %add3A_667 = vector.broadcast %add3A_666 : i32 to vector<16xi32>
        %add3A_668 = arith.addi %add3A_604, %add3A_667 : vector<16xi32>
        %add3A_669 = arith.constant 32 : i32
        %add3A_670 = arith.addi %add3A_669, %select_n3A_628 : i32
        %swap3A_671 = arith.index_cast %select_n3A_150 : i32 to index
        %swap3A_672 = arith.index_cast %add3A_670 : i32 to index
        %swap3A_673 = arith.index_cast %select_n3A_646 : i32 to index
        %swap3A_674 = tpu.vector_load %arg7[%swap3A_671, %swap3A_672, %swap3A_673] {strides = array<i32>} : memref<2x64x128xi32, #tpu.memory_space<vmem>>, vector<1x1x16xi32>,
        %swap3A_675 = vector.shape_cast %swap3A_674 : vector<1x1x16xi32> to vector<16xi32>
        %swap3A_676 = vector.shape_cast %add3A_668 : vector<16xi32> to vector<1x1x16xi32>
        tpu.vector_store %arg7[%swap3A_671, %swap3A_672, %swap3A_673], %swap3A_676 {strides = array<i32>} : memref<2x64x128xi32, #tpu.memory_space<vmem>>, vector<1x1x16xi32>,
        %add3A_677 = arith.constant 515 : i32
        %add3A_678 = vector.broadcast %add3A_677 : i32 to vector<16xi32>
        %add3A_679 = arith.addi %add3A_604, %add3A_678 : vector<16xi32>
        %add3A_680 = arith.constant 1 : i32
        %add3A_681 = vector.broadcast %add3A_680 : i32 to vector<16xi32>
        %add3A_682 = arith.addi %add3A_679, %add3A_681 : vector<16xi32>
        %add3A_683 = arith.constant 48 : i32
        %add3A_684 = arith.addi %add3A_683, %select_n3A_628 : i32
        %swap3A_685 = arith.index_cast %select_n3A_150 : i32 to index
        %swap3A_686 = arith.index_cast %add3A_684 : i32 to index
        %swap3A_687 = arith.index_cast %select_n3A_646 : i32 to index
        %swap3A_688 = tpu.vector_load %arg7[%swap3A_685, %swap3A_686, %swap3A_687] {strides = array<i32>} : memref<2x64x128xi32, #tpu.memory_space<vmem>>, vector<1x1x16xi32>,
        %swap3A_689 = vector.shape_cast %swap3A_688 : vector<1x1x16xi32> to vector<16xi32>
        %swap3A_690 = vector.shape_cast %add3A_682 : vector<16xi32> to vector<1x1x16xi32>
        tpu.vector_store %arg7[%swap3A_685, %swap3A_686, %swap3A_687], %swap3A_690 {strides = array<i32>} : memref<2x64x128xi32, #tpu.memory_space<vmem>>, vector<1x1x16xi32>,
        %mul3A_691 = arith.constant 16 : i32
        %mul3A_692 = arith.muli %scan3A_550, %mul3A_691 : i32
        %mul3A_693 = arith.mulf %sub3A_595, %sub3A_598 : vector<16xf32>
        %add3A_694 = arith.constant 0 : i32
        %add3A_695 = arith.addi %add3A_694, %mul3A_692 : i32
        %swap3A_696 = arith.index_cast %select_n3A_150 : i32 to index
        %swap3A_697 = arith.index_cast %add3A_695 : i32 to index
        %swap3A_698 = tpu.vector_load %arg8[%swap3A_696, %swap3A_697] {strides = array<i32>} : memref<2x8192xf32, #tpu.memory_space<vmem>>, vector<1x16xf32>,
        %swap3A_699 = vector.shape_cast %swap3A_698 : vector<1x16xf32> to vector<16xf32>
        %swap3A_700 = vector.shape_cast %mul3A_693 : vector<16xf32> to vector<1x16xf32>
        tpu.vector_store %arg8[%swap3A_696, %swap3A_697], %swap3A_700 {strides = array<i32>} : memref<2x8192xf32, #tpu.memory_space<vmem>>, vector<1x16xf32>,
        %mul3A_701 = arith.mulf %sub3A_595, %sub3A_592 : vector<16xf32>
        %add3A_702 = arith.constant 2048 : i32
        %add3A_703 = arith.addi %add3A_702, %mul3A_692 : i32
        %swap3A_704 = arith.index_cast %select_n3A_150 : i32 to index
        %swap3A_705 = arith.index_cast %add3A_703 : i32 to index
        %swap3A_706 = tpu.vector_load %arg8[%swap3A_704, %swap3A_705] {strides = array<i32>} : memref<2x8192xf32, #tpu.memory_space<vmem>>, vector<1x16xf32>,
        %swap3A_707 = vector.shape_cast %swap3A_706 : vector<1x16xf32> to vector<16xf32>
        %swap3A_708 = vector.shape_cast %mul3A_701 : vector<16xf32> to vector<1x16xf32>
        tpu.vector_store %arg8[%swap3A_704, %swap3A_705], %swap3A_708 {strides = array<i32>} : memref<2x8192xf32, #tpu.memory_space<vmem>>, vector<1x16xf32>,
        %mul3A_709 = arith.mulf %sub3A_590, %sub3A_598 : vector<16xf32>
        %add3A_710 = arith.constant 4096 : i32
        %add3A_711 = arith.addi %add3A_710, %mul3A_692 : i32
        %swap3A_712 = arith.index_cast %select_n3A_150 : i32 to index
        %swap3A_713 = arith.index_cast %add3A_711 : i32 to index
        %swap3A_714 = tpu.vector_load %arg8[%swap3A_712, %swap3A_713] {strides = array<i32>} : memref<2x8192xf32, #tpu.memory_space<vmem>>, vector<1x16xf32>,
        %swap3A_715 = vector.shape_cast %swap3A_714 : vector<1x16xf32> to vector<16xf32>
        %swap3A_716 = vector.shape_cast %mul3A_709 : vector<16xf32> to vector<1x16xf32>
        tpu.vector_store %arg8[%swap3A_712, %swap3A_713], %swap3A_716 {strides = array<i32>} : memref<2x8192xf32, #tpu.memory_space<vmem>>, vector<1x16xf32>,
        %mul3A_717 = arith.mulf %sub3A_590, %sub3A_592 : vector<16xf32>
        %add3A_718 = arith.constant 6144 : i32
        %add3A_719 = arith.addi %add3A_718, %mul3A_692 : i32
        %swap3A_720 = arith.index_cast %select_n3A_150 : i32 to index
        %swap3A_721 = arith.index_cast %add3A_719 : i32 to index
        %swap3A_722 = tpu.vector_load %arg8[%swap3A_720, %swap3A_721] {strides = array<i32>} : memref<2x8192xf32, #tpu.memory_space<vmem>>, vector<1x16xf32>,
        %swap3A_723 = vector.shape_cast %swap3A_722 : vector<1x16xf32> to vector<16xf32>
        %swap3A_724 = vector.shape_cast %mul3A_717 : vector<16xf32> to vector<1x16xf32>
        tpu.vector_store %arg8[%swap3A_720, %swap3A_721], %swap3A_724 {strides = array<i32>} : memref<2x8192xf32, #tpu.memory_space<vmem>>, vector<1x16xf32>,
        %scan3A_725 = arith.constant 3 : i32
        %scan3A_726 = arith.addi %scan3A_202, %scan3A_725 : i32
        %mul3A_727 = arith.constant 16 : i32
        %mul3A_728 = arith.muli %scan3A_726, %mul3A_727 : i32
        %get3A_729 = arith.index_cast %select_n3A_150 : i32 to index
        %get3A_730 = arith.index_cast %mul3A_728 : i32 to index
        %get3A_731 = tpu.vector_load %arg5[%get3A_729, %get3A_730] {strides = array<i32>} : memref<2x2048xf32, #tpu.memory_space<vmem>>, vector<1x16xf32>,
        %get3A_732 = vector.shape_cast %get3A_731 : vector<1x16xf32> to vector<16xf32>
        %mul3A_733 = arith.constant 16 : i32
        %mul3A_734 = arith.muli %scan3A_726, %mul3A_733 : i32
        %get3A_735 = arith.index_cast %select_n3A_150 : i32 to index
        %get3A_736 = arith.index_cast %mul3A_734 : i32 to index
        %get3A_737 = tpu.vector_load %arg6[%get3A_735, %get3A_736] {strides = array<i32>} : memref<2x2048xf32, #tpu.memory_space<vmem>>, vector<1x16xf32>,
        %get3A_738 = vector.shape_cast %get3A_737 : vector<1x16xf32> to vector<16xf32>
        %mul3A_739 = arith.constant 2.560000e+02 : f32
        %mul3A_740 = vector.broadcast %mul3A_739 : f32 to vector<16xf32>
        %mul3A_741 = arith.mulf %get3A_732, %mul3A_740 : vector<16xf32>
        %add3A_742 = arith.constant 2.570000e+02 : f32
        %add3A_743 = vector.broadcast %add3A_742 : f32 to vector<16xf32>
        %add3A_744 = arith.addf %mul3A_741, %add3A_743 : vector<16xf32>
        %mul3A_745 = arith.constant 2.560000e+02 : f32
        %mul3A_746 = vector.broadcast %mul3A_745 : f32 to vector<16xf32>
        %mul3A_747 = arith.mulf %get3A_738, %mul3A_746 : vector<16xf32>
        %add3A_748 = arith.constant 2.570000e+02 : f32
        %add3A_749 = vector.broadcast %add3A_748 : f32 to vector<16xf32>
        %add3A_750 = arith.addf %mul3A_747, %add3A_749 : vector<16xf32>
        %max3A_751 = arith.constant 0.000000e+00 : f32
        %max3A_752 = vector.broadcast %max3A_751 : f32 to vector<16xf32>
        %max3A_753 = arith.maximumf %add3A_744, %max3A_752 : vector<16xf32>
        %min3A_754 = arith.constant 5.130000e+02 : f32
        %min3A_755 = vector.broadcast %min3A_754 : f32 to vector<16xf32>
        %min3A_756 = arith.minimumf %max3A_753, %min3A_755 : vector<16xf32>
        %max3A_757 = arith.constant 0.000000e+00 : f32
        %max3A_758 = vector.broadcast %max3A_757 : f32 to vector<16xf32>
        %max3A_759 = arith.maximumf %add3A_750, %max3A_758 : vector<16xf32>
        %min3A_760 = arith.constant 5.130000e+02 : f32
        %min3A_761 = vector.broadcast %min3A_760 : f32 to vector<16xf32>
        %min3A_762 = arith.minimumf %max3A_759, %min3A_761 : vector<16xf32>
        %convert_element_type3A_763 = arith.fptosi %min3A_756 : vector<16xf32> to vector<16xi32>
        %convert_element_type3A_764 = arith.fptosi %min3A_762 : vector<16xf32> to vector<16xi32>
        %convert_element_type3A_765 = arith.sitofp %convert_element_type3A_763 : vector<16xi32> to vector<16xf32>
        %sub3A_766 = arith.subf %min3A_756, %convert_element_type3A_765 : vector<16xf32>
        %convert_element_type3A_767 = arith.sitofp %convert_element_type3A_764 : vector<16xi32> to vector<16xf32>
        %sub3A_768 = arith.subf %min3A_762, %convert_element_type3A_767 : vector<16xf32>
        %sub3A_769 = arith.constant 1.000000e+00 : f32
        %sub3A_770 = vector.broadcast %sub3A_769 : f32 to vector<16xf32>
        %sub3A_771 = arith.subf %sub3A_770, %sub3A_766 : vector<16xf32>
        %sub3A_772 = arith.constant 1.000000e+00 : f32
        %sub3A_773 = vector.broadcast %sub3A_772 : f32 to vector<16xf32>
        %sub3A_774 = arith.subf %sub3A_773, %sub3A_768 : vector<16xf32>
        %mul3A_775 = arith.constant 515 : i32
        %mul3A_776 = vector.broadcast %mul3A_775 : i32 to vector<16xi32>
        %mul3A_777 = arith.muli %convert_element_type3A_763, %mul3A_776 : vector<16xi32>
        %add3A_778 = vector.broadcast %mul3A_173 : i32 to vector<16xi32>
        %add3A_779 = arith.addi %add3A_778, %mul3A_777 : vector<16xi32>
        %add3A_780 = arith.addi %add3A_779, %convert_element_type3A_764 : vector<16xi32>
        %jit3A_781 = arith.constant 8 : i32
        %div3A_782 = arith.divsi %scan3A_726, %jit3A_781 : i32
        %sign3A_783 = arith.constant 0 : i32
        %sign3A_784 = arith.cmpi sgt, %scan3A_726, %sign3A_783 : i32
        %sign3A_785 = arith.extui %sign3A_784 : i1 to i32
        %sign3A_786 = arith.constant 0 : i32
        %sign3A_787 = arith.cmpi slt, %scan3A_726, %sign3A_786 : i32
        %sign3A_788 = arith.extui %sign3A_787 : i1 to i32
        %sign3A_789 = arith.subi %sign3A_785, %sign3A_788 : i32
        %sign3A_790 = arith.constant 0 : i32
        %sign3A_791 = arith.cmpi sgt, %jit3A_781, %sign3A_790 : i32
        %sign3A_792 = arith.extui %sign3A_791 : i1 to i32
        %sign3A_793 = arith.constant 0 : i32
        %sign3A_794 = arith.cmpi slt, %jit3A_781, %sign3A_793 : i32
        %sign3A_795 = arith.extui %sign3A_794 : i1 to i32
        %sign3A_796 = arith.subi %sign3A_792, %sign3A_795 : i32
        %ne3A_797 = arith.cmpi ne, %sign3A_789, %sign3A_796 : i32
        %rem3A_798 = arith.remsi %scan3A_726, %jit3A_781 : i32
        %ne3A_799 = arith.constant 0 : i32
        %ne3A_800 = arith.cmpi ne, %rem3A_798, %ne3A_799 : i32
        %and3A_801 = arith.andi %ne3A_797, %ne3A_800 : i1
        %sub3A_802 = arith.constant 1 : i32
        %sub3A_803 = arith.subi %div3A_782, %sub3A_802 : i32
        %select_n3A_804 = arith.select %and3A_801, %sub3A_803, %div3A_782 : i32
        %mul3A_805 = arith.constant 16 : i32
        %mul3A_806 = arith.muli %scan3A_726, %mul3A_805 : i32
        %jit3A_807 = arith.constant 128 : i32
        %eq3A_808 = arith.constant 0 : i32
        %eq3A_809 = arith.cmpi eq, %jit3A_807, %eq3A_808 : i32
        %jit3A_810 = arith.constant 1 : i32
        %select_n3A_811 = arith.select %eq3A_809, %jit3A_810, %jit3A_807 : i32
        %rem3A_812 = arith.remsi %mul3A_806, %select_n3A_811 : i32
        %ne3A_813 = arith.constant 0 : i32
        %ne3A_814 = arith.cmpi ne, %rem3A_812, %ne3A_813 : i32
        %lt3A_815 = arith.constant 0 : i32
        %lt3A_816 = arith.cmpi slt, %rem3A_812, %lt3A_815 : i32
        %lt3A_817 = arith.constant 0 : i32
        %lt3A_818 = arith.cmpi slt, %select_n3A_811, %lt3A_817 : i32
        %ne3A_819 = arith.xori %lt3A_816, %lt3A_818 : i1
        %and3A_820 = arith.andi %ne3A_819, %ne3A_814 : i1
        %add3A_821 = arith.addi %rem3A_812, %select_n3A_811 : i32
        %select_n3A_822 = arith.select %and3A_820, %add3A_821, %rem3A_812 : i32
        %add3A_823 = arith.constant 0 : i32
        %add3A_824 = arith.addi %add3A_823, %select_n3A_804 : i32
        %swap3A_825 = arith.index_cast %select_n3A_150 : i32 to index
        %swap3A_826 = arith.index_cast %add3A_824 : i32 to index
        %swap3A_827 = arith.index_cast %select_n3A_822 : i32 to index
        %swap3A_828 = tpu.vector_load %arg7[%swap3A_825, %swap3A_826, %swap3A_827] {strides = array<i32>} : memref<2x64x128xi32, #tpu.memory_space<vmem>>, vector<1x1x16xi32>,
        %swap3A_829 = vector.shape_cast %swap3A_828 : vector<1x1x16xi32> to vector<16xi32>
        %swap3A_830 = vector.shape_cast %add3A_780 : vector<16xi32> to vector<1x1x16xi32>
        tpu.vector_store %arg7[%swap3A_825, %swap3A_826, %swap3A_827], %swap3A_830 {strides = array<i32>} : memref<2x64x128xi32, #tpu.memory_space<vmem>>, vector<1x1x16xi32>,
        %add3A_831 = arith.constant 1 : i32
        %add3A_832 = vector.broadcast %add3A_831 : i32 to vector<16xi32>
        %add3A_833 = arith.addi %add3A_780, %add3A_832 : vector<16xi32>
        %add3A_834 = arith.constant 16 : i32
        %add3A_835 = arith.addi %add3A_834, %select_n3A_804 : i32
        %swap3A_836 = arith.index_cast %select_n3A_150 : i32 to index
        %swap3A_837 = arith.index_cast %add3A_835 : i32 to index
        %swap3A_838 = arith.index_cast %select_n3A_822 : i32 to index
        %swap3A_839 = tpu.vector_load %arg7[%swap3A_836, %swap3A_837, %swap3A_838] {strides = array<i32>} : memref<2x64x128xi32, #tpu.memory_space<vmem>>, vector<1x1x16xi32>,
        %swap3A_840 = vector.shape_cast %swap3A_839 : vector<1x1x16xi32> to vector<16xi32>
        %swap3A_841 = vector.shape_cast %add3A_833 : vector<16xi32> to vector<1x1x16xi32>
        tpu.vector_store %arg7[%swap3A_836, %swap3A_837, %swap3A_838], %swap3A_841 {strides = array<i32>} : memref<2x64x128xi32, #tpu.memory_space<vmem>>, vector<1x1x16xi32>,
        %add3A_842 = arith.constant 515 : i32
        %add3A_843 = vector.broadcast %add3A_842 : i32 to vector<16xi32>
        %add3A_844 = arith.addi %add3A_780, %add3A_843 : vector<16xi32>
        %add3A_845 = arith.constant 32 : i32
        %add3A_846 = arith.addi %add3A_845, %select_n3A_804 : i32
        %swap3A_847 = arith.index_cast %select_n3A_150 : i32 to index
        %swap3A_848 = arith.index_cast %add3A_846 : i32 to index
        %swap3A_849 = arith.index_cast %select_n3A_822 : i32 to index
        %swap3A_850 = tpu.vector_load %arg7[%swap3A_847, %swap3A_848, %swap3A_849] {strides = array<i32>} : memref<2x64x128xi32, #tpu.memory_space<vmem>>, vector<1x1x16xi32>,
        %swap3A_851 = vector.shape_cast %swap3A_850 : vector<1x1x16xi32> to vector<16xi32>
        %swap3A_852 = vector.shape_cast %add3A_844 : vector<16xi32> to vector<1x1x16xi32>
        tpu.vector_store %arg7[%swap3A_847, %swap3A_848, %swap3A_849], %swap3A_852 {strides = array<i32>} : memref<2x64x128xi32, #tpu.memory_space<vmem>>, vector<1x1x16xi32>,
        %add3A_853 = arith.constant 515 : i32
        %add3A_854 = vector.broadcast %add3A_853 : i32 to vector<16xi32>
        %add3A_855 = arith.addi %add3A_780, %add3A_854 : vector<16xi32>
        %add3A_856 = arith.constant 1 : i32
        %add3A_857 = vector.broadcast %add3A_856 : i32 to vector<16xi32>
        %add3A_858 = arith.addi %add3A_855, %add3A_857 : vector<16xi32>
        %add3A_859 = arith.constant 48 : i32
        %add3A_860 = arith.addi %add3A_859, %select_n3A_804 : i32
        %swap3A_861 = arith.index_cast %select_n3A_150 : i32 to index
        %swap3A_862 = arith.index_cast %add3A_860 : i32 to index
        %swap3A_863 = arith.index_cast %select_n3A_822 : i32 to index
        %swap3A_864 = tpu.vector_load %arg7[%swap3A_861, %swap3A_862, %swap3A_863] {strides = array<i32>} : memref<2x64x128xi32, #tpu.memory_space<vmem>>, vector<1x1x16xi32>,
        %swap3A_865 = vector.shape_cast %swap3A_864 : vector<1x1x16xi32> to vector<16xi32>
        %swap3A_866 = vector.shape_cast %add3A_858 : vector<16xi32> to vector<1x1x16xi32>
        tpu.vector_store %arg7[%swap3A_861, %swap3A_862, %swap3A_863], %swap3A_866 {strides = array<i32>} : memref<2x64x128xi32, #tpu.memory_space<vmem>>, vector<1x1x16xi32>,
        %mul3A_867 = arith.constant 16 : i32
        %mul3A_868 = arith.muli %scan3A_726, %mul3A_867 : i32
        %mul3A_869 = arith.mulf %sub3A_771, %sub3A_774 : vector<16xf32>
        %add3A_870 = arith.constant 0 : i32
        %add3A_871 = arith.addi %add3A_870, %mul3A_868 : i32
        %swap3A_872 = arith.index_cast %select_n3A_150 : i32 to index
        %swap3A_873 = arith.index_cast %add3A_871 : i32 to index
        %swap3A_874 = tpu.vector_load %arg8[%swap3A_872, %swap3A_873] {strides = array<i32>} : memref<2x8192xf32, #tpu.memory_space<vmem>>, vector<1x16xf32>,
        %swap3A_875 = vector.shape_cast %swap3A_874 : vector<1x16xf32> to vector<16xf32>
        %swap3A_876 = vector.shape_cast %mul3A_869 : vector<16xf32> to vector<1x16xf32>
        tpu.vector_store %arg8[%swap3A_872, %swap3A_873], %swap3A_876 {strides = array<i32>} : memref<2x8192xf32, #tpu.memory_space<vmem>>, vector<1x16xf32>,
        %mul3A_877 = arith.mulf %sub3A_771, %sub3A_768 : vector<16xf32>
        %add3A_878 = arith.constant 2048 : i32
        %add3A_879 = arith.addi %add3A_878, %mul3A_868 : i32
        %swap3A_880 = arith.index_cast %select_n3A_150 : i32 to index
        %swap3A_881 = arith.index_cast %add3A_879 : i32 to index
        %swap3A_882 = tpu.vector_load %arg8[%swap3A_880, %swap3A_881] {strides = array<i32>} : memref<2x8192xf32, #tpu.memory_space<vmem>>, vector<1x16xf32>,
        %swap3A_883 = vector.shape_cast %swap3A_882 : vector<1x16xf32> to vector<16xf32>
        %swap3A_884 = vector.shape_cast %mul3A_877 : vector<16xf32> to vector<1x16xf32>
        tpu.vector_store %arg8[%swap3A_880, %swap3A_881], %swap3A_884 {strides = array<i32>} : memref<2x8192xf32, #tpu.memory_space<vmem>>, vector<1x16xf32>,
        %mul3A_885 = arith.mulf %sub3A_766, %sub3A_774 : vector<16xf32>
        %add3A_886 = arith.constant 4096 : i32
        %add3A_887 = arith.addi %add3A_886, %mul3A_868 : i32
        %swap3A_888 = arith.index_cast %select_n3A_150 : i32 to index
        %swap3A_889 = arith.index_cast %add3A_887 : i32 to index
        %swap3A_890 = tpu.vector_load %arg8[%swap3A_888, %swap3A_889] {strides = array<i32>} : memref<2x8192xf32, #tpu.memory_space<vmem>>, vector<1x16xf32>,
        %swap3A_891 = vector.shape_cast %swap3A_890 : vector<1x16xf32> to vector<16xf32>
        %swap3A_892 = vector.shape_cast %mul3A_885 : vector<16xf32> to vector<1x16xf32>
        tpu.vector_store %arg8[%swap3A_888, %swap3A_889], %swap3A_892 {strides = array<i32>} : memref<2x8192xf32, #tpu.memory_space<vmem>>, vector<1x16xf32>,
        %mul3A_893 = arith.mulf %sub3A_766, %sub3A_768 : vector<16xf32>
        %add3A_894 = arith.constant 6144 : i32
        %add3A_895 = arith.addi %add3A_894, %mul3A_868 : i32
        %swap3A_896 = arith.index_cast %select_n3A_150 : i32 to index
        %swap3A_897 = arith.index_cast %add3A_895 : i32 to index
        %swap3A_898 = tpu.vector_load %arg8[%swap3A_896, %swap3A_897] {strides = array<i32>} : memref<2x8192xf32, #tpu.memory_space<vmem>>, vector<1x16xf32>,
        %swap3A_899 = vector.shape_cast %swap3A_898 : vector<1x16xf32> to vector<16xf32>
        %swap3A_900 = vector.shape_cast %mul3A_893 : vector<16xf32> to vector<1x16xf32>
        tpu.vector_store %arg8[%swap3A_896, %swap3A_897], %swap3A_900 {strides = array<i32>} : memref<2x8192xf32, #tpu.memory_space<vmem>>, vector<1x16xf32>,
        %scan3A_901 = arith.constant 4 : i32
        %scan3A_902 = arith.addi %scan3A_202, %scan3A_901 : i32
        %mul3A_903 = arith.constant 16 : i32
        %mul3A_904 = arith.muli %scan3A_902, %mul3A_903 : i32
        %get3A_905 = arith.index_cast %select_n3A_150 : i32 to index
        %get3A_906 = arith.index_cast %mul3A_904 : i32 to index
        %get3A_907 = tpu.vector_load %arg5[%get3A_905, %get3A_906] {strides = array<i32>} : memref<2x2048xf32, #tpu.memory_space<vmem>>, vector<1x16xf32>,
        %get3A_908 = vector.shape_cast %get3A_907 : vector<1x16xf32> to vector<16xf32>
        %mul3A_909 = arith.constant 16 : i32
        %mul3A_910 = arith.muli %scan3A_902, %mul3A_909 : i32
        %get3A_911 = arith.index_cast %select_n3A_150 : i32 to index
        %get3A_912 = arith.index_cast %mul3A_910 : i32 to index
        %get3A_913 = tpu.vector_load %arg6[%get3A_911, %get3A_912] {strides = array<i32>} : memref<2x2048xf32, #tpu.memory_space<vmem>>, vector<1x16xf32>,
        %get3A_914 = vector.shape_cast %get3A_913 : vector<1x16xf32> to vector<16xf32>
        %mul3A_915 = arith.constant 2.560000e+02 : f32
        %mul3A_916 = vector.broadcast %mul3A_915 : f32 to vector<16xf32>
        %mul3A_917 = arith.mulf %get3A_908, %mul3A_916 : vector<16xf32>
        %add3A_918 = arith.constant 2.570000e+02 : f32
        %add3A_919 = vector.broadcast %add3A_918 : f32 to vector<16xf32>
        %add3A_920 = arith.addf %mul3A_917, %add3A_919 : vector<16xf32>
        %mul3A_921 = arith.constant 2.560000e+02 : f32
        %mul3A_922 = vector.broadcast %mul3A_921 : f32 to vector<16xf32>
        %mul3A_923 = arith.mulf %get3A_914, %mul3A_922 : vector<16xf32>
        %add3A_924 = arith.constant 2.570000e+02 : f32
        %add3A_925 = vector.broadcast %add3A_924 : f32 to vector<16xf32>
        %add3A_926 = arith.addf %mul3A_923, %add3A_925 : vector<16xf32>
        %max3A_927 = arith.constant 0.000000e+00 : f32
        %max3A_928 = vector.broadcast %max3A_927 : f32 to vector<16xf32>
        %max3A_929 = arith.maximumf %add3A_920, %max3A_928 : vector<16xf32>
        %min3A_930 = arith.constant 5.130000e+02 : f32
        %min3A_931 = vector.broadcast %min3A_930 : f32 to vector<16xf32>
        %min3A_932 = arith.minimumf %max3A_929, %min3A_931 : vector<16xf32>
        %max3A_933 = arith.constant 0.000000e+00 : f32
        %max3A_934 = vector.broadcast %max3A_933 : f32 to vector<16xf32>
        %max3A_935 = arith.maximumf %add3A_926, %max3A_934 : vector<16xf32>
        %min3A_936 = arith.constant 5.130000e+02 : f32
        %min3A_937 = vector.broadcast %min3A_936 : f32 to vector<16xf32>
        %min3A_938 = arith.minimumf %max3A_935, %min3A_937 : vector<16xf32>
        %convert_element_type3A_939 = arith.fptosi %min3A_932 : vector<16xf32> to vector<16xi32>
        %convert_element_type3A_940 = arith.fptosi %min3A_938 : vector<16xf32> to vector<16xi32>
        %convert_element_type3A_941 = arith.sitofp %convert_element_type3A_939 : vector<16xi32> to vector<16xf32>
        %sub3A_942 = arith.subf %min3A_932, %convert_element_type3A_941 : vector<16xf32>
        %convert_element_type3A_943 = arith.sitofp %convert_element_type3A_940 : vector<16xi32> to vector<16xf32>
        %sub3A_944 = arith.subf %min3A_938, %convert_element_type3A_943 : vector<16xf32>
        %sub3A_945 = arith.constant 1.000000e+00 : f32
        %sub3A_946 = vector.broadcast %sub3A_945 : f32 to vector<16xf32>
        %sub3A_947 = arith.subf %sub3A_946, %sub3A_942 : vector<16xf32>
        %sub3A_948 = arith.constant 1.000000e+00 : f32
        %sub3A_949 = vector.broadcast %sub3A_948 : f32 to vector<16xf32>
        %sub3A_950 = arith.subf %sub3A_949, %sub3A_944 : vector<16xf32>
        %mul3A_951 = arith.constant 515 : i32
        %mul3A_952 = vector.broadcast %mul3A_951 : i32 to vector<16xi32>
        %mul3A_953 = arith.muli %convert_element_type3A_939, %mul3A_952 : vector<16xi32>
        %add3A_954 = vector.broadcast %mul3A_173 : i32 to vector<16xi32>
        %add3A_955 = arith.addi %add3A_954, %mul3A_953 : vector<16xi32>
        %add3A_956 = arith.addi %add3A_955, %convert_element_type3A_940 : vector<16xi32>
        %jit3A_957 = arith.constant 8 : i32
        %div3A_958 = arith.divsi %scan3A_902, %jit3A_957 : i32
        %sign3A_959 = arith.constant 0 : i32
        %sign3A_960 = arith.cmpi sgt, %scan3A_902, %sign3A_959 : i32
        %sign3A_961 = arith.extui %sign3A_960 : i1 to i32
        %sign3A_962 = arith.constant 0 : i32
        %sign3A_963 = arith.cmpi slt, %scan3A_902, %sign3A_962 : i32
        %sign3A_964 = arith.extui %sign3A_963 : i1 to i32
        %sign3A_965 = arith.subi %sign3A_961, %sign3A_964 : i32
        %sign3A_966 = arith.constant 0 : i32
        %sign3A_967 = arith.cmpi sgt, %jit3A_957, %sign3A_966 : i32
        %sign3A_968 = arith.extui %sign3A_967 : i1 to i32
        %sign3A_969 = arith.constant 0 : i32
        %sign3A_970 = arith.cmpi slt, %jit3A_957, %sign3A_969 : i32
        %sign3A_971 = arith.extui %sign3A_970 : i1 to i32
        %sign3A_972 = arith.subi %sign3A_968, %sign3A_971 : i32
        %ne3A_973 = arith.cmpi ne, %sign3A_965, %sign3A_972 : i32
        %rem3A_974 = arith.remsi %scan3A_902, %jit3A_957 : i32
        %ne3A_975 = arith.constant 0 : i32
        %ne3A_976 = arith.cmpi ne, %rem3A_974, %ne3A_975 : i32
        %and3A_977 = arith.andi %ne3A_973, %ne3A_976 : i1
        %sub3A_978 = arith.constant 1 : i32
        %sub3A_979 = arith.subi %div3A_958, %sub3A_978 : i32
        %select_n3A_980 = arith.select %and3A_977, %sub3A_979, %div3A_958 : i32
        %mul3A_981 = arith.constant 16 : i32
        %mul3A_982 = arith.muli %scan3A_902, %mul3A_981 : i32
        %jit3A_983 = arith.constant 128 : i32
        %eq3A_984 = arith.constant 0 : i32
        %eq3A_985 = arith.cmpi eq, %jit3A_983, %eq3A_984 : i32
        %jit3A_986 = arith.constant 1 : i32
        %select_n3A_987 = arith.select %eq3A_985, %jit3A_986, %jit3A_983 : i32
        %rem3A_988 = arith.remsi %mul3A_982, %select_n3A_987 : i32
        %ne3A_989 = arith.constant 0 : i32
        %ne3A_990 = arith.cmpi ne, %rem3A_988, %ne3A_989 : i32
        %lt3A_991 = arith.constant 0 : i32
        %lt3A_992 = arith.cmpi slt, %rem3A_988, %lt3A_991 : i32
        %lt3A_993 = arith.constant 0 : i32
        %lt3A_994 = arith.cmpi slt, %select_n3A_987, %lt3A_993 : i32
        %ne3A_995 = arith.xori %lt3A_992, %lt3A_994 : i1
        %and3A_996 = arith.andi %ne3A_995, %ne3A_990 : i1
        %add3A_997 = arith.addi %rem3A_988, %select_n3A_987 : i32
        %select_n3A_998 = arith.select %and3A_996, %add3A_997, %rem3A_988 : i32
        %add3A_999 = arith.constant 0 : i32
        %add3A_1000 = arith.addi %add3A_999, %select_n3A_980 : i32
        %swap3A_1001 = arith.index_cast %select_n3A_150 : i32 to index
        %swap3A_1002 = arith.index_cast %add3A_1000 : i32 to index
        %swap3A_1003 = arith.index_cast %select_n3A_998 : i32 to index
        %swap3A_1004 = tpu.vector_load %arg7[%swap3A_1001, %swap3A_1002, %swap3A_1003] {strides = array<i32>} : memref<2x64x128xi32, #tpu.memory_space<vmem>>, vector<1x1x16xi32>,
        %swap3A_1005 = vector.shape_cast %swap3A_1004 : vector<1x1x16xi32> to vector<16xi32>
        %swap3A_1006 = vector.shape_cast %add3A_956 : vector<16xi32> to vector<1x1x16xi32>
        tpu.vector_store %arg7[%swap3A_1001, %swap3A_1002, %swap3A_1003], %swap3A_1006 {strides = array<i32>} : memref<2x64x128xi32, #tpu.memory_space<vmem>>, vector<1x1x16xi32>,
        %add3A_1007 = arith.constant 1 : i32
        %add3A_1008 = vector.broadcast %add3A_1007 : i32 to vector<16xi32>
        %add3A_1009 = arith.addi %add3A_956, %add3A_1008 : vector<16xi32>
        %add3A_1010 = arith.constant 16 : i32
        %add3A_1011 = arith.addi %add3A_1010, %select_n3A_980 : i32
        %swap3A_1012 = arith.index_cast %select_n3A_150 : i32 to index
        %swap3A_1013 = arith.index_cast %add3A_1011 : i32 to index
        %swap3A_1014 = arith.index_cast %select_n3A_998 : i32 to index
        %swap3A_1015 = tpu.vector_load %arg7[%swap3A_1012, %swap3A_1013, %swap3A_1014] {strides = array<i32>} : memref<2x64x128xi32, #tpu.memory_space<vmem>>, vector<1x1x16xi32>,
        %swap3A_1016 = vector.shape_cast %swap3A_1015 : vector<1x1x16xi32> to vector<16xi32>
        %swap3A_1017 = vector.shape_cast %add3A_1009 : vector<16xi32> to vector<1x1x16xi32>
        tpu.vector_store %arg7[%swap3A_1012, %swap3A_1013, %swap3A_1014], %swap3A_1017 {strides = array<i32>} : memref<2x64x128xi32, #tpu.memory_space<vmem>>, vector<1x1x16xi32>,
        %add3A_1018 = arith.constant 515 : i32
        %add3A_1019 = vector.broadcast %add3A_1018 : i32 to vector<16xi32>
        %add3A_1020 = arith.addi %add3A_956, %add3A_1019 : vector<16xi32>
        %add3A_1021 = arith.constant 32 : i32
        %add3A_1022 = arith.addi %add3A_1021, %select_n3A_980 : i32
        %swap3A_1023 = arith.index_cast %select_n3A_150 : i32 to index
        %swap3A_1024 = arith.index_cast %add3A_1022 : i32 to index
        %swap3A_1025 = arith.index_cast %select_n3A_998 : i32 to index
        %swap3A_1026 = tpu.vector_load %arg7[%swap3A_1023, %swap3A_1024, %swap3A_1025] {strides = array<i32>} : memref<2x64x128xi32, #tpu.memory_space<vmem>>, vector<1x1x16xi32>,
        %swap3A_1027 = vector.shape_cast %swap3A_1026 : vector<1x1x16xi32> to vector<16xi32>
        %swap3A_1028 = vector.shape_cast %add3A_1020 : vector<16xi32> to vector<1x1x16xi32>
        tpu.vector_store %arg7[%swap3A_1023, %swap3A_1024, %swap3A_1025], %swap3A_1028 {strides = array<i32>} : memref<2x64x128xi32, #tpu.memory_space<vmem>>, vector<1x1x16xi32>,
        %add3A_1029 = arith.constant 515 : i32
        %add3A_1030 = vector.broadcast %add3A_1029 : i32 to vector<16xi32>
        %add3A_1031 = arith.addi %add3A_956, %add3A_1030 : vector<16xi32>
        %add3A_1032 = arith.constant 1 : i32
        %add3A_1033 = vector.broadcast %add3A_1032 : i32 to vector<16xi32>
        %add3A_1034 = arith.addi %add3A_1031, %add3A_1033 : vector<16xi32>
        %add3A_1035 = arith.constant 48 : i32
        %add3A_1036 = arith.addi %add3A_1035, %select_n3A_980 : i32
        %swap3A_1037 = arith.index_cast %select_n3A_150 : i32 to index
        %swap3A_1038 = arith.index_cast %add3A_1036 : i32 to index
        %swap3A_1039 = arith.index_cast %select_n3A_998 : i32 to index
        %swap3A_1040 = tpu.vector_load %arg7[%swap3A_1037, %swap3A_1038, %swap3A_1039] {strides = array<i32>} : memref<2x64x128xi32, #tpu.memory_space<vmem>>, vector<1x1x16xi32>,
        %swap3A_1041 = vector.shape_cast %swap3A_1040 : vector<1x1x16xi32> to vector<16xi32>
        %swap3A_1042 = vector.shape_cast %add3A_1034 : vector<16xi32> to vector<1x1x16xi32>
        tpu.vector_store %arg7[%swap3A_1037, %swap3A_1038, %swap3A_1039], %swap3A_1042 {strides = array<i32>} : memref<2x64x128xi32, #tpu.memory_space<vmem>>, vector<1x1x16xi32>,
        %mul3A_1043 = arith.constant 16 : i32
        %mul3A_1044 = arith.muli %scan3A_902, %mul3A_1043 : i32
        %mul3A_1045 = arith.mulf %sub3A_947, %sub3A_950 : vector<16xf32>
        %add3A_1046 = arith.constant 0 : i32
        %add3A_1047 = arith.addi %add3A_1046, %mul3A_1044 : i32
        %swap3A_1048 = arith.index_cast %select_n3A_150 : i32 to index
        %swap3A_1049 = arith.index_cast %add3A_1047 : i32 to index
        %swap3A_1050 = tpu.vector_load %arg8[%swap3A_1048, %swap3A_1049] {strides = array<i32>} : memref<2x8192xf32, #tpu.memory_space<vmem>>, vector<1x16xf32>,
        %swap3A_1051 = vector.shape_cast %swap3A_1050 : vector<1x16xf32> to vector<16xf32>
        %swap3A_1052 = vector.shape_cast %mul3A_1045 : vector<16xf32> to vector<1x16xf32>
        tpu.vector_store %arg8[%swap3A_1048, %swap3A_1049], %swap3A_1052 {strides = array<i32>} : memref<2x8192xf32, #tpu.memory_space<vmem>>, vector<1x16xf32>,
        %mul3A_1053 = arith.mulf %sub3A_947, %sub3A_944 : vector<16xf32>
        %add3A_1054 = arith.constant 2048 : i32
        %add3A_1055 = arith.addi %add3A_1054, %mul3A_1044 : i32
        %swap3A_1056 = arith.index_cast %select_n3A_150 : i32 to index
        %swap3A_1057 = arith.index_cast %add3A_1055 : i32 to index
        %swap3A_1058 = tpu.vector_load %arg8[%swap3A_1056, %swap3A_1057] {strides = array<i32>} : memref<2x8192xf32, #tpu.memory_space<vmem>>, vector<1x16xf32>,
        %swap3A_1059 = vector.shape_cast %swap3A_1058 : vector<1x16xf32> to vector<16xf32>
        %swap3A_1060 = vector.shape_cast %mul3A_1053 : vector<16xf32> to vector<1x16xf32>
        tpu.vector_store %arg8[%swap3A_1056, %swap3A_1057], %swap3A_1060 {strides = array<i32>} : memref<2x8192xf32, #tpu.memory_space<vmem>>, vector<1x16xf32>,
        %mul3A_1061 = arith.mulf %sub3A_942, %sub3A_950 : vector<16xf32>
        %add3A_1062 = arith.constant 4096 : i32
        %add3A_1063 = arith.addi %add3A_1062, %mul3A_1044 : i32
        %swap3A_1064 = arith.index_cast %select_n3A_150 : i32 to index
        %swap3A_1065 = arith.index_cast %add3A_1063 : i32 to index
        %swap3A_1066 = tpu.vector_load %arg8[%swap3A_1064, %swap3A_1065] {strides = array<i32>} : memref<2x8192xf32, #tpu.memory_space<vmem>>, vector<1x16xf32>,
        %swap3A_1067 = vector.shape_cast %swap3A_1066 : vector<1x16xf32> to vector<16xf32>
        %swap3A_1068 = vector.shape_cast %mul3A_1061 : vector<16xf32> to vector<1x16xf32>
        tpu.vector_store %arg8[%swap3A_1064, %swap3A_1065], %swap3A_1068 {strides = array<i32>} : memref<2x8192xf32, #tpu.memory_space<vmem>>, vector<1x16xf32>,
        %mul3A_1069 = arith.mulf %sub3A_942, %sub3A_944 : vector<16xf32>
        %add3A_1070 = arith.constant 6144 : i32
        %add3A_1071 = arith.addi %add3A_1070, %mul3A_1044 : i32
        %swap3A_1072 = arith.index_cast %select_n3A_150 : i32 to index
        %swap3A_1073 = arith.index_cast %add3A_1071 : i32 to index
        %swap3A_1074 = tpu.vector_load %arg8[%swap3A_1072, %swap3A_1073] {strides = array<i32>} : memref<2x8192xf32, #tpu.memory_space<vmem>>, vector<1x16xf32>,
        %swap3A_1075 = vector.shape_cast %swap3A_1074 : vector<1x16xf32> to vector<16xf32>
        %swap3A_1076 = vector.shape_cast %mul3A_1069 : vector<16xf32> to vector<1x16xf32>
        tpu.vector_store %arg8[%swap3A_1072, %swap3A_1073], %swap3A_1076 {strides = array<i32>} : memref<2x8192xf32, #tpu.memory_space<vmem>>, vector<1x16xf32>,
        %scan3A_1077 = arith.constant 5 : i32
        %scan3A_1078 = arith.addi %scan3A_202, %scan3A_1077 : i32
        %mul3A_1079 = arith.constant 16 : i32
        %mul3A_1080 = arith.muli %scan3A_1078, %mul3A_1079 : i32
        %get3A_1081 = arith.index_cast %select_n3A_150 : i32 to index
        %get3A_1082 = arith.index_cast %mul3A_1080 : i32 to index
        %get3A_1083 = tpu.vector_load %arg5[%get3A_1081, %get3A_1082] {strides = array<i32>} : memref<2x2048xf32, #tpu.memory_space<vmem>>, vector<1x16xf32>,
        %get3A_1084 = vector.shape_cast %get3A_1083 : vector<1x16xf32> to vector<16xf32>
        %mul3A_1085 = arith.constant 16 : i32
        %mul3A_1086 = arith.muli %scan3A_1078, %mul3A_1085 : i32
        %get3A_1087 = arith.index_cast %select_n3A_150 : i32 to index
        %get3A_1088 = arith.index_cast %mul3A_1086 : i32 to index
        %get3A_1089 = tpu.vector_load %arg6[%get3A_1087, %get3A_1088] {strides = array<i32>} : memref<2x2048xf32, #tpu.memory_space<vmem>>, vector<1x16xf32>,
        %get3A_1090 = vector.shape_cast %get3A_1089 : vector<1x16xf32> to vector<16xf32>
        %mul3A_1091 = arith.constant 2.560000e+02 : f32
        %mul3A_1092 = vector.broadcast %mul3A_1091 : f32 to vector<16xf32>
        %mul3A_1093 = arith.mulf %get3A_1084, %mul3A_1092 : vector<16xf32>
        %add3A_1094 = arith.constant 2.570000e+02 : f32
        %add3A_1095 = vector.broadcast %add3A_1094 : f32 to vector<16xf32>
        %add3A_1096 = arith.addf %mul3A_1093, %add3A_1095 : vector<16xf32>
        %mul3A_1097 = arith.constant 2.560000e+02 : f32
        %mul3A_1098 = vector.broadcast %mul3A_1097 : f32 to vector<16xf32>
        %mul3A_1099 = arith.mulf %get3A_1090, %mul3A_1098 : vector<16xf32>
        %add3A_1100 = arith.constant 2.570000e+02 : f32
        %add3A_1101 = vector.broadcast %add3A_1100 : f32 to vector<16xf32>
        %add3A_1102 = arith.addf %mul3A_1099, %add3A_1101 : vector<16xf32>
        %max3A_1103 = arith.constant 0.000000e+00 : f32
        %max3A_1104 = vector.broadcast %max3A_1103 : f32 to vector<16xf32>
        %max3A_1105 = arith.maximumf %add3A_1096, %max3A_1104 : vector<16xf32>
        %min3A_1106 = arith.constant 5.130000e+02 : f32
        %min3A_1107 = vector.broadcast %min3A_1106 : f32 to vector<16xf32>
        %min3A_1108 = arith.minimumf %max3A_1105, %min3A_1107 : vector<16xf32>
        %max3A_1109 = arith.constant 0.000000e+00 : f32
        %max3A_1110 = vector.broadcast %max3A_1109 : f32 to vector<16xf32>
        %max3A_1111 = arith.maximumf %add3A_1102, %max3A_1110 : vector<16xf32>
        %min3A_1112 = arith.constant 5.130000e+02 : f32
        %min3A_1113 = vector.broadcast %min3A_1112 : f32 to vector<16xf32>
        %min3A_1114 = arith.minimumf %max3A_1111, %min3A_1113 : vector<16xf32>
        %convert_element_type3A_1115 = arith.fptosi %min3A_1108 : vector<16xf32> to vector<16xi32>
        %convert_element_type3A_1116 = arith.fptosi %min3A_1114 : vector<16xf32> to vector<16xi32>
        %convert_element_type3A_1117 = arith.sitofp %convert_element_type3A_1115 : vector<16xi32> to vector<16xf32>
        %sub3A_1118 = arith.subf %min3A_1108, %convert_element_type3A_1117 : vector<16xf32>
        %convert_element_type3A_1119 = arith.sitofp %convert_element_type3A_1116 : vector<16xi32> to vector<16xf32>
        %sub3A_1120 = arith.subf %min3A_1114, %convert_element_type3A_1119 : vector<16xf32>
        %sub3A_1121 = arith.constant 1.000000e+00 : f32
        %sub3A_1122 = vector.broadcast %sub3A_1121 : f32 to vector<16xf32>
        %sub3A_1123 = arith.subf %sub3A_1122, %sub3A_1118 : vector<16xf32>
        %sub3A_1124 = arith.constant 1.000000e+00 : f32
        %sub3A_1125 = vector.broadcast %sub3A_1124 : f32 to vector<16xf32>
        %sub3A_1126 = arith.subf %sub3A_1125, %sub3A_1120 : vector<16xf32>
        %mul3A_1127 = arith.constant 515 : i32
        %mul3A_1128 = vector.broadcast %mul3A_1127 : i32 to vector<16xi32>
        %mul3A_1129 = arith.muli %convert_element_type3A_1115, %mul3A_1128 : vector<16xi32>
        %add3A_1130 = vector.broadcast %mul3A_173 : i32 to vector<16xi32>
        %add3A_1131 = arith.addi %add3A_1130, %mul3A_1129 : vector<16xi32>
        %add3A_1132 = arith.addi %add3A_1131, %convert_element_type3A_1116 : vector<16xi32>
        %jit3A_1133 = arith.constant 8 : i32
        %div3A_1134 = arith.divsi %scan3A_1078, %jit3A_1133 : i32
        %sign3A_1135 = arith.constant 0 : i32
        %sign3A_1136 = arith.cmpi sgt, %scan3A_1078, %sign3A_1135 : i32
        %sign3A_1137 = arith.extui %sign3A_1136 : i1 to i32
        %sign3A_1138 = arith.constant 0 : i32
        %sign3A_1139 = arith.cmpi slt, %scan3A_1078, %sign3A_1138 : i32
        %sign3A_1140 = arith.extui %sign3A_1139 : i1 to i32
        %sign3A_1141 = arith.subi %sign3A_1137, %sign3A_1140 : i32
        %sign3A_1142 = arith.constant 0 : i32
        %sign3A_1143 = arith.cmpi sgt, %jit3A_1133, %sign3A_1142 : i32
        %sign3A_1144 = arith.extui %sign3A_1143 : i1 to i32
        %sign3A_1145 = arith.constant 0 : i32
        %sign3A_1146 = arith.cmpi slt, %jit3A_1133, %sign3A_1145 : i32
        %sign3A_1147 = arith.extui %sign3A_1146 : i1 to i32
        %sign3A_1148 = arith.subi %sign3A_1144, %sign3A_1147 : i32
        %ne3A_1149 = arith.cmpi ne, %sign3A_1141, %sign3A_1148 : i32
        %rem3A_1150 = arith.remsi %scan3A_1078, %jit3A_1133 : i32
        %ne3A_1151 = arith.constant 0 : i32
        %ne3A_1152 = arith.cmpi ne, %rem3A_1150, %ne3A_1151 : i32
        %and3A_1153 = arith.andi %ne3A_1149, %ne3A_1152 : i1
        %sub3A_1154 = arith.constant 1 : i32
        %sub3A_1155 = arith.subi %div3A_1134, %sub3A_1154 : i32
        %select_n3A_1156 = arith.select %and3A_1153, %sub3A_1155, %div3A_1134 : i32
        %mul3A_1157 = arith.constant 16 : i32
        %mul3A_1158 = arith.muli %scan3A_1078, %mul3A_1157 : i32
        %jit3A_1159 = arith.constant 128 : i32
        %eq3A_1160 = arith.constant 0 : i32
        %eq3A_1161 = arith.cmpi eq, %jit3A_1159, %eq3A_1160 : i32
        %jit3A_1162 = arith.constant 1 : i32
        %select_n3A_1163 = arith.select %eq3A_1161, %jit3A_1162, %jit3A_1159 : i32
        %rem3A_1164 = arith.remsi %mul3A_1158, %select_n3A_1163 : i32
        %ne3A_1165 = arith.constant 0 : i32
        %ne3A_1166 = arith.cmpi ne, %rem3A_1164, %ne3A_1165 : i32
        %lt3A_1167 = arith.constant 0 : i32
        %lt3A_1168 = arith.cmpi slt, %rem3A_1164, %lt3A_1167 : i32
        %lt3A_1169 = arith.constant 0 : i32
        %lt3A_1170 = arith.cmpi slt, %select_n3A_1163, %lt3A_1169 : i32
        %ne3A_1171 = arith.xori %lt3A_1168, %lt3A_1170 : i1
        %and3A_1172 = arith.andi %ne3A_1171, %ne3A_1166 : i1
        %add3A_1173 = arith.addi %rem3A_1164, %select_n3A_1163 : i32
        %select_n3A_1174 = arith.select %and3A_1172, %add3A_1173, %rem3A_1164 : i32
        %add3A_1175 = arith.constant 0 : i32
        %add3A_1176 = arith.addi %add3A_1175, %select_n3A_1156 : i32
        %swap3A_1177 = arith.index_cast %select_n3A_150 : i32 to index
        %swap3A_1178 = arith.index_cast %add3A_1176 : i32 to index
        %swap3A_1179 = arith.index_cast %select_n3A_1174 : i32 to index
        %swap3A_1180 = tpu.vector_load %arg7[%swap3A_1177, %swap3A_1178, %swap3A_1179] {strides = array<i32>} : memref<2x64x128xi32, #tpu.memory_space<vmem>>, vector<1x1x16xi32>,
        %swap3A_1181 = vector.shape_cast %swap3A_1180 : vector<1x1x16xi32> to vector<16xi32>
        %swap3A_1182 = vector.shape_cast %add3A_1132 : vector<16xi32> to vector<1x1x16xi32>
        tpu.vector_store %arg7[%swap3A_1177, %swap3A_1178, %swap3A_1179], %swap3A_1182 {strides = array<i32>} : memref<2x64x128xi32, #tpu.memory_space<vmem>>, vector<1x1x16xi32>,
        %add3A_1183 = arith.constant 1 : i32
        %add3A_1184 = vector.broadcast %add3A_1183 : i32 to vector<16xi32>
        %add3A_1185 = arith.addi %add3A_1132, %add3A_1184 : vector<16xi32>
        %add3A_1186 = arith.constant 16 : i32
        %add3A_1187 = arith.addi %add3A_1186, %select_n3A_1156 : i32
        %swap3A_1188 = arith.index_cast %select_n3A_150 : i32 to index
        %swap3A_1189 = arith.index_cast %add3A_1187 : i32 to index
        %swap3A_1190 = arith.index_cast %select_n3A_1174 : i32 to index
        %swap3A_1191 = tpu.vector_load %arg7[%swap3A_1188, %swap3A_1189, %swap3A_1190] {strides = array<i32>} : memref<2x64x128xi32, #tpu.memory_space<vmem>>, vector<1x1x16xi32>,
        %swap3A_1192 = vector.shape_cast %swap3A_1191 : vector<1x1x16xi32> to vector<16xi32>
        %swap3A_1193 = vector.shape_cast %add3A_1185 : vector<16xi32> to vector<1x1x16xi32>
        tpu.vector_store %arg7[%swap3A_1188, %swap3A_1189, %swap3A_1190], %swap3A_1193 {strides = array<i32>} : memref<2x64x128xi32, #tpu.memory_space<vmem>>, vector<1x1x16xi32>,
        %add3A_1194 = arith.constant 515 : i32
        %add3A_1195 = vector.broadcast %add3A_1194 : i32 to vector<16xi32>
        %add3A_1196 = arith.addi %add3A_1132, %add3A_1195 : vector<16xi32>
        %add3A_1197 = arith.constant 32 : i32
        %add3A_1198 = arith.addi %add3A_1197, %select_n3A_1156 : i32
        %swap3A_1199 = arith.index_cast %select_n3A_150 : i32 to index
        %swap3A_1200 = arith.index_cast %add3A_1198 : i32 to index
        %swap3A_1201 = arith.index_cast %select_n3A_1174 : i32 to index
        %swap3A_1202 = tpu.vector_load %arg7[%swap3A_1199, %swap3A_1200, %swap3A_1201] {strides = array<i32>} : memref<2x64x128xi32, #tpu.memory_space<vmem>>, vector<1x1x16xi32>,
        %swap3A_1203 = vector.shape_cast %swap3A_1202 : vector<1x1x16xi32> to vector<16xi32>
        %swap3A_1204 = vector.shape_cast %add3A_1196 : vector<16xi32> to vector<1x1x16xi32>
        tpu.vector_store %arg7[%swap3A_1199, %swap3A_1200, %swap3A_1201], %swap3A_1204 {strides = array<i32>} : memref<2x64x128xi32, #tpu.memory_space<vmem>>, vector<1x1x16xi32>,
        %add3A_1205 = arith.constant 515 : i32
        %add3A_1206 = vector.broadcast %add3A_1205 : i32 to vector<16xi32>
        %add3A_1207 = arith.addi %add3A_1132, %add3A_1206 : vector<16xi32>
        %add3A_1208 = arith.constant 1 : i32
        %add3A_1209 = vector.broadcast %add3A_1208 : i32 to vector<16xi32>
        %add3A_1210 = arith.addi %add3A_1207, %add3A_1209 : vector<16xi32>
        %add3A_1211 = arith.constant 48 : i32
        %add3A_1212 = arith.addi %add3A_1211, %select_n3A_1156 : i32
        %swap3A_1213 = arith.index_cast %select_n3A_150 : i32 to index
        %swap3A_1214 = arith.index_cast %add3A_1212 : i32 to index
        %swap3A_1215 = arith.index_cast %select_n3A_1174 : i32 to index
        %swap3A_1216 = tpu.vector_load %arg7[%swap3A_1213, %swap3A_1214, %swap3A_1215] {strides = array<i32>} : memref<2x64x128xi32, #tpu.memory_space<vmem>>, vector<1x1x16xi32>,
        %swap3A_1217 = vector.shape_cast %swap3A_1216 : vector<1x1x16xi32> to vector<16xi32>
        %swap3A_1218 = vector.shape_cast %add3A_1210 : vector<16xi32> to vector<1x1x16xi32>
        tpu.vector_store %arg7[%swap3A_1213, %swap3A_1214, %swap3A_1215], %swap3A_1218 {strides = array<i32>} : memref<2x64x128xi32, #tpu.memory_space<vmem>>, vector<1x1x16xi32>,
        %mul3A_1219 = arith.constant 16 : i32
        %mul3A_1220 = arith.muli %scan3A_1078, %mul3A_1219 : i32
        %mul3A_1221 = arith.mulf %sub3A_1123, %sub3A_1126 : vector<16xf32>
        %add3A_1222 = arith.constant 0 : i32
        %add3A_1223 = arith.addi %add3A_1222, %mul3A_1220 : i32
        %swap3A_1224 = arith.index_cast %select_n3A_150 : i32 to index
        %swap3A_1225 = arith.index_cast %add3A_1223 : i32 to index
        %swap3A_1226 = tpu.vector_load %arg8[%swap3A_1224, %swap3A_1225] {strides = array<i32>} : memref<2x8192xf32, #tpu.memory_space<vmem>>, vector<1x16xf32>,
        %swap3A_1227 = vector.shape_cast %swap3A_1226 : vector<1x16xf32> to vector<16xf32>
        %swap3A_1228 = vector.shape_cast %mul3A_1221 : vector<16xf32> to vector<1x16xf32>
        tpu.vector_store %arg8[%swap3A_1224, %swap3A_1225], %swap3A_1228 {strides = array<i32>} : memref<2x8192xf32, #tpu.memory_space<vmem>>, vector<1x16xf32>,
        %mul3A_1229 = arith.mulf %sub3A_1123, %sub3A_1120 : vector<16xf32>
        %add3A_1230 = arith.constant 2048 : i32
        %add3A_1231 = arith.addi %add3A_1230, %mul3A_1220 : i32
        %swap3A_1232 = arith.index_cast %select_n3A_150 : i32 to index
        %swap3A_1233 = arith.index_cast %add3A_1231 : i32 to index
        %swap3A_1234 = tpu.vector_load %arg8[%swap3A_1232, %swap3A_1233] {strides = array<i32>} : memref<2x8192xf32, #tpu.memory_space<vmem>>, vector<1x16xf32>,
        %swap3A_1235 = vector.shape_cast %swap3A_1234 : vector<1x16xf32> to vector<16xf32>
        %swap3A_1236 = vector.shape_cast %mul3A_1229 : vector<16xf32> to vector<1x16xf32>
        tpu.vector_store %arg8[%swap3A_1232, %swap3A_1233], %swap3A_1236 {strides = array<i32>} : memref<2x8192xf32, #tpu.memory_space<vmem>>, vector<1x16xf32>,
        %mul3A_1237 = arith.mulf %sub3A_1118, %sub3A_1126 : vector<16xf32>
        %add3A_1238 = arith.constant 4096 : i32
        %add3A_1239 = arith.addi %add3A_1238, %mul3A_1220 : i32
        %swap3A_1240 = arith.index_cast %select_n3A_150 : i32 to index
        %swap3A_1241 = arith.index_cast %add3A_1239 : i32 to index
        %swap3A_1242 = tpu.vector_load %arg8[%swap3A_1240, %swap3A_1241] {strides = array<i32>} : memref<2x8192xf32, #tpu.memory_space<vmem>>, vector<1x16xf32>,
        %swap3A_1243 = vector.shape_cast %swap3A_1242 : vector<1x16xf32> to vector<16xf32>
        %swap3A_1244 = vector.shape_cast %mul3A_1237 : vector<16xf32> to vector<1x16xf32>
        tpu.vector_store %arg8[%swap3A_1240, %swap3A_1241], %swap3A_1244 {strides = array<i32>} : memref<2x8192xf32, #tpu.memory_space<vmem>>, vector<1x16xf32>,
        %mul3A_1245 = arith.mulf %sub3A_1118, %sub3A_1120 : vector<16xf32>
        %add3A_1246 = arith.constant 6144 : i32
        %add3A_1247 = arith.addi %add3A_1246, %mul3A_1220 : i32
        %swap3A_1248 = arith.index_cast %select_n3A_150 : i32 to index
        %swap3A_1249 = arith.index_cast %add3A_1247 : i32 to index
        %swap3A_1250 = tpu.vector_load %arg8[%swap3A_1248, %swap3A_1249] {strides = array<i32>} : memref<2x8192xf32, #tpu.memory_space<vmem>>, vector<1x16xf32>,
        %swap3A_1251 = vector.shape_cast %swap3A_1250 : vector<1x16xf32> to vector<16xf32>
        %swap3A_1252 = vector.shape_cast %mul3A_1245 : vector<16xf32> to vector<1x16xf32>
        tpu.vector_store %arg8[%swap3A_1248, %swap3A_1249], %swap3A_1252 {strides = array<i32>} : memref<2x8192xf32, #tpu.memory_space<vmem>>, vector<1x16xf32>,
        %scan3A_1253 = arith.constant 6 : i32
        %scan3A_1254 = arith.addi %scan3A_202, %scan3A_1253 : i32
        %mul3A_1255 = arith.constant 16 : i32
        %mul3A_1256 = arith.muli %scan3A_1254, %mul3A_1255 : i32
        %get3A_1257 = arith.index_cast %select_n3A_150 : i32 to index
        %get3A_1258 = arith.index_cast %mul3A_1256 : i32 to index
        %get3A_1259 = tpu.vector_load %arg5[%get3A_1257, %get3A_1258] {strides = array<i32>} : memref<2x2048xf32, #tpu.memory_space<vmem>>, vector<1x16xf32>,
        %get3A_1260 = vector.shape_cast %get3A_1259 : vector<1x16xf32> to vector<16xf32>
        %mul3A_1261 = arith.constant 16 : i32
        %mul3A_1262 = arith.muli %scan3A_1254, %mul3A_1261 : i32
        %get3A_1263 = arith.index_cast %select_n3A_150 : i32 to index
        %get3A_1264 = arith.index_cast %mul3A_1262 : i32 to index
        %get3A_1265 = tpu.vector_load %arg6[%get3A_1263, %get3A_1264] {strides = array<i32>} : memref<2x2048xf32, #tpu.memory_space<vmem>>, vector<1x16xf32>,
        %get3A_1266 = vector.shape_cast %get3A_1265 : vector<1x16xf32> to vector<16xf32>
        %mul3A_1267 = arith.constant 2.560000e+02 : f32
        %mul3A_1268 = vector.broadcast %mul3A_1267 : f32 to vector<16xf32>
        %mul3A_1269 = arith.mulf %get3A_1260, %mul3A_1268 : vector<16xf32>
        %add3A_1270 = arith.constant 2.570000e+02 : f32
        %add3A_1271 = vector.broadcast %add3A_1270 : f32 to vector<16xf32>
        %add3A_1272 = arith.addf %mul3A_1269, %add3A_1271 : vector<16xf32>
        %mul3A_1273 = arith.constant 2.560000e+02 : f32
        %mul3A_1274 = vector.broadcast %mul3A_1273 : f32 to vector<16xf32>
        %mul3A_1275 = arith.mulf %get3A_1266, %mul3A_1274 : vector<16xf32>
        %add3A_1276 = arith.constant 2.570000e+02 : f32
        %add3A_1277 = vector.broadcast %add3A_1276 : f32 to vector<16xf32>
        %add3A_1278 = arith.addf %mul3A_1275, %add3A_1277 : vector<16xf32>
        %max3A_1279 = arith.constant 0.000000e+00 : f32
        %max3A_1280 = vector.broadcast %max3A_1279 : f32 to vector<16xf32>
        %max3A_1281 = arith.maximumf %add3A_1272, %max3A_1280 : vector<16xf32>
        %min3A_1282 = arith.constant 5.130000e+02 : f32
        %min3A_1283 = vector.broadcast %min3A_1282 : f32 to vector<16xf32>
        %min3A_1284 = arith.minimumf %max3A_1281, %min3A_1283 : vector<16xf32>
        %max3A_1285 = arith.constant 0.000000e+00 : f32
        %max3A_1286 = vector.broadcast %max3A_1285 : f32 to vector<16xf32>
        %max3A_1287 = arith.maximumf %add3A_1278, %max3A_1286 : vector<16xf32>
        %min3A_1288 = arith.constant 5.130000e+02 : f32
        %min3A_1289 = vector.broadcast %min3A_1288 : f32 to vector<16xf32>
        %min3A_1290 = arith.minimumf %max3A_1287, %min3A_1289 : vector<16xf32>
        %convert_element_type3A_1291 = arith.fptosi %min3A_1284 : vector<16xf32> to vector<16xi32>
        %convert_element_type3A_1292 = arith.fptosi %min3A_1290 : vector<16xf32> to vector<16xi32>
        %convert_element_type3A_1293 = arith.sitofp %convert_element_type3A_1291 : vector<16xi32> to vector<16xf32>
        %sub3A_1294 = arith.subf %min3A_1284, %convert_element_type3A_1293 : vector<16xf32>
        %convert_element_type3A_1295 = arith.sitofp %convert_element_type3A_1292 : vector<16xi32> to vector<16xf32>
        %sub3A_1296 = arith.subf %min3A_1290, %convert_element_type3A_1295 : vector<16xf32>
        %sub3A_1297 = arith.constant 1.000000e+00 : f32
        %sub3A_1298 = vector.broadcast %sub3A_1297 : f32 to vector<16xf32>
        %sub3A_1299 = arith.subf %sub3A_1298, %sub3A_1294 : vector<16xf32>
        %sub3A_1300 = arith.constant 1.000000e+00 : f32
        %sub3A_1301 = vector.broadcast %sub3A_1300 : f32 to vector<16xf32>
        %sub3A_1302 = arith.subf %sub3A_1301, %sub3A_1296 : vector<16xf32>
        %mul3A_1303 = arith.constant 515 : i32
        %mul3A_1304 = vector.broadcast %mul3A_1303 : i32 to vector<16xi32>
        %mul3A_1305 = arith.muli %convert_element_type3A_1291, %mul3A_1304 : vector<16xi32>
        %add3A_1306 = vector.broadcast %mul3A_173 : i32 to vector<16xi32>
        %add3A_1307 = arith.addi %add3A_1306, %mul3A_1305 : vector<16xi32>
        %add3A_1308 = arith.addi %add3A_1307, %convert_element_type3A_1292 : vector<16xi32>
        %jit3A_1309 = arith.constant 8 : i32
        %div3A_1310 = arith.divsi %scan3A_1254, %jit3A_1309 : i32
        %sign3A_1311 = arith.constant 0 : i32
        %sign3A_1312 = arith.cmpi sgt, %scan3A_1254, %sign3A_1311 : i32
        %sign3A_1313 = arith.extui %sign3A_1312 : i1 to i32
        %sign3A_1314 = arith.constant 0 : i32
        %sign3A_1315 = arith.cmpi slt, %scan3A_1254, %sign3A_1314 : i32
        %sign3A_1316 = arith.extui %sign3A_1315 : i1 to i32
        %sign3A_1317 = arith.subi %sign3A_1313, %sign3A_1316 : i32
        %sign3A_1318 = arith.constant 0 : i32
        %sign3A_1319 = arith.cmpi sgt, %jit3A_1309, %sign3A_1318 : i32
        %sign3A_1320 = arith.extui %sign3A_1319 : i1 to i32
        %sign3A_1321 = arith.constant 0 : i32
        %sign3A_1322 = arith.cmpi slt, %jit3A_1309, %sign3A_1321 : i32
        %sign3A_1323 = arith.extui %sign3A_1322 : i1 to i32
        %sign3A_1324 = arith.subi %sign3A_1320, %sign3A_1323 : i32
        %ne3A_1325 = arith.cmpi ne, %sign3A_1317, %sign3A_1324 : i32
        %rem3A_1326 = arith.remsi %scan3A_1254, %jit3A_1309 : i32
        %ne3A_1327 = arith.constant 0 : i32
        %ne3A_1328 = arith.cmpi ne, %rem3A_1326, %ne3A_1327 : i32
        %and3A_1329 = arith.andi %ne3A_1325, %ne3A_1328 : i1
        %sub3A_1330 = arith.constant 1 : i32
        %sub3A_1331 = arith.subi %div3A_1310, %sub3A_1330 : i32
        %select_n3A_1332 = arith.select %and3A_1329, %sub3A_1331, %div3A_1310 : i32
        %mul3A_1333 = arith.constant 16 : i32
        %mul3A_1334 = arith.muli %scan3A_1254, %mul3A_1333 : i32
        %jit3A_1335 = arith.constant 128 : i32
        %eq3A_1336 = arith.constant 0 : i32
        %eq3A_1337 = arith.cmpi eq, %jit3A_1335, %eq3A_1336 : i32
        %jit3A_1338 = arith.constant 1 : i32
        %select_n3A_1339 = arith.select %eq3A_1337, %jit3A_1338, %jit3A_1335 : i32
        %rem3A_1340 = arith.remsi %mul3A_1334, %select_n3A_1339 : i32
        %ne3A_1341 = arith.constant 0 : i32
        %ne3A_1342 = arith.cmpi ne, %rem3A_1340, %ne3A_1341 : i32
        %lt3A_1343 = arith.constant 0 : i32
        %lt3A_1344 = arith.cmpi slt, %rem3A_1340, %lt3A_1343 : i32
        %lt3A_1345 = arith.constant 0 : i32
        %lt3A_1346 = arith.cmpi slt, %select_n3A_1339, %lt3A_1345 : i32
        %ne3A_1347 = arith.xori %lt3A_1344, %lt3A_1346 : i1
        %and3A_1348 = arith.andi %ne3A_1347, %ne3A_1342 : i1
        %add3A_1349 = arith.addi %rem3A_1340, %select_n3A_1339 : i32
        %select_n3A_1350 = arith.select %and3A_1348, %add3A_1349, %rem3A_1340 : i32
        %add3A_1351 = arith.constant 0 : i32
        %add3A_1352 = arith.addi %add3A_1351, %select_n3A_1332 : i32
        %swap3A_1353 = arith.index_cast %select_n3A_150 : i32 to index
        %swap3A_1354 = arith.index_cast %add3A_1352 : i32 to index
        %swap3A_1355 = arith.index_cast %select_n3A_1350 : i32 to index
        %swap3A_1356 = tpu.vector_load %arg7[%swap3A_1353, %swap3A_1354, %swap3A_1355] {strides = array<i32>} : memref<2x64x128xi32, #tpu.memory_space<vmem>>, vector<1x1x16xi32>,
        %swap3A_1357 = vector.shape_cast %swap3A_1356 : vector<1x1x16xi32> to vector<16xi32>
        %swap3A_1358 = vector.shape_cast %add3A_1308 : vector<16xi32> to vector<1x1x16xi32>
        tpu.vector_store %arg7[%swap3A_1353, %swap3A_1354, %swap3A_1355], %swap3A_1358 {strides = array<i32>} : memref<2x64x128xi32, #tpu.memory_space<vmem>>, vector<1x1x16xi32>,
        %add3A_1359 = arith.constant 1 : i32
        %add3A_1360 = vector.broadcast %add3A_1359 : i32 to vector<16xi32>
        %add3A_1361 = arith.addi %add3A_1308, %add3A_1360 : vector<16xi32>
        %add3A_1362 = arith.constant 16 : i32
        %add3A_1363 = arith.addi %add3A_1362, %select_n3A_1332 : i32
        %swap3A_1364 = arith.index_cast %select_n3A_150 : i32 to index
        %swap3A_1365 = arith.index_cast %add3A_1363 : i32 to index
        %swap3A_1366 = arith.index_cast %select_n3A_1350 : i32 to index
        %swap3A_1367 = tpu.vector_load %arg7[%swap3A_1364, %swap3A_1365, %swap3A_1366] {strides = array<i32>} : memref<2x64x128xi32, #tpu.memory_space<vmem>>, vector<1x1x16xi32>,
        %swap3A_1368 = vector.shape_cast %swap3A_1367 : vector<1x1x16xi32> to vector<16xi32>
        %swap3A_1369 = vector.shape_cast %add3A_1361 : vector<16xi32> to vector<1x1x16xi32>
        tpu.vector_store %arg7[%swap3A_1364, %swap3A_1365, %swap3A_1366], %swap3A_1369 {strides = array<i32>} : memref<2x64x128xi32, #tpu.memory_space<vmem>>, vector<1x1x16xi32>,
        %add3A_1370 = arith.constant 515 : i32
        %add3A_1371 = vector.broadcast %add3A_1370 : i32 to vector<16xi32>
        %add3A_1372 = arith.addi %add3A_1308, %add3A_1371 : vector<16xi32>
        %add3A_1373 = arith.constant 32 : i32
        %add3A_1374 = arith.addi %add3A_1373, %select_n3A_1332 : i32
        %swap3A_1375 = arith.index_cast %select_n3A_150 : i32 to index
        %swap3A_1376 = arith.index_cast %add3A_1374 : i32 to index
        %swap3A_1377 = arith.index_cast %select_n3A_1350 : i32 to index
        %swap3A_1378 = tpu.vector_load %arg7[%swap3A_1375, %swap3A_1376, %swap3A_1377] {strides = array<i32>} : memref<2x64x128xi32, #tpu.memory_space<vmem>>, vector<1x1x16xi32>,
        %swap3A_1379 = vector.shape_cast %swap3A_1378 : vector<1x1x16xi32> to vector<16xi32>
        %swap3A_1380 = vector.shape_cast %add3A_1372 : vector<16xi32> to vector<1x1x16xi32>
        tpu.vector_store %arg7[%swap3A_1375, %swap3A_1376, %swap3A_1377], %swap3A_1380 {strides = array<i32>} : memref<2x64x128xi32, #tpu.memory_space<vmem>>, vector<1x1x16xi32>,
        %add3A_1381 = arith.constant 515 : i32
        %add3A_1382 = vector.broadcast %add3A_1381 : i32 to vector<16xi32>
        %add3A_1383 = arith.addi %add3A_1308, %add3A_1382 : vector<16xi32>
        %add3A_1384 = arith.constant 1 : i32
        %add3A_1385 = vector.broadcast %add3A_1384 : i32 to vector<16xi32>
        %add3A_1386 = arith.addi %add3A_1383, %add3A_1385 : vector<16xi32>
        %add3A_1387 = arith.constant 48 : i32
        %add3A_1388 = arith.addi %add3A_1387, %select_n3A_1332 : i32
        %swap3A_1389 = arith.index_cast %select_n3A_150 : i32 to index
        %swap3A_1390 = arith.index_cast %add3A_1388 : i32 to index
        %swap3A_1391 = arith.index_cast %select_n3A_1350 : i32 to index
        %swap3A_1392 = tpu.vector_load %arg7[%swap3A_1389, %swap3A_1390, %swap3A_1391] {strides = array<i32>} : memref<2x64x128xi32, #tpu.memory_space<vmem>>, vector<1x1x16xi32>,
        %swap3A_1393 = vector.shape_cast %swap3A_1392 : vector<1x1x16xi32> to vector<16xi32>
        %swap3A_1394 = vector.shape_cast %add3A_1386 : vector<16xi32> to vector<1x1x16xi32>
        tpu.vector_store %arg7[%swap3A_1389, %swap3A_1390, %swap3A_1391], %swap3A_1394 {strides = array<i32>} : memref<2x64x128xi32, #tpu.memory_space<vmem>>, vector<1x1x16xi32>,
        %mul3A_1395 = arith.constant 16 : i32
        %mul3A_1396 = arith.muli %scan3A_1254, %mul3A_1395 : i32
        %mul3A_1397 = arith.mulf %sub3A_1299, %sub3A_1302 : vector<16xf32>
        %add3A_1398 = arith.constant 0 : i32
        %add3A_1399 = arith.addi %add3A_1398, %mul3A_1396 : i32
        %swap3A_1400 = arith.index_cast %select_n3A_150 : i32 to index
        %swap3A_1401 = arith.index_cast %add3A_1399 : i32 to index
        %swap3A_1402 = tpu.vector_load %arg8[%swap3A_1400, %swap3A_1401] {strides = array<i32>} : memref<2x8192xf32, #tpu.memory_space<vmem>>, vector<1x16xf32>,
        %swap3A_1403 = vector.shape_cast %swap3A_1402 : vector<1x16xf32> to vector<16xf32>
        %swap3A_1404 = vector.shape_cast %mul3A_1397 : vector<16xf32> to vector<1x16xf32>
        tpu.vector_store %arg8[%swap3A_1400, %swap3A_1401], %swap3A_1404 {strides = array<i32>} : memref<2x8192xf32, #tpu.memory_space<vmem>>, vector<1x16xf32>,
        %mul3A_1405 = arith.mulf %sub3A_1299, %sub3A_1296 : vector<16xf32>
        %add3A_1406 = arith.constant 2048 : i32
        %add3A_1407 = arith.addi %add3A_1406, %mul3A_1396 : i32
        %swap3A_1408 = arith.index_cast %select_n3A_150 : i32 to index
        %swap3A_1409 = arith.index_cast %add3A_1407 : i32 to index
        %swap3A_1410 = tpu.vector_load %arg8[%swap3A_1408, %swap3A_1409] {strides = array<i32>} : memref<2x8192xf32, #tpu.memory_space<vmem>>, vector<1x16xf32>,
        %swap3A_1411 = vector.shape_cast %swap3A_1410 : vector<1x16xf32> to vector<16xf32>
        %swap3A_1412 = vector.shape_cast %mul3A_1405 : vector<16xf32> to vector<1x16xf32>
        tpu.vector_store %arg8[%swap3A_1408, %swap3A_1409], %swap3A_1412 {strides = array<i32>} : memref<2x8192xf32, #tpu.memory_space<vmem>>, vector<1x16xf32>,
        %mul3A_1413 = arith.mulf %sub3A_1294, %sub3A_1302 : vector<16xf32>
        %add3A_1414 = arith.constant 4096 : i32
        %add3A_1415 = arith.addi %add3A_1414, %mul3A_1396 : i32
        %swap3A_1416 = arith.index_cast %select_n3A_150 : i32 to index
        %swap3A_1417 = arith.index_cast %add3A_1415 : i32 to index
        %swap3A_1418 = tpu.vector_load %arg8[%swap3A_1416, %swap3A_1417] {strides = array<i32>} : memref<2x8192xf32, #tpu.memory_space<vmem>>, vector<1x16xf32>,
        %swap3A_1419 = vector.shape_cast %swap3A_1418 : vector<1x16xf32> to vector<16xf32>
        %swap3A_1420 = vector.shape_cast %mul3A_1413 : vector<16xf32> to vector<1x16xf32>
        tpu.vector_store %arg8[%swap3A_1416, %swap3A_1417], %swap3A_1420 {strides = array<i32>} : memref<2x8192xf32, #tpu.memory_space<vmem>>, vector<1x16xf32>,
        %mul3A_1421 = arith.mulf %sub3A_1294, %sub3A_1296 : vector<16xf32>
        %add3A_1422 = arith.constant 6144 : i32
        %add3A_1423 = arith.addi %add3A_1422, %mul3A_1396 : i32
        %swap3A_1424 = arith.index_cast %select_n3A_150 : i32 to index
        %swap3A_1425 = arith.index_cast %add3A_1423 : i32 to index
        %swap3A_1426 = tpu.vector_load %arg8[%swap3A_1424, %swap3A_1425] {strides = array<i32>} : memref<2x8192xf32, #tpu.memory_space<vmem>>, vector<1x16xf32>,
        %swap3A_1427 = vector.shape_cast %swap3A_1426 : vector<1x16xf32> to vector<16xf32>
        %swap3A_1428 = vector.shape_cast %mul3A_1421 : vector<16xf32> to vector<1x16xf32>
        tpu.vector_store %arg8[%swap3A_1424, %swap3A_1425], %swap3A_1428 {strides = array<i32>} : memref<2x8192xf32, #tpu.memory_space<vmem>>, vector<1x16xf32>,
        %scan3A_1429 = arith.constant 7 : i32
        %scan3A_1430 = arith.addi %scan3A_202, %scan3A_1429 : i32
        %mul3A_1431 = arith.constant 16 : i32
        %mul3A_1432 = arith.muli %scan3A_1430, %mul3A_1431 : i32
        %get3A_1433 = arith.index_cast %select_n3A_150 : i32 to index
        %get3A_1434 = arith.index_cast %mul3A_1432 : i32 to index
        %get3A_1435 = tpu.vector_load %arg5[%get3A_1433, %get3A_1434] {strides = array<i32>} : memref<2x2048xf32, #tpu.memory_space<vmem>>, vector<1x16xf32>,
        %get3A_1436 = vector.shape_cast %get3A_1435 : vector<1x16xf32> to vector<16xf32>
        %mul3A_1437 = arith.constant 16 : i32
        %mul3A_1438 = arith.muli %scan3A_1430, %mul3A_1437 : i32
        %get3A_1439 = arith.index_cast %select_n3A_150 : i32 to index
        %get3A_1440 = arith.index_cast %mul3A_1438 : i32 to index
        %get3A_1441 = tpu.vector_load %arg6[%get3A_1439, %get3A_1440] {strides = array<i32>} : memref<2x2048xf32, #tpu.memory_space<vmem>>, vector<1x16xf32>,
        %get3A_1442 = vector.shape_cast %get3A_1441 : vector<1x16xf32> to vector<16xf32>
        %mul3A_1443 = arith.constant 2.560000e+02 : f32
        %mul3A_1444 = vector.broadcast %mul3A_1443 : f32 to vector<16xf32>
        %mul3A_1445 = arith.mulf %get3A_1436, %mul3A_1444 : vector<16xf32>
        %add3A_1446 = arith.constant 2.570000e+02 : f32
        %add3A_1447 = vector.broadcast %add3A_1446 : f32 to vector<16xf32>
        %add3A_1448 = arith.addf %mul3A_1445, %add3A_1447 : vector<16xf32>
        %mul3A_1449 = arith.constant 2.560000e+02 : f32
        %mul3A_1450 = vector.broadcast %mul3A_1449 : f32 to vector<16xf32>
        %mul3A_1451 = arith.mulf %get3A_1442, %mul3A_1450 : vector<16xf32>
        %add3A_1452 = arith.constant 2.570000e+02 : f32
        %add3A_1453 = vector.broadcast %add3A_1452 : f32 to vector<16xf32>
        %add3A_1454 = arith.addf %mul3A_1451, %add3A_1453 : vector<16xf32>
        %max3A_1455 = arith.constant 0.000000e+00 : f32
        %max3A_1456 = vector.broadcast %max3A_1455 : f32 to vector<16xf32>
        %max3A_1457 = arith.maximumf %add3A_1448, %max3A_1456 : vector<16xf32>
        %min3A_1458 = arith.constant 5.130000e+02 : f32
        %min3A_1459 = vector.broadcast %min3A_1458 : f32 to vector<16xf32>
        %min3A_1460 = arith.minimumf %max3A_1457, %min3A_1459 : vector<16xf32>
        %max3A_1461 = arith.constant 0.000000e+00 : f32
        %max3A_1462 = vector.broadcast %max3A_1461 : f32 to vector<16xf32>
        %max3A_1463 = arith.maximumf %add3A_1454, %max3A_1462 : vector<16xf32>
        %min3A_1464 = arith.constant 5.130000e+02 : f32
        %min3A_1465 = vector.broadcast %min3A_1464 : f32 to vector<16xf32>
        %min3A_1466 = arith.minimumf %max3A_1463, %min3A_1465 : vector<16xf32>
        %convert_element_type3A_1467 = arith.fptosi %min3A_1460 : vector<16xf32> to vector<16xi32>
        %convert_element_type3A_1468 = arith.fptosi %min3A_1466 : vector<16xf32> to vector<16xi32>
        %convert_element_type3A_1469 = arith.sitofp %convert_element_type3A_1467 : vector<16xi32> to vector<16xf32>
        %sub3A_1470 = arith.subf %min3A_1460, %convert_element_type3A_1469 : vector<16xf32>
        %convert_element_type3A_1471 = arith.sitofp %convert_element_type3A_1468 : vector<16xi32> to vector<16xf32>
        %sub3A_1472 = arith.subf %min3A_1466, %convert_element_type3A_1471 : vector<16xf32>
        %sub3A_1473 = arith.constant 1.000000e+00 : f32
        %sub3A_1474 = vector.broadcast %sub3A_1473 : f32 to vector<16xf32>
        %sub3A_1475 = arith.subf %sub3A_1474, %sub3A_1470 : vector<16xf32>
        %sub3A_1476 = arith.constant 1.000000e+00 : f32
        %sub3A_1477 = vector.broadcast %sub3A_1476 : f32 to vector<16xf32>
        %sub3A_1478 = arith.subf %sub3A_1477, %sub3A_1472 : vector<16xf32>
        %mul3A_1479 = arith.constant 515 : i32
        %mul3A_1480 = vector.broadcast %mul3A_1479 : i32 to vector<16xi32>
        %mul3A_1481 = arith.muli %convert_element_type3A_1467, %mul3A_1480 : vector<16xi32>
        %add3A_1482 = vector.broadcast %mul3A_173 : i32 to vector<16xi32>
        %add3A_1483 = arith.addi %add3A_1482, %mul3A_1481 : vector<16xi32>
        %add3A_1484 = arith.addi %add3A_1483, %convert_element_type3A_1468 : vector<16xi32>
        %jit3A_1485 = arith.constant 8 : i32
        %div3A_1486 = arith.divsi %scan3A_1430, %jit3A_1485 : i32
        %sign3A_1487 = arith.constant 0 : i32
        %sign3A_1488 = arith.cmpi sgt, %scan3A_1430, %sign3A_1487 : i32
        %sign3A_1489 = arith.extui %sign3A_1488 : i1 to i32
        %sign3A_1490 = arith.constant 0 : i32
        %sign3A_1491 = arith.cmpi slt, %scan3A_1430, %sign3A_1490 : i32
        %sign3A_1492 = arith.extui %sign3A_1491 : i1 to i32
        %sign3A_1493 = arith.subi %sign3A_1489, %sign3A_1492 : i32
        %sign3A_1494 = arith.constant 0 : i32
        %sign3A_1495 = arith.cmpi sgt, %jit3A_1485, %sign3A_1494 : i32
        %sign3A_1496 = arith.extui %sign3A_1495 : i1 to i32
        %sign3A_1497 = arith.constant 0 : i32
        %sign3A_1498 = arith.cmpi slt, %jit3A_1485, %sign3A_1497 : i32
        %sign3A_1499 = arith.extui %sign3A_1498 : i1 to i32
        %sign3A_1500 = arith.subi %sign3A_1496, %sign3A_1499 : i32
        %ne3A_1501 = arith.cmpi ne, %sign3A_1493, %sign3A_1500 : i32
        %rem3A_1502 = arith.remsi %scan3A_1430, %jit3A_1485 : i32
        %ne3A_1503 = arith.constant 0 : i32
        %ne3A_1504 = arith.cmpi ne, %rem3A_1502, %ne3A_1503 : i32
        %and3A_1505 = arith.andi %ne3A_1501, %ne3A_1504 : i1
        %sub3A_1506 = arith.constant 1 : i32
        %sub3A_1507 = arith.subi %div3A_1486, %sub3A_1506 : i32
        %select_n3A_1508 = arith.select %and3A_1505, %sub3A_1507, %div3A_1486 : i32
        %mul3A_1509 = arith.constant 16 : i32
        %mul3A_1510 = arith.muli %scan3A_1430, %mul3A_1509 : i32
        %jit3A_1511 = arith.constant 128 : i32
        %eq3A_1512 = arith.constant 0 : i32
        %eq3A_1513 = arith.cmpi eq, %jit3A_1511, %eq3A_1512 : i32
        %jit3A_1514 = arith.constant 1 : i32
        %select_n3A_1515 = arith.select %eq3A_1513, %jit3A_1514, %jit3A_1511 : i32
        %rem3A_1516 = arith.remsi %mul3A_1510, %select_n3A_1515 : i32
        %ne3A_1517 = arith.constant 0 : i32
        %ne3A_1518 = arith.cmpi ne, %rem3A_1516, %ne3A_1517 : i32
        %lt3A_1519 = arith.constant 0 : i32
        %lt3A_1520 = arith.cmpi slt, %rem3A_1516, %lt3A_1519 : i32
        %lt3A_1521 = arith.constant 0 : i32
        %lt3A_1522 = arith.cmpi slt, %select_n3A_1515, %lt3A_1521 : i32
        %ne3A_1523 = arith.xori %lt3A_1520, %lt3A_1522 : i1
        %and3A_1524 = arith.andi %ne3A_1523, %ne3A_1518 : i1
        %add3A_1525 = arith.addi %rem3A_1516, %select_n3A_1515 : i32
        %select_n3A_1526 = arith.select %and3A_1524, %add3A_1525, %rem3A_1516 : i32
        %add3A_1527 = arith.constant 0 : i32
        %add3A_1528 = arith.addi %add3A_1527, %select_n3A_1508 : i32
        %swap3A_1529 = arith.index_cast %select_n3A_150 : i32 to index
        %swap3A_1530 = arith.index_cast %add3A_1528 : i32 to index
        %swap3A_1531 = arith.index_cast %select_n3A_1526 : i32 to index
        %swap3A_1532 = tpu.vector_load %arg7[%swap3A_1529, %swap3A_1530, %swap3A_1531] {strides = array<i32>} : memref<2x64x128xi32, #tpu.memory_space<vmem>>, vector<1x1x16xi32>,
        %swap3A_1533 = vector.shape_cast %swap3A_1532 : vector<1x1x16xi32> to vector<16xi32>
        %swap3A_1534 = vector.shape_cast %add3A_1484 : vector<16xi32> to vector<1x1x16xi32>
        tpu.vector_store %arg7[%swap3A_1529, %swap3A_1530, %swap3A_1531], %swap3A_1534 {strides = array<i32>} : memref<2x64x128xi32, #tpu.memory_space<vmem>>, vector<1x1x16xi32>,
        %add3A_1535 = arith.constant 1 : i32
        %add3A_1536 = vector.broadcast %add3A_1535 : i32 to vector<16xi32>
        %add3A_1537 = arith.addi %add3A_1484, %add3A_1536 : vector<16xi32>
        %add3A_1538 = arith.constant 16 : i32
        %add3A_1539 = arith.addi %add3A_1538, %select_n3A_1508 : i32
        %swap3A_1540 = arith.index_cast %select_n3A_150 : i32 to index
        %swap3A_1541 = arith.index_cast %add3A_1539 : i32 to index
        %swap3A_1542 = arith.index_cast %select_n3A_1526 : i32 to index
        %swap3A_1543 = tpu.vector_load %arg7[%swap3A_1540, %swap3A_1541, %swap3A_1542] {strides = array<i32>} : memref<2x64x128xi32, #tpu.memory_space<vmem>>, vector<1x1x16xi32>,
        %swap3A_1544 = vector.shape_cast %swap3A_1543 : vector<1x1x16xi32> to vector<16xi32>
        %swap3A_1545 = vector.shape_cast %add3A_1537 : vector<16xi32> to vector<1x1x16xi32>
        tpu.vector_store %arg7[%swap3A_1540, %swap3A_1541, %swap3A_1542], %swap3A_1545 {strides = array<i32>} : memref<2x64x128xi32, #tpu.memory_space<vmem>>, vector<1x1x16xi32>,
        %add3A_1546 = arith.constant 515 : i32
        %add3A_1547 = vector.broadcast %add3A_1546 : i32 to vector<16xi32>
        %add3A_1548 = arith.addi %add3A_1484, %add3A_1547 : vector<16xi32>
        %add3A_1549 = arith.constant 32 : i32
        %add3A_1550 = arith.addi %add3A_1549, %select_n3A_1508 : i32
        %swap3A_1551 = arith.index_cast %select_n3A_150 : i32 to index
        %swap3A_1552 = arith.index_cast %add3A_1550 : i32 to index
        %swap3A_1553 = arith.index_cast %select_n3A_1526 : i32 to index
        %swap3A_1554 = tpu.vector_load %arg7[%swap3A_1551, %swap3A_1552, %swap3A_1553] {strides = array<i32>} : memref<2x64x128xi32, #tpu.memory_space<vmem>>, vector<1x1x16xi32>,
        %swap3A_1555 = vector.shape_cast %swap3A_1554 : vector<1x1x16xi32> to vector<16xi32>
        %swap3A_1556 = vector.shape_cast %add3A_1548 : vector<16xi32> to vector<1x1x16xi32>
        tpu.vector_store %arg7[%swap3A_1551, %swap3A_1552, %swap3A_1553], %swap3A_1556 {strides = array<i32>} : memref<2x64x128xi32, #tpu.memory_space<vmem>>, vector<1x1x16xi32>,
        %add3A_1557 = arith.constant 515 : i32
        %add3A_1558 = vector.broadcast %add3A_1557 : i32 to vector<16xi32>
        %add3A_1559 = arith.addi %add3A_1484, %add3A_1558 : vector<16xi32>
        %add3A_1560 = arith.constant 1 : i32
        %add3A_1561 = vector.broadcast %add3A_1560 : i32 to vector<16xi32>
        %add3A_1562 = arith.addi %add3A_1559, %add3A_1561 : vector<16xi32>
        %add3A_1563 = arith.constant 48 : i32
        %add3A_1564 = arith.addi %add3A_1563, %select_n3A_1508 : i32
        %swap3A_1565 = arith.index_cast %select_n3A_150 : i32 to index
        %swap3A_1566 = arith.index_cast %add3A_1564 : i32 to index
        %swap3A_1567 = arith.index_cast %select_n3A_1526 : i32 to index
        %swap3A_1568 = tpu.vector_load %arg7[%swap3A_1565, %swap3A_1566, %swap3A_1567] {strides = array<i32>} : memref<2x64x128xi32, #tpu.memory_space<vmem>>, vector<1x1x16xi32>,
        %swap3A_1569 = vector.shape_cast %swap3A_1568 : vector<1x1x16xi32> to vector<16xi32>
        %swap3A_1570 = vector.shape_cast %add3A_1562 : vector<16xi32> to vector<1x1x16xi32>
        tpu.vector_store %arg7[%swap3A_1565, %swap3A_1566, %swap3A_1567], %swap3A_1570 {strides = array<i32>} : memref<2x64x128xi32, #tpu.memory_space<vmem>>, vector<1x1x16xi32>,
        %mul3A_1571 = arith.constant 16 : i32
        %mul3A_1572 = arith.muli %scan3A_1430, %mul3A_1571 : i32
        %mul3A_1573 = arith.mulf %sub3A_1475, %sub3A_1478 : vector<16xf32>
        %add3A_1574 = arith.constant 0 : i32
        %add3A_1575 = arith.addi %add3A_1574, %mul3A_1572 : i32
        %swap3A_1576 = arith.index_cast %select_n3A_150 : i32 to index
        %swap3A_1577 = arith.index_cast %add3A_1575 : i32 to index
        %swap3A_1578 = tpu.vector_load %arg8[%swap3A_1576, %swap3A_1577] {strides = array<i32>} : memref<2x8192xf32, #tpu.memory_space<vmem>>, vector<1x16xf32>,
        %swap3A_1579 = vector.shape_cast %swap3A_1578 : vector<1x16xf32> to vector<16xf32>
        %swap3A_1580 = vector.shape_cast %mul3A_1573 : vector<16xf32> to vector<1x16xf32>
        tpu.vector_store %arg8[%swap3A_1576, %swap3A_1577], %swap3A_1580 {strides = array<i32>} : memref<2x8192xf32, #tpu.memory_space<vmem>>, vector<1x16xf32>,
        %mul3A_1581 = arith.mulf %sub3A_1475, %sub3A_1472 : vector<16xf32>
        %add3A_1582 = arith.constant 2048 : i32
        %add3A_1583 = arith.addi %add3A_1582, %mul3A_1572 : i32
        %swap3A_1584 = arith.index_cast %select_n3A_150 : i32 to index
        %swap3A_1585 = arith.index_cast %add3A_1583 : i32 to index
        %swap3A_1586 = tpu.vector_load %arg8[%swap3A_1584, %swap3A_1585] {strides = array<i32>} : memref<2x8192xf32, #tpu.memory_space<vmem>>, vector<1x16xf32>,
        %swap3A_1587 = vector.shape_cast %swap3A_1586 : vector<1x16xf32> to vector<16xf32>
        %swap3A_1588 = vector.shape_cast %mul3A_1581 : vector<16xf32> to vector<1x16xf32>
        tpu.vector_store %arg8[%swap3A_1584, %swap3A_1585], %swap3A_1588 {strides = array<i32>} : memref<2x8192xf32, #tpu.memory_space<vmem>>, vector<1x16xf32>,
        %mul3A_1589 = arith.mulf %sub3A_1470, %sub3A_1478 : vector<16xf32>
        %add3A_1590 = arith.constant 4096 : i32
        %add3A_1591 = arith.addi %add3A_1590, %mul3A_1572 : i32
        %swap3A_1592 = arith.index_cast %select_n3A_150 : i32 to index
        %swap3A_1593 = arith.index_cast %add3A_1591 : i32 to index
        %swap3A_1594 = tpu.vector_load %arg8[%swap3A_1592, %swap3A_1593] {strides = array<i32>} : memref<2x8192xf32, #tpu.memory_space<vmem>>, vector<1x16xf32>,
        %swap3A_1595 = vector.shape_cast %swap3A_1594 : vector<1x16xf32> to vector<16xf32>
        %swap3A_1596 = vector.shape_cast %mul3A_1589 : vector<16xf32> to vector<1x16xf32>
        tpu.vector_store %arg8[%swap3A_1592, %swap3A_1593], %swap3A_1596 {strides = array<i32>} : memref<2x8192xf32, #tpu.memory_space<vmem>>, vector<1x16xf32>,
        %mul3A_1597 = arith.mulf %sub3A_1470, %sub3A_1472 : vector<16xf32>
        %add3A_1598 = arith.constant 6144 : i32
        %add3A_1599 = arith.addi %add3A_1598, %mul3A_1572 : i32
        %swap3A_1600 = arith.index_cast %select_n3A_150 : i32 to index
        %swap3A_1601 = arith.index_cast %add3A_1599 : i32 to index
        %swap3A_1602 = tpu.vector_load %arg8[%swap3A_1600, %swap3A_1601] {strides = array<i32>} : memref<2x8192xf32, #tpu.memory_space<vmem>>, vector<1x16xf32>,
        %swap3A_1603 = vector.shape_cast %swap3A_1602 : vector<1x16xf32> to vector<16xf32>
        %swap3A_1604 = vector.shape_cast %mul3A_1597 : vector<16xf32> to vector<1x16xf32>
        tpu.vector_store %arg8[%swap3A_1600, %swap3A_1601], %swap3A_1604 {strides = array<i32>} : memref<2x8192xf32, #tpu.memory_space<vmem>>, vector<1x16xf32>,
      }
      %scan3A_179 = arith.constant 128 : i32
      %jit3A_180 = arith.constant 2 : i32
      %eq3A_181 = arith.constant 0 : i32
      %eq3A_182 = arith.cmpi eq, %jit3A_180, %eq3A_181 : i32
      %jit3A_183 = arith.constant 1 : i32
      %select_n3A_184 = arith.select %eq3A_182, %jit3A_183, %jit3A_180 : i32
      %rem3A_185 = arith.remsi %scan3A_96, %select_n3A_184 : i32
      %ne3A_186 = arith.constant 0 : i32
      %ne3A_187 = arith.cmpi ne, %rem3A_185, %ne3A_186 : i32
      %lt3A_188 = arith.constant 0 : i32
      %lt3A_189 = arith.cmpi slt, %rem3A_185, %lt3A_188 : i32
      %lt3A_190 = arith.constant 0 : i32
      %lt3A_191 = arith.cmpi slt, %select_n3A_184, %lt3A_190 : i32
      %ne3A_192 = arith.xori %lt3A_189, %lt3A_191 : i1
      %and3A_193 = arith.andi %ne3A_192, %ne3A_187 : i1
      %add3A_194 = arith.addi %rem3A_185, %select_n3A_184 : i32
      %select_n3A_195 = arith.select %and3A_193, %add3A_194, %rem3A_185 : i32
      %scan3A_196 = arith.constant 0 : i32
      %scan3A_197 = arith.constant 0 : i32
      %scan3A_198 = arith.constant 64 : i32
      %scan3A_199 = arith.addi %scan3A_197, %scan3A_198 : i32
      %scan3A_200 = arith.constant 8 : i32
      scf.for %scan3A_202 = %scan3A_197 to %scan3A_199 step %scan3A_200  : i32 {
        %mul3A_203 = arith.constant 128 : i32
        %mul3A_204 = arith.muli %scan3A_202, %mul3A_203 : i32
        %dma_start3A_205 = tpu.memref_slice %arg8[%select_n3A_195, %mul3A_204] : memref<2x8192xf32, #tpu.memory_space<vmem>> -> memref<1x128xf32, #tpu.memory_space<vmem>>
        %dma_start3A_206 = tpu.memref_squeeze %dma_start3A_205 : memref<1x128xf32, #tpu.memory_space<vmem>> -> memref<128xf32, #tpu.memory_space<vmem>>
        %dma_start3A_207 = arith.constant 0 : i32
        %dma_start3A_208 = tpu.memref_slice %arg7[%select_n3A_195, %scan3A_202, %dma_start3A_207] : memref<2x64x128xi32, #tpu.memory_space<vmem>> -> memref<1x1x128xi32, #tpu.memory_space<vmem>>
        %dma_start3A_209 = tpu.memref_squeeze %dma_start3A_208 : memref<1x1x128xi32, #tpu.memory_space<vmem>> -> memref<128xi32, #tpu.memory_space<vmem>>
        %dma_start3A_210 = arith.constant 0 : i32
        %dma_start3A_211 = tpu.memref_slice %arg12[%dma_start3A_210] : memref<532480xf32, #tpu.memory_space<vmem_shared>> -> memref<532480xf32, #tpu.memory_space<vmem_shared>>
        tpu.enqueue_indirect_dma source(%dma_start3A_206 : memref<128xf32, #tpu.memory_space<vmem>>) target(%dma_start3A_211 : memref<532480xf32, #tpu.memory_space<vmem_shared>>) offsets(%dma_start3A_209 : memref<128xi32, #tpu.memory_space<vmem>>) semaphore(%arg14 : memref<!tpu.dma_semaphore, #tpu.memory_space<semaphore_mem>>) {add = true}
        %scan3A_212 = arith.constant 1 : i32
        %scan3A_213 = arith.addi %scan3A_202, %scan3A_212 : i32
        %mul3A_214 = arith.constant 128 : i32
        %mul3A_215 = arith.muli %scan3A_213, %mul3A_214 : i32
        %dma_start3A_216 = tpu.memref_slice %arg8[%select_n3A_195, %mul3A_215] : memref<2x8192xf32, #tpu.memory_space<vmem>> -> memref<1x128xf32, #tpu.memory_space<vmem>>
        %dma_start3A_217 = tpu.memref_squeeze %dma_start3A_216 : memref<1x128xf32, #tpu.memory_space<vmem>> -> memref<128xf32, #tpu.memory_space<vmem>>
        %dma_start3A_218 = arith.constant 0 : i32
        %dma_start3A_219 = tpu.memref_slice %arg7[%select_n3A_195, %scan3A_213, %dma_start3A_218] : memref<2x64x128xi32, #tpu.memory_space<vmem>> -> memref<1x1x128xi32, #tpu.memory_space<vmem>>
        %dma_start3A_220 = tpu.memref_squeeze %dma_start3A_219 : memref<1x1x128xi32, #tpu.memory_space<vmem>> -> memref<128xi32, #tpu.memory_space<vmem>>
        %dma_start3A_221 = arith.constant 0 : i32
        %dma_start3A_222 = tpu.memref_slice %arg12[%dma_start3A_221] : memref<532480xf32, #tpu.memory_space<vmem_shared>> -> memref<532480xf32, #tpu.memory_space<vmem_shared>>
        tpu.enqueue_indirect_dma source(%dma_start3A_217 : memref<128xf32, #tpu.memory_space<vmem>>) target(%dma_start3A_222 : memref<532480xf32, #tpu.memory_space<vmem_shared>>) offsets(%dma_start3A_220 : memref<128xi32, #tpu.memory_space<vmem>>) semaphore(%arg14 : memref<!tpu.dma_semaphore, #tpu.memory_space<semaphore_mem>>) {add = true}
        %scan3A_223 = arith.constant 2 : i32
        %scan3A_224 = arith.addi %scan3A_202, %scan3A_223 : i32
        %mul3A_225 = arith.constant 128 : i32
        %mul3A_226 = arith.muli %scan3A_224, %mul3A_225 : i32
        %dma_start3A_227 = tpu.memref_slice %arg8[%select_n3A_195, %mul3A_226] : memref<2x8192xf32, #tpu.memory_space<vmem>> -> memref<1x128xf32, #tpu.memory_space<vmem>>
        %dma_start3A_228 = tpu.memref_squeeze %dma_start3A_227 : memref<1x128xf32, #tpu.memory_space<vmem>> -> memref<128xf32, #tpu.memory_space<vmem>>
        %dma_start3A_229 = arith.constant 0 : i32
        %dma_start3A_230 = tpu.memref_slice %arg7[%select_n3A_195, %scan3A_224, %dma_start3A_229] : memref<2x64x128xi32, #tpu.memory_space<vmem>> -> memref<1x1x128xi32, #tpu.memory_space<vmem>>
        %dma_start3A_231 = tpu.memref_squeeze %dma_start3A_230 : memref<1x1x128xi32, #tpu.memory_space<vmem>> -> memref<128xi32, #tpu.memory_space<vmem>>
        %dma_start3A_232 = arith.constant 0 : i32
        %dma_start3A_233 = tpu.memref_slice %arg12[%dma_start3A_232] : memref<532480xf32, #tpu.memory_space<vmem_shared>> -> memref<532480xf32, #tpu.memory_space<vmem_shared>>
        tpu.enqueue_indirect_dma source(%dma_start3A_228 : memref<128xf32, #tpu.memory_space<vmem>>) target(%dma_start3A_233 : memref<532480xf32, #tpu.memory_space<vmem_shared>>) offsets(%dma_start3A_231 : memref<128xi32, #tpu.memory_space<vmem>>) semaphore(%arg14 : memref<!tpu.dma_semaphore, #tpu.memory_space<semaphore_mem>>) {add = true}
        %scan3A_234 = arith.constant 3 : i32
        %scan3A_235 = arith.addi %scan3A_202, %scan3A_234 : i32
        %mul3A_236 = arith.constant 128 : i32
        %mul3A_237 = arith.muli %scan3A_235, %mul3A_236 : i32
        %dma_start3A_238 = tpu.memref_slice %arg8[%select_n3A_195, %mul3A_237] : memref<2x8192xf32, #tpu.memory_space<vmem>> -> memref<1x128xf32, #tpu.memory_space<vmem>>
        %dma_start3A_239 = tpu.memref_squeeze %dma_start3A_238 : memref<1x128xf32, #tpu.memory_space<vmem>> -> memref<128xf32, #tpu.memory_space<vmem>>
        %dma_start3A_240 = arith.constant 0 : i32
        %dma_start3A_241 = tpu.memref_slice %arg7[%select_n3A_195, %scan3A_235, %dma_start3A_240] : memref<2x64x128xi32, #tpu.memory_space<vmem>> -> memref<1x1x128xi32, #tpu.memory_space<vmem>>
        %dma_start3A_242 = tpu.memref_squeeze %dma_start3A_241 : memref<1x1x128xi32, #tpu.memory_space<vmem>> -> memref<128xi32, #tpu.memory_space<vmem>>
        %dma_start3A_243 = arith.constant 0 : i32
        %dma_start3A_244 = tpu.memref_slice %arg12[%dma_start3A_243] : memref<532480xf32, #tpu.memory_space<vmem_shared>> -> memref<532480xf32, #tpu.memory_space<vmem_shared>>
        tpu.enqueue_indirect_dma source(%dma_start3A_239 : memref<128xf32, #tpu.memory_space<vmem>>) target(%dma_start3A_244 : memref<532480xf32, #tpu.memory_space<vmem_shared>>) offsets(%dma_start3A_242 : memref<128xi32, #tpu.memory_space<vmem>>) semaphore(%arg14 : memref<!tpu.dma_semaphore, #tpu.memory_space<semaphore_mem>>) {add = true}
        %scan3A_245 = arith.constant 4 : i32
        %scan3A_246 = arith.addi %scan3A_202, %scan3A_245 : i32
        %mul3A_247 = arith.constant 128 : i32
        %mul3A_248 = arith.muli %scan3A_246, %mul3A_247 : i32
        %dma_start3A_249 = tpu.memref_slice %arg8[%select_n3A_195, %mul3A_248] : memref<2x8192xf32, #tpu.memory_space<vmem>> -> memref<1x128xf32, #tpu.memory_space<vmem>>
        %dma_start3A_250 = tpu.memref_squeeze %dma_start3A_249 : memref<1x128xf32, #tpu.memory_space<vmem>> -> memref<128xf32, #tpu.memory_space<vmem>>
        %dma_start3A_251 = arith.constant 0 : i32
        %dma_start3A_252 = tpu.memref_slice %arg7[%select_n3A_195, %scan3A_246, %dma_start3A_251] : memref<2x64x128xi32, #tpu.memory_space<vmem>> -> memref<1x1x128xi32, #tpu.memory_space<vmem>>
        %dma_start3A_253 = tpu.memref_squeeze %dma_start3A_252 : memref<1x1x128xi32, #tpu.memory_space<vmem>> -> memref<128xi32, #tpu.memory_space<vmem>>
        %dma_start3A_254 = arith.constant 0 : i32
        %dma_start3A_255 = tpu.memref_slice %arg12[%dma_start3A_254] : memref<532480xf32, #tpu.memory_space<vmem_shared>> -> memref<532480xf32, #tpu.memory_space<vmem_shared>>
        tpu.enqueue_indirect_dma source(%dma_start3A_250 : memref<128xf32, #tpu.memory_space<vmem>>) target(%dma_start3A_255 : memref<532480xf32, #tpu.memory_space<vmem_shared>>) offsets(%dma_start3A_253 : memref<128xi32, #tpu.memory_space<vmem>>) semaphore(%arg14 : memref<!tpu.dma_semaphore, #tpu.memory_space<semaphore_mem>>) {add = true}
        %scan3A_256 = arith.constant 5 : i32
        %scan3A_257 = arith.addi %scan3A_202, %scan3A_256 : i32
        %mul3A_258 = arith.constant 128 : i32
        %mul3A_259 = arith.muli %scan3A_257, %mul3A_258 : i32
        %dma_start3A_260 = tpu.memref_slice %arg8[%select_n3A_195, %mul3A_259] : memref<2x8192xf32, #tpu.memory_space<vmem>> -> memref<1x128xf32, #tpu.memory_space<vmem>>
        %dma_start3A_261 = tpu.memref_squeeze %dma_start3A_260 : memref<1x128xf32, #tpu.memory_space<vmem>> -> memref<128xf32, #tpu.memory_space<vmem>>
        %dma_start3A_262 = arith.constant 0 : i32
        %dma_start3A_263 = tpu.memref_slice %arg7[%select_n3A_195, %scan3A_257, %dma_start3A_262] : memref<2x64x128xi32, #tpu.memory_space<vmem>> -> memref<1x1x128xi32, #tpu.memory_space<vmem>>
        %dma_start3A_264 = tpu.memref_squeeze %dma_start3A_263 : memref<1x1x128xi32, #tpu.memory_space<vmem>> -> memref<128xi32, #tpu.memory_space<vmem>>
        %dma_start3A_265 = arith.constant 0 : i32
        %dma_start3A_266 = tpu.memref_slice %arg12[%dma_start3A_265] : memref<532480xf32, #tpu.memory_space<vmem_shared>> -> memref<532480xf32, #tpu.memory_space<vmem_shared>>
        tpu.enqueue_indirect_dma source(%dma_start3A_261 : memref<128xf32, #tpu.memory_space<vmem>>) target(%dma_start3A_266 : memref<532480xf32, #tpu.memory_space<vmem_shared>>) offsets(%dma_start3A_264 : memref<128xi32, #tpu.memory_space<vmem>>) semaphore(%arg14 : memref<!tpu.dma_semaphore, #tpu.memory_space<semaphore_mem>>) {add = true}
        %scan3A_267 = arith.constant 6 : i32
        %scan3A_268 = arith.addi %scan3A_202, %scan3A_267 : i32
        %mul3A_269 = arith.constant 128 : i32
        %mul3A_270 = arith.muli %scan3A_268, %mul3A_269 : i32
        %dma_start3A_271 = tpu.memref_slice %arg8[%select_n3A_195, %mul3A_270] : memref<2x8192xf32, #tpu.memory_space<vmem>> -> memref<1x128xf32, #tpu.memory_space<vmem>>
        %dma_start3A_272 = tpu.memref_squeeze %dma_start3A_271 : memref<1x128xf32, #tpu.memory_space<vmem>> -> memref<128xf32, #tpu.memory_space<vmem>>
        %dma_start3A_273 = arith.constant 0 : i32
        %dma_start3A_274 = tpu.memref_slice %arg7[%select_n3A_195, %scan3A_268, %dma_start3A_273] : memref<2x64x128xi32, #tpu.memory_space<vmem>> -> memref<1x1x128xi32, #tpu.memory_space<vmem>>
        %dma_start3A_275 = tpu.memref_squeeze %dma_start3A_274 : memref<1x1x128xi32, #tpu.memory_space<vmem>> -> memref<128xi32, #tpu.memory_space<vmem>>
        %dma_start3A_276 = arith.constant 0 : i32
        %dma_start3A_277 = tpu.memref_slice %arg12[%dma_start3A_276] : memref<532480xf32, #tpu.memory_space<vmem_shared>> -> memref<532480xf32, #tpu.memory_space<vmem_shared>>
        tpu.enqueue_indirect_dma source(%dma_start3A_272 : memref<128xf32, #tpu.memory_space<vmem>>) target(%dma_start3A_277 : memref<532480xf32, #tpu.memory_space<vmem_shared>>) offsets(%dma_start3A_275 : memref<128xi32, #tpu.memory_space<vmem>>) semaphore(%arg14 : memref<!tpu.dma_semaphore, #tpu.memory_space<semaphore_mem>>) {add = true}
        %scan3A_278 = arith.constant 7 : i32
        %scan3A_279 = arith.addi %scan3A_202, %scan3A_278 : i32
        %mul3A_280 = arith.constant 128 : i32
        %mul3A_281 = arith.muli %scan3A_279, %mul3A_280 : i32
        %dma_start3A_282 = tpu.memref_slice %arg8[%select_n3A_195, %mul3A_281] : memref<2x8192xf32, #tpu.memory_space<vmem>> -> memref<1x128xf32, #tpu.memory_space<vmem>>
        %dma_start3A_283 = tpu.memref_squeeze %dma_start3A_282 : memref<1x128xf32, #tpu.memory_space<vmem>> -> memref<128xf32, #tpu.memory_space<vmem>>
        %dma_start3A_284 = arith.constant 0 : i32
        %dma_start3A_285 = tpu.memref_slice %arg7[%select_n3A_195, %scan3A_279, %dma_start3A_284] : memref<2x64x128xi32, #tpu.memory_space<vmem>> -> memref<1x1x128xi32, #tpu.memory_space<vmem>>
        %dma_start3A_286 = tpu.memref_squeeze %dma_start3A_285 : memref<1x1x128xi32, #tpu.memory_space<vmem>> -> memref<128xi32, #tpu.memory_space<vmem>>
        %dma_start3A_287 = arith.constant 0 : i32
        %dma_start3A_288 = tpu.memref_slice %arg12[%dma_start3A_287] : memref<532480xf32, #tpu.memory_space<vmem_shared>> -> memref<532480xf32, #tpu.memory_space<vmem_shared>>
        tpu.enqueue_indirect_dma source(%dma_start3A_283 : memref<128xf32, #tpu.memory_space<vmem>>) target(%dma_start3A_288 : memref<532480xf32, #tpu.memory_space<vmem_shared>>) offsets(%dma_start3A_286 : memref<128xi32, #tpu.memory_space<vmem>>) semaphore(%arg14 : memref<!tpu.dma_semaphore, #tpu.memory_space<semaphore_mem>>) {add = true}
      }
      %scan3A_201 = arith.constant 64 : i32
    }
    %scan3A_45 = arith.constant 16 : i32
    %dma_wait3A = arith.constant 0 : i32
    %dma_wait3A_46 = arith.constant 0 : i32
    %dma_wait3A_47 = tpu.memref_slice %arg8[%dma_wait3A, %dma_wait3A_46] : memref<2x8192xf32, #tpu.memory_space<vmem>> -> memref<1x8192xf32, #tpu.memory_space<vmem>>
    %dma_wait3A_48 = tpu.memref_squeeze %dma_wait3A_47 : memref<1x8192xf32, #tpu.memory_space<vmem>> -> memref<8192xf32, #tpu.memory_space<vmem>>
    %dma_wait3A_49 = arith.constant 0 : i32
    %dma_wait3A_50 = tpu.memref_slice %arg2[%dma_wait3A_49] : memref<1048576xf32, #tpu.memory_space<hbm>> -> memref<8192xf32, #tpu.memory_space<hbm>>
    %dma_wait3A_51 = arith.constant 0 : i32
    %dma_wait3A_52 = tpu.memref_slice %arg8[%dma_wait3A, %dma_wait3A_51] : memref<2x8192xf32, #tpu.memory_space<vmem>> -> memref<1x8192xf32, #tpu.memory_space<vmem>>
    %dma_wait3A_53 = tpu.memref_squeeze %dma_wait3A_52 : memref<1x8192xf32, #tpu.memory_space<vmem>> -> memref<8192xf32, #tpu.memory_space<vmem>>
    %dma_wait3A_54 = arith.constant 0 : i32
    %dma_wait3A_55 = tpu.memref_slice %arg2[%dma_wait3A_54] : memref<1048576xf32, #tpu.memory_space<hbm>> -> memref<8192xf32, #tpu.memory_space<hbm>>
    tpu.wait_dma2 semaphore(%arg14 : memref<!tpu.dma_semaphore, #tpu.memory_space<semaphore_mem>>) src(%dma_wait3A_55 : memref<8192xf32, #tpu.memory_space<hbm>>) dst(%dma_wait3A_53 : memref<8192xf32, #tpu.memory_space<vmem>>)
    %dma_wait3A_56 = arith.constant 1 : i32
    %dma_wait3A_57 = arith.constant 0 : i32
    %dma_wait3A_58 = tpu.memref_slice %arg8[%dma_wait3A_56, %dma_wait3A_57] : memref<2x8192xf32, #tpu.memory_space<vmem>> -> memref<1x8192xf32, #tpu.memory_space<vmem>>
    %dma_wait3A_59 = tpu.memref_squeeze %dma_wait3A_58 : memref<1x8192xf32, #tpu.memory_space<vmem>> -> memref<8192xf32, #tpu.memory_space<vmem>>
    %dma_wait3A_60 = arith.constant 0 : i32
    %dma_wait3A_61 = tpu.memref_slice %arg2[%dma_wait3A_60] : memref<1048576xf32, #tpu.memory_space<hbm>> -> memref<8192xf32, #tpu.memory_space<hbm>>
    %dma_wait3A_62 = arith.constant 0 : i32
    %dma_wait3A_63 = tpu.memref_slice %arg8[%dma_wait3A_56, %dma_wait3A_62] : memref<2x8192xf32, #tpu.memory_space<vmem>> -> memref<1x8192xf32, #tpu.memory_space<vmem>>
    %dma_wait3A_64 = tpu.memref_squeeze %dma_wait3A_63 : memref<1x8192xf32, #tpu.memory_space<vmem>> -> memref<8192xf32, #tpu.memory_space<vmem>>
    %dma_wait3A_65 = arith.constant 0 : i32
    %dma_wait3A_66 = tpu.memref_slice %arg2[%dma_wait3A_65] : memref<1048576xf32, #tpu.memory_space<hbm>> -> memref<8192xf32, #tpu.memory_space<hbm>>
    tpu.wait_dma2 semaphore(%arg14 : memref<!tpu.dma_semaphore, #tpu.memory_space<semaphore_mem>>) src(%dma_wait3A_66 : memref<8192xf32, #tpu.memory_space<hbm>>) dst(%dma_wait3A_64 : memref<8192xf32, #tpu.memory_space<vmem>>)
    %barrier3A_67 = arith.constant 0 : index
    tpu.barrier barrier_id(%barrier3A_67)
    %scan3A_68 = arith.constant 0 : i32
    %scan3A_69 = arith.constant 0 : i32
    %scan3A_70 = arith.constant 8 : i32
    %scan3A_71 = arith.addi %scan3A_69, %scan3A_70 : i32
    %scan3A_72 = arith.constant 1 : i32
    scf.for %scan3A_96 = %scan3A_69 to %scan3A_71 step %scan3A_72  : i32 {
      %jit3A = arith.constant 4 : i32
      %div3A = arith.divsi %scan3A_96, %jit3A : i32
      %sign3A = arith.constant 0 : i32
      %sign3A_97 = arith.cmpi sgt, %scan3A_96, %sign3A : i32
      %sign3A_98 = arith.extui %sign3A_97 : i1 to i32
      %sign3A_99 = arith.constant 0 : i32
      %sign3A_100 = arith.cmpi slt, %scan3A_96, %sign3A_99 : i32
      %sign3A_101 = arith.extui %sign3A_100 : i1 to i32
      %sign3A_102 = arith.subi %sign3A_98, %sign3A_101 : i32
      %sign3A_103 = arith.constant 0 : i32
      %sign3A_104 = arith.cmpi sgt, %jit3A, %sign3A_103 : i32
      %sign3A_105 = arith.extui %sign3A_104 : i1 to i32
      %sign3A_106 = arith.constant 0 : i32
      %sign3A_107 = arith.cmpi slt, %jit3A, %sign3A_106 : i32
      %sign3A_108 = arith.extui %sign3A_107 : i1 to i32
      %sign3A_109 = arith.subi %sign3A_105, %sign3A_108 : i32
      %ne3A = arith.cmpi ne, %sign3A_102, %sign3A_109 : i32
      %rem3A = arith.remsi %scan3A_96, %jit3A : i32
      %ne3A_110 = arith.constant 0 : i32
      %ne3A_111 = arith.cmpi ne, %rem3A, %ne3A_110 : i32
      %and3A = arith.andi %ne3A, %ne3A_111 : i1
      %sub3A = arith.constant 1 : i32
      %sub3A_112 = arith.subi %div3A, %sub3A : i32
      %select_n3A = arith.select %and3A, %sub3A_112, %div3A : i32
      %jit3A_113 = arith.constant 4 : i32
      %eq3A = arith.constant 0 : i32
      %eq3A_114 = arith.cmpi eq, %jit3A_113, %eq3A : i32
      %jit3A_115 = arith.constant 1 : i32
      %select_n3A_116 = arith.select %eq3A_114, %jit3A_115, %jit3A_113 : i32
      %rem3A_117 = arith.remsi %scan3A_96, %select_n3A_116 : i32
      %ne3A_118 = arith.constant 0 : i32
      %ne3A_119 = arith.cmpi ne, %rem3A_117, %ne3A_118 : i32
      %lt3A = arith.constant 0 : i32
      %lt3A_120 = arith.cmpi slt, %rem3A_117, %lt3A : i32
      %lt3A_121 = arith.constant 0 : i32
      %lt3A_122 = arith.cmpi slt, %select_n3A_116, %lt3A_121 : i32
      %ne3A_123 = arith.xori %lt3A_120, %lt3A_122 : i1
      %and3A_124 = arith.andi %ne3A_123, %ne3A_119 : i1
      %add3A_125 = arith.addi %rem3A_117, %select_n3A_116 : i32
      %select_n3A_126 = arith.select %and3A_124, %add3A_125, %rem3A_117 : i32
      %mul3A_127 = arith.constant 2 : i32
      %mul3A_128 = arith.muli %mul3A_127, %arg0 : i32
      %add3A_129 = arith.addi %mul3A_128, %select_n3A : i32
      %mul3A_130 = arith.constant 32 : i32
      %mul3A_131 = arith.muli %arg1, %mul3A_130 : i32
      %mul3A_132 = arith.constant 8 : i32
      %mul3A_133 = arith.muli %select_n3A_126, %mul3A_132 : i32
      %add3A_134 = arith.addi %mul3A_131, %mul3A_133 : i32
      %mul3A_135 = arith.constant 266240 : i32
      %mul3A_136 = arith.muli %select_n3A, %mul3A_135 : i32
      %add3A_137 = arith.constant 1 : i32
      %add3A_138 = arith.addi %add3A_134, %add3A_137 : i32
      %mul3A_139 = arith.constant 515 : i32
      %mul3A_140 = arith.muli %add3A_138, %mul3A_139 : i32
      %add3A_141 = arith.addi %mul3A_136, %mul3A_140 : i32
      %add3A_142 = arith.constant 1 : i32
      %add3A_143 = arith.addi %add3A_141, %add3A_142 : i32
      %jit3A_144 = arith.constant 8 : i32
      %div3A_145 = arith.divsi %add3A_143, %jit3A_144 : i32
      %sign3A_146 = arith.constant 0 : i32
      %sign3A_147 = arith.cmpi sgt, %add3A_143, %sign3A_146 : i32
      %sign3A_148 = arith.extui %sign3A_147 : i1 to i32
      %sign3A_149 = arith.constant 0 : i32
      %sign3A_150 = arith.cmpi slt, %add3A_143, %sign3A_149 : i32
      %sign3A_151 = arith.extui %sign3A_150 : i1 to i32
      %sign3A_152 = arith.subi %sign3A_148, %sign3A_151 : i32
      %sign3A_153 = arith.constant 0 : i32
      %sign3A_154 = arith.cmpi sgt, %jit3A_144, %sign3A_153 : i32
      %sign3A_155 = arith.extui %sign3A_154 : i1 to i32
      %sign3A_156 = arith.constant 0 : i32
      %sign3A_157 = arith.cmpi slt, %jit3A_144, %sign3A_156 : i32
      %sign3A_158 = arith.extui %sign3A_157 : i1 to i32
      %sign3A_159 = arith.subi %sign3A_155, %sign3A_158 : i32
      %ne3A_160 = arith.cmpi ne, %sign3A_152, %sign3A_159 : i32
      %rem3A_161 = arith.remsi %add3A_143, %jit3A_144 : i32
      %ne3A_162 = arith.constant 0 : i32
      %ne3A_163 = arith.cmpi ne, %rem3A_161, %ne3A_162 : i32
      %and3A_164 = arith.andi %ne3A_160, %ne3A_163 : i1
      %sub3A_165 = arith.constant 1 : i32
      %sub3A_166 = arith.subi %div3A_145, %sub3A_165 : i32
      %select_n3A_167 = arith.select %and3A_164, %sub3A_166, %div3A_145 : i32
      %mul3A_168 = arith.constant 8 : i32
      %mul3A_169 = arith.muli %select_n3A_167, %mul3A_168 : i32
      %sub3A_170 = arith.subi %add3A_143, %mul3A_169 : i32
      %jit3A_171 = arith.constant 2 : i32
      %eq3A_172 = arith.constant 0 : i32
      %eq3A_173 = arith.cmpi eq, %jit3A_171, %eq3A_172 : i32
      %jit3A_174 = arith.constant 1 : i32
      %select_n3A_175 = arith.select %eq3A_173, %jit3A_174, %jit3A_171 : i32
      %rem3A_176 = arith.remsi %scan3A_96, %select_n3A_175 : i32
      %ne3A_177 = arith.constant 0 : i32
      %ne3A_178 = arith.cmpi ne, %rem3A_176, %ne3A_177 : i32
      %lt3A_179 = arith.constant 0 : i32
      %lt3A_180 = arith.cmpi slt, %rem3A_176, %lt3A_179 : i32
      %lt3A_181 = arith.constant 0 : i32
      %lt3A_182 = arith.cmpi slt, %select_n3A_175, %lt3A_181 : i32
      %ne3A_183 = arith.xori %lt3A_180, %lt3A_182 : i1
      %and3A_184 = arith.andi %ne3A_183, %ne3A_178 : i1
      %add3A_185 = arith.addi %rem3A_176, %select_n3A_175 : i32
      %select_n3A_186 = arith.select %and3A_184, %add3A_185, %rem3A_176 : i32
      "tpu.region"() ({
        %run_scoped3A = tpu.sem_alloc : memref<!tpu.dma_semaphore, #tpu.memory_space<semaphore_mem>>
        %dma_start3A_208 = tpu.memref_slice %arg12[%mul3A_169] : memref<532480xf32, #tpu.memory_space<vmem_shared>> -> memref<4128xf32, #tpu.memory_space<vmem_shared>>
        %dma_start3A_209 = tpu.memref_slice %arg12[%mul3A_169] : memref<532480xf32, #tpu.memory_space<vmem_shared>> -> memref<4128xf32, #tpu.memory_space<vmem_shared>>
        tpu.enqueue_dma source(%dma_start3A_209 : memref<4128xf32, #tpu.memory_space<vmem_shared>>) target(%arg10 : memref<4128xf32, #tpu.memory_space<vmem>>) target_semaphore(%run_scoped3A : memref<!tpu.dma_semaphore, #tpu.memory_space<semaphore_mem>>)
        %dma_wait3A_210 = tpu.memref_slice %arg12[%mul3A_169] : memref<532480xf32, #tpu.memory_space<vmem_shared>> -> memref<4128xf32, #tpu.memory_space<vmem_shared>>
        %dma_wait3A_211 = tpu.memref_slice %arg12[%mul3A_169] : memref<532480xf32, #tpu.memory_space<vmem_shared>> -> memref<4128xf32, #tpu.memory_space<vmem_shared>>
        tpu.wait_dma2 semaphore(%run_scoped3A : memref<!tpu.dma_semaphore, #tpu.memory_space<semaphore_mem>>) src(%dma_wait3A_211 : memref<4128xf32, #tpu.memory_space<vmem_shared>>) dst(%arg10 : memref<4128xf32, #tpu.memory_space<vmem>>)
        tpu.yield
      }) : () -> ()
      %ge3A = arith.constant 2 : i32
      %ge3A_187 = arith.cmpi sge, %scan3A_96, %ge3A : i32
      %convert_element_type3A = arith.extui %ge3A_187 : i1 to i32
      %cond3A = arith.constant 0 : i32
      %cond3A_188 = arith.cmpi ne, %convert_element_type3A, %cond3A : i32
      scf.if %cond3A_188 {
        %dma_wait3A_208 = arith.constant 0 : i32
        %dma_wait3A_209 = tpu.memref_slice %arg11[%select_n3A_186, %dma_wait3A_208] : memref<2x4096xf32, #tpu.memory_space<vmem>> -> memref<1x4096xf32, #tpu.memory_space<vmem>>
        %dma_wait3A_210 = tpu.memref_squeeze %dma_wait3A_209 : memref<1x4096xf32, #tpu.memory_space<vmem>> -> memref<4096xf32, #tpu.memory_space<vmem>>
        %dma_wait3A_211 = arith.constant 0 : i32
        %dma_wait3A_212 = tpu.memref_slice %arg2[%dma_wait3A_211] : memref<1048576xf32, #tpu.memory_space<hbm>> -> memref<4096xf32, #tpu.memory_space<hbm>>
        %dma_wait3A_213 = arith.constant 0 : i32
        %dma_wait3A_214 = tpu.memref_slice %arg11[%select_n3A_186, %dma_wait3A_213] : memref<2x4096xf32, #tpu.memory_space<vmem>> -> memref<1x4096xf32, #tpu.memory_space<vmem>>
        %dma_wait3A_215 = tpu.memref_squeeze %dma_wait3A_214 : memref<1x4096xf32, #tpu.memory_space<vmem>> -> memref<4096xf32, #tpu.memory_space<vmem>>
        %dma_wait3A_216 = arith.constant 0 : i32
        %dma_wait3A_217 = tpu.memref_slice %arg2[%dma_wait3A_216] : memref<1048576xf32, #tpu.memory_space<hbm>> -> memref<4096xf32, #tpu.memory_space<hbm>>
        tpu.wait_dma2 semaphore(%arg13 : memref<!tpu.dma_semaphore, #tpu.memory_space<semaphore_mem>>) src(%dma_wait3A_217 : memref<4096xf32, #tpu.memory_space<hbm>>) dst(%dma_wait3A_215 : memref<4096xf32, #tpu.memory_space<vmem>>)
      } else {
      }
      %scan3A_189 = arith.constant 0 : i32
      %scan3A_190 = arith.constant 0 : i32
      %scan3A_191 = arith.constant 256 : i32
      %scan3A_192 = arith.addi %scan3A_190, %scan3A_191 : i32
      %scan3A_193 = arith.constant 8 : i32
      scf.for %scan3A_208 = %scan3A_190 to %scan3A_192 step %scan3A_193  : i32 {
        %jit3A_209 = arith.constant 32 : i32
        %div3A_210 = arith.divsi %scan3A_208, %jit3A_209 : i32
        %sign3A_211 = arith.constant 0 : i32
        %sign3A_212 = arith.cmpi sgt, %scan3A_208, %sign3A_211 : i32
        %sign3A_213 = arith.extui %sign3A_212 : i1 to i32
        %sign3A_214 = arith.constant 0 : i32
        %sign3A_215 = arith.cmpi slt, %scan3A_208, %sign3A_214 : i32
        %sign3A_216 = arith.extui %sign3A_215 : i1 to i32
        %sign3A_217 = arith.subi %sign3A_213, %sign3A_216 : i32
        %sign3A_218 = arith.constant 0 : i32
        %sign3A_219 = arith.cmpi sgt, %jit3A_209, %sign3A_218 : i32
        %sign3A_220 = arith.extui %sign3A_219 : i1 to i32
        %sign3A_221 = arith.constant 0 : i32
        %sign3A_222 = arith.cmpi slt, %jit3A_209, %sign3A_221 : i32
        %sign3A_223 = arith.extui %sign3A_222 : i1 to i32
        %sign3A_224 = arith.subi %sign3A_220, %sign3A_223 : i32
        %ne3A_225 = arith.cmpi ne, %sign3A_217, %sign3A_224 : i32
        %rem3A_226 = arith.remsi %scan3A_208, %jit3A_209 : i32
        %ne3A_227 = arith.constant 0 : i32
        %ne3A_228 = arith.cmpi ne, %rem3A_226, %ne3A_227 : i32
        %and3A_229 = arith.andi %ne3A_225, %ne3A_228 : i1
        %sub3A_230 = arith.constant 1 : i32
        %sub3A_231 = arith.subi %div3A_210, %sub3A_230 : i32
        %select_n3A_232 = arith.select %and3A_229, %sub3A_231, %div3A_210 : i32
        %jit3A_233 = arith.constant 32 : i32
        %eq3A_234 = arith.constant 0 : i32
        %eq3A_235 = arith.cmpi eq, %jit3A_233, %eq3A_234 : i32
        %jit3A_236 = arith.constant 1 : i32
        %select_n3A_237 = arith.select %eq3A_235, %jit3A_236, %jit3A_233 : i32
        %rem3A_238 = arith.remsi %scan3A_208, %select_n3A_237 : i32
        %ne3A_239 = arith.constant 0 : i32
        %ne3A_240 = arith.cmpi ne, %rem3A_238, %ne3A_239 : i32
        %lt3A_241 = arith.constant 0 : i32
        %lt3A_242 = arith.cmpi slt, %rem3A_238, %lt3A_241 : i32
        %lt3A_243 = arith.constant 0 : i32
        %lt3A_244 = arith.cmpi slt, %select_n3A_237, %lt3A_243 : i32
        %ne3A_245 = arith.xori %lt3A_242, %lt3A_244 : i1
        %and3A_246 = arith.andi %ne3A_245, %ne3A_240 : i1
        %add3A_247 = arith.addi %rem3A_238, %select_n3A_237 : i32
        %select_n3A_248 = arith.select %and3A_246, %add3A_247, %rem3A_238 : i32
        %mul3A_249 = arith.constant 515 : i32
        %mul3A_250 = arith.muli %select_n3A_232, %mul3A_249 : i32
        %add3A_251 = arith.addi %sub3A_170, %mul3A_250 : i32
        %mul3A_252 = arith.constant 16 : i32
        %mul3A_253 = arith.muli %select_n3A_248, %mul3A_252 : i32
        %add3A_254 = arith.addi %add3A_251, %mul3A_253 : i32
        %get3A = arith.index_cast %add3A_254 : i32 to index
        %get3A_255 = tpu.vector_load %arg10[%get3A] {strides = array<i32>} : memref<4128xf32, #tpu.memory_space<vmem>>, vector<16xf32>,
        %get3A_256 = vector.shape_cast %get3A_255 : vector<16xf32> to vector<16xf32>
        %mul3A_257 = arith.constant 512 : i32
        %mul3A_258 = arith.muli %select_n3A_232, %mul3A_257 : i32
        %mul3A_259 = arith.constant 16 : i32
        %mul3A_260 = arith.muli %select_n3A_248, %mul3A_259 : i32
        %add3A_261 = arith.addi %mul3A_258, %mul3A_260 : i32
        %swap3A = arith.index_cast %select_n3A_186 : i32 to index
        %swap3A_262 = arith.index_cast %add3A_261 : i32 to index
        %swap3A_263 = tpu.vector_load %arg11[%swap3A, %swap3A_262] {strides = array<i32>} : memref<2x4096xf32, #tpu.memory_space<vmem>>, vector<1x16xf32>,
        %swap3A_264 = vector.shape_cast %swap3A_263 : vector<1x16xf32> to vector<16xf32>
        %swap3A_265 = vector.shape_cast %get3A_256 : vector<16xf32> to vector<1x16xf32>
        tpu.vector_store %arg11[%swap3A, %swap3A_262], %swap3A_265 {strides = array<i32>} : memref<2x4096xf32, #tpu.memory_space<vmem>>, vector<1x16xf32>,
        %scan3A_266 = arith.constant 1 : i32
        %scan3A_267 = arith.addi %scan3A_208, %scan3A_266 : i32
        %jit3A_268 = arith.constant 32 : i32
        %div3A_269 = arith.divsi %scan3A_267, %jit3A_268 : i32
        %sign3A_270 = arith.constant 0 : i32
        %sign3A_271 = arith.cmpi sgt, %scan3A_267, %sign3A_270 : i32
        %sign3A_272 = arith.extui %sign3A_271 : i1 to i32
        %sign3A_273 = arith.constant 0 : i32
        %sign3A_274 = arith.cmpi slt, %scan3A_267, %sign3A_273 : i32
        %sign3A_275 = arith.extui %sign3A_274 : i1 to i32
        %sign3A_276 = arith.subi %sign3A_272, %sign3A_275 : i32
        %sign3A_277 = arith.constant 0 : i32
        %sign3A_278 = arith.cmpi sgt, %jit3A_268, %sign3A_277 : i32
        %sign3A_279 = arith.extui %sign3A_278 : i1 to i32
        %sign3A_280 = arith.constant 0 : i32
        %sign3A_281 = arith.cmpi slt, %jit3A_268, %sign3A_280 : i32
        %sign3A_282 = arith.extui %sign3A_281 : i1 to i32
        %sign3A_283 = arith.subi %sign3A_279, %sign3A_282 : i32
        %ne3A_284 = arith.cmpi ne, %sign3A_276, %sign3A_283 : i32
        %rem3A_285 = arith.remsi %scan3A_267, %jit3A_268 : i32
        %ne3A_286 = arith.constant 0 : i32
        %ne3A_287 = arith.cmpi ne, %rem3A_285, %ne3A_286 : i32
        %and3A_288 = arith.andi %ne3A_284, %ne3A_287 : i1
        %sub3A_289 = arith.constant 1 : i32
        %sub3A_290 = arith.subi %div3A_269, %sub3A_289 : i32
        %select_n3A_291 = arith.select %and3A_288, %sub3A_290, %div3A_269 : i32
        %jit3A_292 = arith.constant 32 : i32
        %eq3A_293 = arith.constant 0 : i32
        %eq3A_294 = arith.cmpi eq, %jit3A_292, %eq3A_293 : i32
        %jit3A_295 = arith.constant 1 : i32
        %select_n3A_296 = arith.select %eq3A_294, %jit3A_295, %jit3A_292 : i32
        %rem3A_297 = arith.remsi %scan3A_267, %select_n3A_296 : i32
        %ne3A_298 = arith.constant 0 : i32
        %ne3A_299 = arith.cmpi ne, %rem3A_297, %ne3A_298 : i32
        %lt3A_300 = arith.constant 0 : i32
        %lt3A_301 = arith.cmpi slt, %rem3A_297, %lt3A_300 : i32
        %lt3A_302 = arith.constant 0 : i32
        %lt3A_303 = arith.cmpi slt, %select_n3A_296, %lt3A_302 : i32
        %ne3A_304 = arith.xori %lt3A_301, %lt3A_303 : i1
        %and3A_305 = arith.andi %ne3A_304, %ne3A_299 : i1
        %add3A_306 = arith.addi %rem3A_297, %select_n3A_296 : i32
        %select_n3A_307 = arith.select %and3A_305, %add3A_306, %rem3A_297 : i32
        %mul3A_308 = arith.constant 515 : i32
        %mul3A_309 = arith.muli %select_n3A_291, %mul3A_308 : i32
        %add3A_310 = arith.addi %sub3A_170, %mul3A_309 : i32
        %mul3A_311 = arith.constant 16 : i32
        %mul3A_312 = arith.muli %select_n3A_307, %mul3A_311 : i32
        %add3A_313 = arith.addi %add3A_310, %mul3A_312 : i32
        %get3A_314 = arith.index_cast %add3A_313 : i32 to index
        %get3A_315 = tpu.vector_load %arg10[%get3A_314] {strides = array<i32>} : memref<4128xf32, #tpu.memory_space<vmem>>, vector<16xf32>,
        %get3A_316 = vector.shape_cast %get3A_315 : vector<16xf32> to vector<16xf32>
        %mul3A_317 = arith.constant 512 : i32
        %mul3A_318 = arith.muli %select_n3A_291, %mul3A_317 : i32
        %mul3A_319 = arith.constant 16 : i32
        %mul3A_320 = arith.muli %select_n3A_307, %mul3A_319 : i32
        %add3A_321 = arith.addi %mul3A_318, %mul3A_320 : i32
        %swap3A_322 = arith.index_cast %select_n3A_186 : i32 to index
        %swap3A_323 = arith.index_cast %add3A_321 : i32 to index
        %swap3A_324 = tpu.vector_load %arg11[%swap3A_322, %swap3A_323] {strides = array<i32>} : memref<2x4096xf32, #tpu.memory_space<vmem>>, vector<1x16xf32>,
        %swap3A_325 = vector.shape_cast %swap3A_324 : vector<1x16xf32> to vector<16xf32>
        %swap3A_326 = vector.shape_cast %get3A_316 : vector<16xf32> to vector<1x16xf32>
        tpu.vector_store %arg11[%swap3A_322, %swap3A_323], %swap3A_326 {strides = array<i32>} : memref<2x4096xf32, #tpu.memory_space<vmem>>, vector<1x16xf32>,
        %scan3A_327 = arith.constant 2 : i32
        %scan3A_328 = arith.addi %scan3A_208, %scan3A_327 : i32
        %jit3A_329 = arith.constant 32 : i32
        %div3A_330 = arith.divsi %scan3A_328, %jit3A_329 : i32
        %sign3A_331 = arith.constant 0 : i32
        %sign3A_332 = arith.cmpi sgt, %scan3A_328, %sign3A_331 : i32
        %sign3A_333 = arith.extui %sign3A_332 : i1 to i32
        %sign3A_334 = arith.constant 0 : i32
        %sign3A_335 = arith.cmpi slt, %scan3A_328, %sign3A_334 : i32
        %sign3A_336 = arith.extui %sign3A_335 : i1 to i32
        %sign3A_337 = arith.subi %sign3A_333, %sign3A_336 : i32
        %sign3A_338 = arith.constant 0 : i32
        %sign3A_339 = arith.cmpi sgt, %jit3A_329, %sign3A_338 : i32
        %sign3A_340 = arith.extui %sign3A_339 : i1 to i32
        %sign3A_341 = arith.constant 0 : i32
        %sign3A_342 = arith.cmpi slt, %jit3A_329, %sign3A_341 : i32
        %sign3A_343 = arith.extui %sign3A_342 : i1 to i32
        %sign3A_344 = arith.subi %sign3A_340, %sign3A_343 : i32
        %ne3A_345 = arith.cmpi ne, %sign3A_337, %sign3A_344 : i32
        %rem3A_346 = arith.remsi %scan3A_328, %jit3A_329 : i32
        %ne3A_347 = arith.constant 0 : i32
        %ne3A_348 = arith.cmpi ne, %rem3A_346, %ne3A_347 : i32
        %and3A_349 = arith.andi %ne3A_345, %ne3A_348 : i1
        %sub3A_350 = arith.constant 1 : i32
        %sub3A_351 = arith.subi %div3A_330, %sub3A_350 : i32
        %select_n3A_352 = arith.select %and3A_349, %sub3A_351, %div3A_330 : i32
        %jit3A_353 = arith.constant 32 : i32
        %eq3A_354 = arith.constant 0 : i32
        %eq3A_355 = arith.cmpi eq, %jit3A_353, %eq3A_354 : i32
        %jit3A_356 = arith.constant 1 : i32
        %select_n3A_357 = arith.select %eq3A_355, %jit3A_356, %jit3A_353 : i32
        %rem3A_358 = arith.remsi %scan3A_328, %select_n3A_357 : i32
        %ne3A_359 = arith.constant 0 : i32
        %ne3A_360 = arith.cmpi ne, %rem3A_358, %ne3A_359 : i32
        %lt3A_361 = arith.constant 0 : i32
        %lt3A_362 = arith.cmpi slt, %rem3A_358, %lt3A_361 : i32
        %lt3A_363 = arith.constant 0 : i32
        %lt3A_364 = arith.cmpi slt, %select_n3A_357, %lt3A_363 : i32
        %ne3A_365 = arith.xori %lt3A_362, %lt3A_364 : i1
        %and3A_366 = arith.andi %ne3A_365, %ne3A_360 : i1
        %add3A_367 = arith.addi %rem3A_358, %select_n3A_357 : i32
        %select_n3A_368 = arith.select %and3A_366, %add3A_367, %rem3A_358 : i32
        %mul3A_369 = arith.constant 515 : i32
        %mul3A_370 = arith.muli %select_n3A_352, %mul3A_369 : i32
        %add3A_371 = arith.addi %sub3A_170, %mul3A_370 : i32
        %mul3A_372 = arith.constant 16 : i32
        %mul3A_373 = arith.muli %select_n3A_368, %mul3A_372 : i32
        %add3A_374 = arith.addi %add3A_371, %mul3A_373 : i32
        %get3A_375 = arith.index_cast %add3A_374 : i32 to index
        %get3A_376 = tpu.vector_load %arg10[%get3A_375] {strides = array<i32>} : memref<4128xf32, #tpu.memory_space<vmem>>, vector<16xf32>,
        %get3A_377 = vector.shape_cast %get3A_376 : vector<16xf32> to vector<16xf32>
        %mul3A_378 = arith.constant 512 : i32
        %mul3A_379 = arith.muli %select_n3A_352, %mul3A_378 : i32
        %mul3A_380 = arith.constant 16 : i32
        %mul3A_381 = arith.muli %select_n3A_368, %mul3A_380 : i32
        %add3A_382 = arith.addi %mul3A_379, %mul3A_381 : i32
        %swap3A_383 = arith.index_cast %select_n3A_186 : i32 to index
        %swap3A_384 = arith.index_cast %add3A_382 : i32 to index
        %swap3A_385 = tpu.vector_load %arg11[%swap3A_383, %swap3A_384] {strides = array<i32>} : memref<2x4096xf32, #tpu.memory_space<vmem>>, vector<1x16xf32>,
        %swap3A_386 = vector.shape_cast %swap3A_385 : vector<1x16xf32> to vector<16xf32>
        %swap3A_387 = vector.shape_cast %get3A_377 : vector<16xf32> to vector<1x16xf32>
        tpu.vector_store %arg11[%swap3A_383, %swap3A_384], %swap3A_387 {strides = array<i32>} : memref<2x4096xf32, #tpu.memory_space<vmem>>, vector<1x16xf32>,
        %scan3A_388 = arith.constant 3 : i32
        %scan3A_389 = arith.addi %scan3A_208, %scan3A_388 : i32
        %jit3A_390 = arith.constant 32 : i32
        %div3A_391 = arith.divsi %scan3A_389, %jit3A_390 : i32
        %sign3A_392 = arith.constant 0 : i32
        %sign3A_393 = arith.cmpi sgt, %scan3A_389, %sign3A_392 : i32
        %sign3A_394 = arith.extui %sign3A_393 : i1 to i32
        %sign3A_395 = arith.constant 0 : i32
        %sign3A_396 = arith.cmpi slt, %scan3A_389, %sign3A_395 : i32
        %sign3A_397 = arith.extui %sign3A_396 : i1 to i32
        %sign3A_398 = arith.subi %sign3A_394, %sign3A_397 : i32
        %sign3A_399 = arith.constant 0 : i32
        %sign3A_400 = arith.cmpi sgt, %jit3A_390, %sign3A_399 : i32
        %sign3A_401 = arith.extui %sign3A_400 : i1 to i32
        %sign3A_402 = arith.constant 0 : i32
        %sign3A_403 = arith.cmpi slt, %jit3A_390, %sign3A_402 : i32
        %sign3A_404 = arith.extui %sign3A_403 : i1 to i32
        %sign3A_405 = arith.subi %sign3A_401, %sign3A_404 : i32
        %ne3A_406 = arith.cmpi ne, %sign3A_398, %sign3A_405 : i32
        %rem3A_407 = arith.remsi %scan3A_389, %jit3A_390 : i32
        %ne3A_408 = arith.constant 0 : i32
        %ne3A_409 = arith.cmpi ne, %rem3A_407, %ne3A_408 : i32
        %and3A_410 = arith.andi %ne3A_406, %ne3A_409 : i1
        %sub3A_411 = arith.constant 1 : i32
        %sub3A_412 = arith.subi %div3A_391, %sub3A_411 : i32
        %select_n3A_413 = arith.select %and3A_410, %sub3A_412, %div3A_391 : i32
        %jit3A_414 = arith.constant 32 : i32
        %eq3A_415 = arith.constant 0 : i32
        %eq3A_416 = arith.cmpi eq, %jit3A_414, %eq3A_415 : i32
        %jit3A_417 = arith.constant 1 : i32
        %select_n3A_418 = arith.select %eq3A_416, %jit3A_417, %jit3A_414 : i32
        %rem3A_419 = arith.remsi %scan3A_389, %select_n3A_418 : i32
        %ne3A_420 = arith.constant 0 : i32
        %ne3A_421 = arith.cmpi ne, %rem3A_419, %ne3A_420 : i32
        %lt3A_422 = arith.constant 0 : i32
        %lt3A_423 = arith.cmpi slt, %rem3A_419, %lt3A_422 : i32
        %lt3A_424 = arith.constant 0 : i32
        %lt3A_425 = arith.cmpi slt, %select_n3A_418, %lt3A_424 : i32
        %ne3A_426 = arith.xori %lt3A_423, %lt3A_425 : i1
        %and3A_427 = arith.andi %ne3A_426, %ne3A_421 : i1
        %add3A_428 = arith.addi %rem3A_419, %select_n3A_418 : i32
        %select_n3A_429 = arith.select %and3A_427, %add3A_428, %rem3A_419 : i32
        %mul3A_430 = arith.constant 515 : i32
        %mul3A_431 = arith.muli %select_n3A_413, %mul3A_430 : i32
        %add3A_432 = arith.addi %sub3A_170, %mul3A_431 : i32
        %mul3A_433 = arith.constant 16 : i32
        %mul3A_434 = arith.muli %select_n3A_429, %mul3A_433 : i32
        %add3A_435 = arith.addi %add3A_432, %mul3A_434 : i32
        %get3A_436 = arith.index_cast %add3A_435 : i32 to index
        %get3A_437 = tpu.vector_load %arg10[%get3A_436] {strides = array<i32>} : memref<4128xf32, #tpu.memory_space<vmem>>, vector<16xf32>,
        %get3A_438 = vector.shape_cast %get3A_437 : vector<16xf32> to vector<16xf32>
        %mul3A_439 = arith.constant 512 : i32
        %mul3A_440 = arith.muli %select_n3A_413, %mul3A_439 : i32
        %mul3A_441 = arith.constant 16 : i32
        %mul3A_442 = arith.muli %select_n3A_429, %mul3A_441 : i32
        %add3A_443 = arith.addi %mul3A_440, %mul3A_442 : i32
        %swap3A_444 = arith.index_cast %select_n3A_186 : i32 to index
        %swap3A_445 = arith.index_cast %add3A_443 : i32 to index
        %swap3A_446 = tpu.vector_load %arg11[%swap3A_444, %swap3A_445] {strides = array<i32>} : memref<2x4096xf32, #tpu.memory_space<vmem>>, vector<1x16xf32>,
        %swap3A_447 = vector.shape_cast %swap3A_446 : vector<1x16xf32> to vector<16xf32>
        %swap3A_448 = vector.shape_cast %get3A_438 : vector<16xf32> to vector<1x16xf32>
        tpu.vector_store %arg11[%swap3A_444, %swap3A_445], %swap3A_448 {strides = array<i32>} : memref<2x4096xf32, #tpu.memory_space<vmem>>, vector<1x16xf32>,
        %scan3A_449 = arith.constant 4 : i32
        %scan3A_450 = arith.addi %scan3A_208, %scan3A_449 : i32
        %jit3A_451 = arith.constant 32 : i32
        %div3A_452 = arith.divsi %scan3A_450, %jit3A_451 : i32
        %sign3A_453 = arith.constant 0 : i32
        %sign3A_454 = arith.cmpi sgt, %scan3A_450, %sign3A_453 : i32
        %sign3A_455 = arith.extui %sign3A_454 : i1 to i32
        %sign3A_456 = arith.constant 0 : i32
        %sign3A_457 = arith.cmpi slt, %scan3A_450, %sign3A_456 : i32
        %sign3A_458 = arith.extui %sign3A_457 : i1 to i32
        %sign3A_459 = arith.subi %sign3A_455, %sign3A_458 : i32
        %sign3A_460 = arith.constant 0 : i32
        %sign3A_461 = arith.cmpi sgt, %jit3A_451, %sign3A_460 : i32
        %sign3A_462 = arith.extui %sign3A_461 : i1 to i32
        %sign3A_463 = arith.constant 0 : i32
        %sign3A_464 = arith.cmpi slt, %jit3A_451, %sign3A_463 : i32
        %sign3A_465 = arith.extui %sign3A_464 : i1 to i32
        %sign3A_466 = arith.subi %sign3A_462, %sign3A_465 : i32
        %ne3A_467 = arith.cmpi ne, %sign3A_459, %sign3A_466 : i32
        %rem3A_468 = arith.remsi %scan3A_450, %jit3A_451 : i32
        %ne3A_469 = arith.constant 0 : i32
        %ne3A_470 = arith.cmpi ne, %rem3A_468, %ne3A_469 : i32
        %and3A_471 = arith.andi %ne3A_467, %ne3A_470 : i1
        %sub3A_472 = arith.constant 1 : i32
        %sub3A_473 = arith.subi %div3A_452, %sub3A_472 : i32
        %select_n3A_474 = arith.select %and3A_471, %sub3A_473, %div3A_452 : i32
        %jit3A_475 = arith.constant 32 : i32
        %eq3A_476 = arith.constant 0 : i32
        %eq3A_477 = arith.cmpi eq, %jit3A_475, %eq3A_476 : i32
        %jit3A_478 = arith.constant 1 : i32
        %select_n3A_479 = arith.select %eq3A_477, %jit3A_478, %jit3A_475 : i32
        %rem3A_480 = arith.remsi %scan3A_450, %select_n3A_479 : i32
        %ne3A_481 = arith.constant 0 : i32
        %ne3A_482 = arith.cmpi ne, %rem3A_480, %ne3A_481 : i32
        %lt3A_483 = arith.constant 0 : i32
        %lt3A_484 = arith.cmpi slt, %rem3A_480, %lt3A_483 : i32
        %lt3A_485 = arith.constant 0 : i32
        %lt3A_486 = arith.cmpi slt, %select_n3A_479, %lt3A_485 : i32
        %ne3A_487 = arith.xori %lt3A_484, %lt3A_486 : i1
        %and3A_488 = arith.andi %ne3A_487, %ne3A_482 : i1
        %add3A_489 = arith.addi %rem3A_480, %select_n3A_479 : i32
        %select_n3A_490 = arith.select %and3A_488, %add3A_489, %rem3A_480 : i32
        %mul3A_491 = arith.constant 515 : i32
        %mul3A_492 = arith.muli %select_n3A_474, %mul3A_491 : i32
        %add3A_493 = arith.addi %sub3A_170, %mul3A_492 : i32
        %mul3A_494 = arith.constant 16 : i32
        %mul3A_495 = arith.muli %select_n3A_490, %mul3A_494 : i32
        %add3A_496 = arith.addi %add3A_493, %mul3A_495 : i32
        %get3A_497 = arith.index_cast %add3A_496 : i32 to index
        %get3A_498 = tpu.vector_load %arg10[%get3A_497] {strides = array<i32>} : memref<4128xf32, #tpu.memory_space<vmem>>, vector<16xf32>,
        %get3A_499 = vector.shape_cast %get3A_498 : vector<16xf32> to vector<16xf32>
        %mul3A_500 = arith.constant 512 : i32
        %mul3A_501 = arith.muli %select_n3A_474, %mul3A_500 : i32
        %mul3A_502 = arith.constant 16 : i32
        %mul3A_503 = arith.muli %select_n3A_490, %mul3A_502 : i32
        %add3A_504 = arith.addi %mul3A_501, %mul3A_503 : i32
        %swap3A_505 = arith.index_cast %select_n3A_186 : i32 to index
        %swap3A_506 = arith.index_cast %add3A_504 : i32 to index
        %swap3A_507 = tpu.vector_load %arg11[%swap3A_505, %swap3A_506] {strides = array<i32>} : memref<2x4096xf32, #tpu.memory_space<vmem>>, vector<1x16xf32>,
        %swap3A_508 = vector.shape_cast %swap3A_507 : vector<1x16xf32> to vector<16xf32>
        %swap3A_509 = vector.shape_cast %get3A_499 : vector<16xf32> to vector<1x16xf32>
        tpu.vector_store %arg11[%swap3A_505, %swap3A_506], %swap3A_509 {strides = array<i32>} : memref<2x4096xf32, #tpu.memory_space<vmem>>, vector<1x16xf32>,
        %scan3A_510 = arith.constant 5 : i32
        %scan3A_511 = arith.addi %scan3A_208, %scan3A_510 : i32
        %jit3A_512 = arith.constant 32 : i32
        %div3A_513 = arith.divsi %scan3A_511, %jit3A_512 : i32
        %sign3A_514 = arith.constant 0 : i32
        %sign3A_515 = arith.cmpi sgt, %scan3A_511, %sign3A_514 : i32
        %sign3A_516 = arith.extui %sign3A_515 : i1 to i32
        %sign3A_517 = arith.constant 0 : i32
        %sign3A_518 = arith.cmpi slt, %scan3A_511, %sign3A_517 : i32
        %sign3A_519 = arith.extui %sign3A_518 : i1 to i32
        %sign3A_520 = arith.subi %sign3A_516, %sign3A_519 : i32
        %sign3A_521 = arith.constant 0 : i32
        %sign3A_522 = arith.cmpi sgt, %jit3A_512, %sign3A_521 : i32
        %sign3A_523 = arith.extui %sign3A_522 : i1 to i32
        %sign3A_524 = arith.constant 0 : i32
        %sign3A_525 = arith.cmpi slt, %jit3A_512, %sign3A_524 : i32
        %sign3A_526 = arith.extui %sign3A_525 : i1 to i32
        %sign3A_527 = arith.subi %sign3A_523, %sign3A_526 : i32
        %ne3A_528 = arith.cmpi ne, %sign3A_520, %sign3A_527 : i32
        %rem3A_529 = arith.remsi %scan3A_511, %jit3A_512 : i32
        %ne3A_530 = arith.constant 0 : i32
        %ne3A_531 = arith.cmpi ne, %rem3A_529, %ne3A_530 : i32
        %and3A_532 = arith.andi %ne3A_528, %ne3A_531 : i1
        %sub3A_533 = arith.constant 1 : i32
        %sub3A_534 = arith.subi %div3A_513, %sub3A_533 : i32
        %select_n3A_535 = arith.select %and3A_532, %sub3A_534, %div3A_513 : i32
        %jit3A_536 = arith.constant 32 : i32
        %eq3A_537 = arith.constant 0 : i32
        %eq3A_538 = arith.cmpi eq, %jit3A_536, %eq3A_537 : i32
        %jit3A_539 = arith.constant 1 : i32
        %select_n3A_540 = arith.select %eq3A_538, %jit3A_539, %jit3A_536 : i32
        %rem3A_541 = arith.remsi %scan3A_511, %select_n3A_540 : i32
        %ne3A_542 = arith.constant 0 : i32
        %ne3A_543 = arith.cmpi ne, %rem3A_541, %ne3A_542 : i32
        %lt3A_544 = arith.constant 0 : i32
        %lt3A_545 = arith.cmpi slt, %rem3A_541, %lt3A_544 : i32
        %lt3A_546 = arith.constant 0 : i32
        %lt3A_547 = arith.cmpi slt, %select_n3A_540, %lt3A_546 : i32
        %ne3A_548 = arith.xori %lt3A_545, %lt3A_547 : i1
        %and3A_549 = arith.andi %ne3A_548, %ne3A_543 : i1
        %add3A_550 = arith.addi %rem3A_541, %select_n3A_540 : i32
        %select_n3A_551 = arith.select %and3A_549, %add3A_550, %rem3A_541 : i32
        %mul3A_552 = arith.constant 515 : i32
        %mul3A_553 = arith.muli %select_n3A_535, %mul3A_552 : i32
        %add3A_554 = arith.addi %sub3A_170, %mul3A_553 : i32
        %mul3A_555 = arith.constant 16 : i32
        %mul3A_556 = arith.muli %select_n3A_551, %mul3A_555 : i32
        %add3A_557 = arith.addi %add3A_554, %mul3A_556 : i32
        %get3A_558 = arith.index_cast %add3A_557 : i32 to index
        %get3A_559 = tpu.vector_load %arg10[%get3A_558] {strides = array<i32>} : memref<4128xf32, #tpu.memory_space<vmem>>, vector<16xf32>,
        %get3A_560 = vector.shape_cast %get3A_559 : vector<16xf32> to vector<16xf32>
        %mul3A_561 = arith.constant 512 : i32
        %mul3A_562 = arith.muli %select_n3A_535, %mul3A_561 : i32
        %mul3A_563 = arith.constant 16 : i32
        %mul3A_564 = arith.muli %select_n3A_551, %mul3A_563 : i32
        %add3A_565 = arith.addi %mul3A_562, %mul3A_564 : i32
        %swap3A_566 = arith.index_cast %select_n3A_186 : i32 to index
        %swap3A_567 = arith.index_cast %add3A_565 : i32 to index
        %swap3A_568 = tpu.vector_load %arg11[%swap3A_566, %swap3A_567] {strides = array<i32>} : memref<2x4096xf32, #tpu.memory_space<vmem>>, vector<1x16xf32>,
        %swap3A_569 = vector.shape_cast %swap3A_568 : vector<1x16xf32> to vector<16xf32>
        %swap3A_570 = vector.shape_cast %get3A_560 : vector<16xf32> to vector<1x16xf32>
        tpu.vector_store %arg11[%swap3A_566, %swap3A_567], %swap3A_570 {strides = array<i32>} : memref<2x4096xf32, #tpu.memory_space<vmem>>, vector<1x16xf32>,
        %scan3A_571 = arith.constant 6 : i32
        %scan3A_572 = arith.addi %scan3A_208, %scan3A_571 : i32
        %jit3A_573 = arith.constant 32 : i32
        %div3A_574 = arith.divsi %scan3A_572, %jit3A_573 : i32
        %sign3A_575 = arith.constant 0 : i32
        %sign3A_576 = arith.cmpi sgt, %scan3A_572, %sign3A_575 : i32
        %sign3A_577 = arith.extui %sign3A_576 : i1 to i32
        %sign3A_578 = arith.constant 0 : i32
        %sign3A_579 = arith.cmpi slt, %scan3A_572, %sign3A_578 : i32
        %sign3A_580 = arith.extui %sign3A_579 : i1 to i32
        %sign3A_581 = arith.subi %sign3A_577, %sign3A_580 : i32
        %sign3A_582 = arith.constant 0 : i32
        %sign3A_583 = arith.cmpi sgt, %jit3A_573, %sign3A_582 : i32
        %sign3A_584 = arith.extui %sign3A_583 : i1 to i32
        %sign3A_585 = arith.constant 0 : i32
        %sign3A_586 = arith.cmpi slt, %jit3A_573, %sign3A_585 : i32
        %sign3A_587 = arith.extui %sign3A_586 : i1 to i32
        %sign3A_588 = arith.subi %sign3A_584, %sign3A_587 : i32
        %ne3A_589 = arith.cmpi ne, %sign3A_581, %sign3A_588 : i32
        %rem3A_590 = arith.remsi %scan3A_572, %jit3A_573 : i32
        %ne3A_591 = arith.constant 0 : i32
        %ne3A_592 = arith.cmpi ne, %rem3A_590, %ne3A_591 : i32
        %and3A_593 = arith.andi %ne3A_589, %ne3A_592 : i1
        %sub3A_594 = arith.constant 1 : i32
        %sub3A_595 = arith.subi %div3A_574, %sub3A_594 : i32
        %select_n3A_596 = arith.select %and3A_593, %sub3A_595, %div3A_574 : i32
        %jit3A_597 = arith.constant 32 : i32
        %eq3A_598 = arith.constant 0 : i32
        %eq3A_599 = arith.cmpi eq, %jit3A_597, %eq3A_598 : i32
        %jit3A_600 = arith.constant 1 : i32
        %select_n3A_601 = arith.select %eq3A_599, %jit3A_600, %jit3A_597 : i32
        %rem3A_602 = arith.remsi %scan3A_572, %select_n3A_601 : i32
        %ne3A_603 = arith.constant 0 : i32
        %ne3A_604 = arith.cmpi ne, %rem3A_602, %ne3A_603 : i32
        %lt3A_605 = arith.constant 0 : i32
        %lt3A_606 = arith.cmpi slt, %rem3A_602, %lt3A_605 : i32
        %lt3A_607 = arith.constant 0 : i32
        %lt3A_608 = arith.cmpi slt, %select_n3A_601, %lt3A_607 : i32
        %ne3A_609 = arith.xori %lt3A_606, %lt3A_608 : i1
        %and3A_610 = arith.andi %ne3A_609, %ne3A_604 : i1
        %add3A_611 = arith.addi %rem3A_602, %select_n3A_601 : i32
        %select_n3A_612 = arith.select %and3A_610, %add3A_611, %rem3A_602 : i32
        %mul3A_613 = arith.constant 515 : i32
        %mul3A_614 = arith.muli %select_n3A_596, %mul3A_613 : i32
        %add3A_615 = arith.addi %sub3A_170, %mul3A_614 : i32
        %mul3A_616 = arith.constant 16 : i32
        %mul3A_617 = arith.muli %select_n3A_612, %mul3A_616 : i32
        %add3A_618 = arith.addi %add3A_615, %mul3A_617 : i32
        %get3A_619 = arith.index_cast %add3A_618 : i32 to index
        %get3A_620 = tpu.vector_load %arg10[%get3A_619] {strides = array<i32>} : memref<4128xf32, #tpu.memory_space<vmem>>, vector<16xf32>,
        %get3A_621 = vector.shape_cast %get3A_620 : vector<16xf32> to vector<16xf32>
        %mul3A_622 = arith.constant 512 : i32
        %mul3A_623 = arith.muli %select_n3A_596, %mul3A_622 : i32
        %mul3A_624 = arith.constant 16 : i32
        %mul3A_625 = arith.muli %select_n3A_612, %mul3A_624 : i32
        %add3A_626 = arith.addi %mul3A_623, %mul3A_625 : i32
        %swap3A_627 = arith.index_cast %select_n3A_186 : i32 to index
        %swap3A_628 = arith.index_cast %add3A_626 : i32 to index
        %swap3A_629 = tpu.vector_load %arg11[%swap3A_627, %swap3A_628] {strides = array<i32>} : memref<2x4096xf32, #tpu.memory_space<vmem>>, vector<1x16xf32>,
        %swap3A_630 = vector.shape_cast %swap3A_629 : vector<1x16xf32> to vector<16xf32>
        %swap3A_631 = vector.shape_cast %get3A_621 : vector<16xf32> to vector<1x16xf32>
        tpu.vector_store %arg11[%swap3A_627, %swap3A_628], %swap3A_631 {strides = array<i32>} : memref<2x4096xf32, #tpu.memory_space<vmem>>, vector<1x16xf32>,
        %scan3A_632 = arith.constant 7 : i32
        %scan3A_633 = arith.addi %scan3A_208, %scan3A_632 : i32
        %jit3A_634 = arith.constant 32 : i32
        %div3A_635 = arith.divsi %scan3A_633, %jit3A_634 : i32
        %sign3A_636 = arith.constant 0 : i32
        %sign3A_637 = arith.cmpi sgt, %scan3A_633, %sign3A_636 : i32
        %sign3A_638 = arith.extui %sign3A_637 : i1 to i32
        %sign3A_639 = arith.constant 0 : i32
        %sign3A_640 = arith.cmpi slt, %scan3A_633, %sign3A_639 : i32
        %sign3A_641 = arith.extui %sign3A_640 : i1 to i32
        %sign3A_642 = arith.subi %sign3A_638, %sign3A_641 : i32
        %sign3A_643 = arith.constant 0 : i32
        %sign3A_644 = arith.cmpi sgt, %jit3A_634, %sign3A_643 : i32
        %sign3A_645 = arith.extui %sign3A_644 : i1 to i32
        %sign3A_646 = arith.constant 0 : i32
        %sign3A_647 = arith.cmpi slt, %jit3A_634, %sign3A_646 : i32
        %sign3A_648 = arith.extui %sign3A_647 : i1 to i32
        %sign3A_649 = arith.subi %sign3A_645, %sign3A_648 : i32
        %ne3A_650 = arith.cmpi ne, %sign3A_642, %sign3A_649 : i32
        %rem3A_651 = arith.remsi %scan3A_633, %jit3A_634 : i32
        %ne3A_652 = arith.constant 0 : i32
        %ne3A_653 = arith.cmpi ne, %rem3A_651, %ne3A_652 : i32
        %and3A_654 = arith.andi %ne3A_650, %ne3A_653 : i1
        %sub3A_655 = arith.constant 1 : i32
        %sub3A_656 = arith.subi %div3A_635, %sub3A_655 : i32
        %select_n3A_657 = arith.select %and3A_654, %sub3A_656, %div3A_635 : i32
        %jit3A_658 = arith.constant 32 : i32
        %eq3A_659 = arith.constant 0 : i32
        %eq3A_660 = arith.cmpi eq, %jit3A_658, %eq3A_659 : i32
        %jit3A_661 = arith.constant 1 : i32
        %select_n3A_662 = arith.select %eq3A_660, %jit3A_661, %jit3A_658 : i32
        %rem3A_663 = arith.remsi %scan3A_633, %select_n3A_662 : i32
        %ne3A_664 = arith.constant 0 : i32
        %ne3A_665 = arith.cmpi ne, %rem3A_663, %ne3A_664 : i32
        %lt3A_666 = arith.constant 0 : i32
        %lt3A_667 = arith.cmpi slt, %rem3A_663, %lt3A_666 : i32
        %lt3A_668 = arith.constant 0 : i32
        %lt3A_669 = arith.cmpi slt, %select_n3A_662, %lt3A_668 : i32
        %ne3A_670 = arith.xori %lt3A_667, %lt3A_669 : i1
        %and3A_671 = arith.andi %ne3A_670, %ne3A_665 : i1
        %add3A_672 = arith.addi %rem3A_663, %select_n3A_662 : i32
        %select_n3A_673 = arith.select %and3A_671, %add3A_672, %rem3A_663 : i32
        %mul3A_674 = arith.constant 515 : i32
        %mul3A_675 = arith.muli %select_n3A_657, %mul3A_674 : i32
        %add3A_676 = arith.addi %sub3A_170, %mul3A_675 : i32
        %mul3A_677 = arith.constant 16 : i32
        %mul3A_678 = arith.muli %select_n3A_673, %mul3A_677 : i32
        %add3A_679 = arith.addi %add3A_676, %mul3A_678 : i32
        %get3A_680 = arith.index_cast %add3A_679 : i32 to index
        %get3A_681 = tpu.vector_load %arg10[%get3A_680] {strides = array<i32>} : memref<4128xf32, #tpu.memory_space<vmem>>, vector<16xf32>,
        %get3A_682 = vector.shape_cast %get3A_681 : vector<16xf32> to vector<16xf32>
        %mul3A_683 = arith.constant 512 : i32
        %mul3A_684 = arith.muli %select_n3A_657, %mul3A_683 : i32
        %mul3A_685 = arith.constant 16 : i32
        %mul3A_686 = arith.muli %select_n3A_673, %mul3A_685 : i32
        %add3A_687 = arith.addi %mul3A_684, %mul3A_686 : i32
        %swap3A_688 = arith.index_cast %select_n3A_186 : i32 to index
        %swap3A_689 = arith.index_cast %add3A_687 : i32 to index
        %swap3A_690 = tpu.vector_load %arg11[%swap3A_688, %swap3A_689] {strides = array<i32>} : memref<2x4096xf32, #tpu.memory_space<vmem>>, vector<1x16xf32>,
        %swap3A_691 = vector.shape_cast %swap3A_690 : vector<1x16xf32> to vector<16xf32>
        %swap3A_692 = vector.shape_cast %get3A_682 : vector<16xf32> to vector<1x16xf32>
        tpu.vector_store %arg11[%swap3A_688, %swap3A_689], %swap3A_692 {strides = array<i32>} : memref<2x4096xf32, #tpu.memory_space<vmem>>, vector<1x16xf32>,
      }
      %scan3A_194 = arith.constant 256 : i32
      %mul3A_195 = arith.constant 512 : i32
      %mul3A_196 = arith.muli %add3A_129, %mul3A_195 : i32
      %add3A_197 = arith.addi %mul3A_196, %add3A_134 : i32
      %mul3A_198 = arith.constant 512 : i32
      %mul3A_199 = arith.muli %add3A_197, %mul3A_198 : i32
      %dma_start3A_200 = arith.constant 0 : i32
      %dma_start3A_201 = tpu.memref_slice %arg11[%select_n3A_186, %dma_start3A_200] : memref<2x4096xf32, #tpu.memory_space<vmem>> -> memref<1x4096xf32, #tpu.memory_space<vmem>>
      %dma_start3A_202 = tpu.memref_squeeze %dma_start3A_201 : memref<1x4096xf32, #tpu.memory_space<vmem>> -> memref<4096xf32, #tpu.memory_space<vmem>>
      %dma_start3A_203 = tpu.memref_slice %arg4[%mul3A_199] : memref<1048576xf32, #tpu.memory_space<hbm>> -> memref<4096xf32, #tpu.memory_space<hbm>>
      %dma_start3A_204 = tpu.memref_slice %arg4[%mul3A_199] : memref<1048576xf32, #tpu.memory_space<hbm>> -> memref<4096xf32, #tpu.memory_space<hbm>>
      %dma_start3A_205 = arith.constant 0 : i32
      %dma_start3A_206 = tpu.memref_slice %arg11[%select_n3A_186, %dma_start3A_205] : memref<2x4096xf32, #tpu.memory_space<vmem>> -> memref<1x4096xf32, #tpu.memory_space<vmem>>
      %dma_start3A_207 = tpu.memref_squeeze %dma_start3A_206 : memref<1x4096xf32, #tpu.memory_space<vmem>> -> memref<4096xf32, #tpu.memory_space<vmem>>
      tpu.enqueue_dma source(%dma_start3A_207 : memref<4096xf32, #tpu.memory_space<vmem>>) target(%dma_start3A_204 : memref<4096xf32, #tpu.memory_space<hbm>>) target_semaphore(%arg13 : memref<!tpu.dma_semaphore, #tpu.memory_space<semaphore_mem>>)
    }
    %scan3A_73 = arith.constant 8 : i32
    %dma_wait3A_74 = arith.constant 0 : i32
    %dma_wait3A_75 = arith.constant 0 : i32
    %dma_wait3A_76 = tpu.memref_slice %arg11[%dma_wait3A_74, %dma_wait3A_75] : memref<2x4096xf32, #tpu.memory_space<vmem>> -> memref<1x4096xf32, #tpu.memory_space<vmem>>
    %dma_wait3A_77 = tpu.memref_squeeze %dma_wait3A_76 : memref<1x4096xf32, #tpu.memory_space<vmem>> -> memref<4096xf32, #tpu.memory_space<vmem>>
    %dma_wait3A_78 = arith.constant 0 : i32
    %dma_wait3A_79 = tpu.memref_slice %arg2[%dma_wait3A_78] : memref<1048576xf32, #tpu.memory_space<hbm>> -> memref<4096xf32, #tpu.memory_space<hbm>>
    %dma_wait3A_80 = arith.constant 0 : i32
    %dma_wait3A_81 = tpu.memref_slice %arg11[%dma_wait3A_74, %dma_wait3A_80] : memref<2x4096xf32, #tpu.memory_space<vmem>> -> memref<1x4096xf32, #tpu.memory_space<vmem>>
    %dma_wait3A_82 = tpu.memref_squeeze %dma_wait3A_81 : memref<1x4096xf32, #tpu.memory_space<vmem>> -> memref<4096xf32, #tpu.memory_space<vmem>>
    %dma_wait3A_83 = arith.constant 0 : i32
    %dma_wait3A_84 = tpu.memref_slice %arg2[%dma_wait3A_83] : memref<1048576xf32, #tpu.memory_space<hbm>> -> memref<4096xf32, #tpu.memory_space<hbm>>
    tpu.wait_dma2 semaphore(%arg13 : memref<!tpu.dma_semaphore, #tpu.memory_space<semaphore_mem>>) src(%dma_wait3A_84 : memref<4096xf32, #tpu.memory_space<hbm>>) dst(%dma_wait3A_82 : memref<4096xf32, #tpu.memory_space<vmem>>)
    %dma_wait3A_85 = arith.constant 1 : i32
    %dma_wait3A_86 = arith.constant 0 : i32
    %dma_wait3A_87 = tpu.memref_slice %arg11[%dma_wait3A_85, %dma_wait3A_86] : memref<2x4096xf32, #tpu.memory_space<vmem>> -> memref<1x4096xf32, #tpu.memory_space<vmem>>
    %dma_wait3A_88 = tpu.memref_squeeze %dma_wait3A_87 : memref<1x4096xf32, #tpu.memory_space<vmem>> -> memref<4096xf32, #tpu.memory_space<vmem>>
    %dma_wait3A_89 = arith.constant 0 : i32
    %dma_wait3A_90 = tpu.memref_slice %arg2[%dma_wait3A_89] : memref<1048576xf32, #tpu.memory_space<hbm>> -> memref<4096xf32, #tpu.memory_space<hbm>>
    %dma_wait3A_91 = arith.constant 0 : i32
    %dma_wait3A_92 = tpu.memref_slice %arg11[%dma_wait3A_85, %dma_wait3A_91] : memref<2x4096xf32, #tpu.memory_space<vmem>> -> memref<1x4096xf32, #tpu.memory_space<vmem>>
    %dma_wait3A_93 = tpu.memref_squeeze %dma_wait3A_92 : memref<1x4096xf32, #tpu.memory_space<vmem>> -> memref<4096xf32, #tpu.memory_space<vmem>>
    %dma_wait3A_94 = arith.constant 0 : i32
    %dma_wait3A_95 = tpu.memref_slice %arg2[%dma_wait3A_94] : memref<1048576xf32, #tpu.memory_space<hbm>> -> memref<4096xf32, #tpu.memory_space<hbm>>
    tpu.wait_dma2 semaphore(%arg13 : memref<!tpu.dma_semaphore, #tpu.memory_space<semaphore_mem>>) src(%dma_wait3A_95 : memref<4096xf32, #tpu.memory_space<hbm>>) dst(%dma_wait3A_93 : memref<4096xf32, #tpu.memory_space<vmem>>)
    return
  }
}

</mosaic_0001>

<sc_bundles>
// kernel: _sc_scatter.3.cloned.1.call-start
scs
__scs_entry_jumppad:
0x0: {  	(pc) =	sbr.rel $0x88, $3  }
0x1: {  	(tag) =	ssettag $0x0;
	lr =	simm.s32 $0x1  }
0x2: {  	[smem:$0x3F9F] =	sst lr;
	_ =	strace $0xD0000000  }
0x3: {  	_ = 	snop  }
0x4: {  	_ = 	snop  }
0x5: {  	_ = 	snop  }
0x6: {  	_ = 	snop  }
0x7: {  	_ = 	snop  }
__scs_overlays_trampoline_lowered:
0x8: {  	[smem:$0x3FAE] =	sst s0  }
0x9: {  	[smem:$0x3FAF] =	sst s1  }
0xa: {  	[smem:$0x3FB0] =	sst s2  }
0xb: {  	[smem:$0x3FB1] =	sst s3  }
0xc: {  	[smem:$0x3FB2] =	sst s4  }
0xd: {  	[smem:$0x3FB3] =	sst s5  }
0xe: {  	[smem:$0x3FB4] =	sst s6  }
0xf: {  	[smem:$0x3FB5] =	sst s7  }
0x10: {  	[smem:$0x3FB6] =	sst s8  }
0x11: {  	[smem:$0x3FB7] =	sst s9;
	s0 =	simm.s32 @!p0 $0x0  }
0x12: {  	s1 =	sld [smem:$0x3F9D];
	s0 =	simm.s32 @p0 $0x1  }
0x13: {  	[smem:$0x3FB8] =	sst s0;
	s0 =	simm.s32 @!p1 $0x0  }
0x14: {  	s2 =	sld [smem:$0x3F9C];
	s0 =	simm.s32 @p1 $0x1  }
0x15: {  	[smem:$0x3FB9] =	sst s0;
	s0 =	simm.s32 @!p2 $0x0  }
0x16: {  	s3 =	sld [smem:$0x3FDB];
	s0 =	simm.s32 @p2 $0x1  }
0x17: {  	s4 =	simm.s32 $0x1BF5;
	[smem:$0x3FBB] =	sst s0  }
0x18: {  	s0 =	sld [smem:$0x3F9E];
	_ =	swait.ge [sflag:s4], $0x0  }
0x19: {  	s7 =	sld [smem:$0x3F9F]  }
0x1a: {  	s8 =	sadd.s32 $0xFFFFE003, lr  }
0x1b: {  	s9 =	sadd.s32 $0xFFFFFEF7, lr;
	s5 =	simm.s32 $0xFFFFFFFF;
	p2 =	slt.u32 s8, $0xFFFFF086  }
0x1c: {  	p1 =	slt.u32 s9, $0xF7A;
	s5 =	simm.s32 @!p2 $0x0  }
0x1d: {  	s5 =	simm.s32 @p1 $0x1;
	p0 =	seq.s32 s7, s2  }
0x1e: {  	s7 =	smul.u32 @!p0 $0xF7A, s2;
	p2 =	seq.s32 @!p0 s5, $0x0  }
0x1f: {  	s9 =	smul.u32 $0xF7A, s1;
	s8 =	simm.s32 @!p0 $0x1BF5;
	p2 =	por !p2, p0  }
0x20: {  	[sflag:s8] =	ssyncset.s32 @!p0 $0xFFFFF086;
	s6 =	sadd.s32 @!p0 s3, s7;
	s7 =	simm.s32 @!p0 $0x108  }
0x21: {  	s3 =	sadd.s32 s3, s9;
	s6 =	sadd.s32 @!p0 $0x88, s6;
	s7 =	simm.s32 @p2 $0x1082  }
0x22: {  	[simem:s7], [sflag:s8] =	dma.local @!p0 [hbm:s6], $0xF7A  }
0x23: {  	s9 =	sor.u32 $0xD0000000, s2;
	s6 =	simm.s32 $0x108;
	_ =	swait.ge @!p0 [sflag:s8], $0x0  }
0x24: {  	s3 =	sadd.s32 $0x88, s3;
	s6 =	simm.s32 @!p1 $0x1082;
	[sflag:s4] =	ssyncset.s32 $0xFFFFF086  }
0x25: {  	[simem:s6], [sflag:s4] =	dma.local [hbm:s3], $0xF7A  }
0x26: {  	[smem:$0x3F9F] =	sst s1;
	(tag) =	ssettag s2;
	_ =	strace s9  }
0x27: {  	s1 =	sld [smem:$0x3FAF]  }
0x28: {  	s2 =	sld [smem:$0x3FB0]  }
0x29: {  	s4 =	sld [smem:$0x3FB2]  }
0x2a: {  	p0 =	seq.s32 s5, $0x0;
	s5 =	sld [smem:$0x3FB3]  }
0x2b: {  	s6 =	sld [smem:$0x3FB4]  }
0x2c: {  	s7 =	sld [smem:$0x3FB5]  }
0x2d: {  	s3 =	simm.s32 $0x108;
	s8 =	sld [smem:$0x3FB6]  }
0x2e: {  	s3 =	simm.s32 @!p0 $0x1082;
	s9 =	sld [smem:$0x3FB7]  }
0x2f: {  	lr =	sadd.s32 s0, s3;
	s0 =	sld [smem:$0x3FAE]  }
0x30: {  	s3 =	sld [smem:$0x3FB1]  }
0x31: {  	[smem:$0x3FBA] =	sst s10  }
0x32: {  	s10 =	sld [smem:$0x3FB8];
	_ =	sdelay $0x3  }
0x33: {  	p0 =	seq.s32 s10, $0x1;
	s10 =	sld [smem:$0x3FBA];
	_ =	sdelay $0x3  }
0x34: {  	[smem:$0x3FBA] =	sst s10  }
0x35: {  	s10 =	sld [smem:$0x3FB9];
	_ =	sdelay $0x3  }
0x36: {  	p1 =	seq.s32 s10, $0x1;
	s10 =	sld [smem:$0x3FBA];
	_ =	sdelay $0x3  }
0x37: {  	[smem:$0x3FBA] =	sst s10  }
0x38: {  	s10 =	sld [smem:$0x3FBB]  }
0x39: {  	_ = 	snop;
	(pc) =	sbr.ind lr, $3  }
0x3a: {  	_ = 	snop  }
0x3b: {  	_ = 	snop  }
0x3c: {  	p2 =	seq.s32 s10, $0x1;
	s10 =	sld [smem:$0x3FBA]  }
0x3d: {  	_ =	shalt  }
0x3e: {  	_ =	shalt  }
0x3f: {  	_ =	shalt  }
0x40: {  	_ =	shalt  }
0x41: {  	_ =	shalt  }
0x42: {  	_ =	shalt  }
0x43: {  	_ =	shalt  }
0x44: {  	_ =	shalt  }
0x45: {  	_ =	shalt  }
0x46: {  	_ =	shalt  }
0x47: {  	_ =	shalt  }
0x48: {  	_ =	shalt  }
0x49: {  	_ =	shalt  }
0x4a: {  	_ =	shalt  }
0x4b: {  	_ =	shalt  }
0x4c: {  	_ =	shalt  }
0x4d: {  	_ =	shalt  }
0x4e: {  	_ =	shalt  }
0x4f: {  	_ =	shalt  }
0x50: {  	_ =	shalt  }
0x51: {  	_ =	shalt  }
0x52: {  	_ =	shalt  }
0x53: {  	_ =	shalt  }
0x54: {  	_ =	shalt  }
0x55: {  	_ =	shalt  }
0x56: {  	_ =	shalt  }
0x57: {  	_ =	shalt  }
0x58: {  	_ =	shalt  }
0x59: {  	_ =	shalt  }
0x5a: {  	_ =	shalt  }
0x5b: {  	_ =	shalt  }
0x5c: {  	_ =	shalt  }
0x5d: {  	_ =	shalt  }
0x5e: {  	_ =	shalt  }
0x5f: {  	_ =	shalt  }
0x60: {  	_ =	shalt  }
0x61: {  	_ =	shalt  }
0x62: {  	_ =	shalt  }
0x63: {  	_ =	shalt  }
0x64: {  	_ =	shalt  }
0x65: {  	_ =	shalt  }
0x66: {  	_ =	shalt  }
0x67: {  	_ =	shalt  }
0x68: {  	_ =	shalt  }
0x69: {  	_ =	shalt  }
0x6a: {  	_ =	shalt  }
0x6b: {  	_ =	shalt  }
0x6c: {  	_ =	shalt  }
0x6d: {  	_ =	shalt  }
0x6e: {  	_ =	shalt  }
0x6f: {  	_ =	shalt  }
0x70: {  	_ =	shalt  }
0x71: {  	_ =	shalt  }
0x72: {  	_ =	shalt  }
0x73: {  	_ =	shalt  }
0x74: {  	_ =	shalt  }
0x75: {  	_ =	shalt  }
0x76: {  	_ =	shalt  }
0x77: {  	_ =	shalt  }
0x78: {  	_ =	shalt  }
0x79: {  	_ =	shalt  }
0x7a: {  	_ =	shalt  }
0x7b: {  	_ =	shalt  }
0x7c: {  	_ =	shalt  }
0x7d: {  	_ =	shalt  }
0x7e: {  	_ =	shalt  }
0x7f: {  	_ =	shalt  }
0x80: {  	_ =	shalt  }
0x81: {  	_ =	shalt  }
0x82: {  	_ =	shalt  }
0x83: {  	_ =	shalt  }
0x84: {  	_ =	shalt  }
0x85: {  	_ =	shalt  }
0x86: {  	_ =	shalt  }
0x87: {  	_ =	shalt  }
.Lfunc_end0:
.L_simem_size_0:
called_computation_lowered:
.L_overlay_start_0:
0x88: {  	s2 =	sld [smem:$0x3FD9]  }
0x89: {  	s3 =	sld [smem:$0x3FFE];
	_ =	sdelay $0x1  }
0x8a: {  	s1 =	srdreg.scid  }
0x8b: {  	s0 =	sand.u32 $0x1, s1  }
0x8c: {  	s18 =	sshll.u32 s0, $0xA;
	s2 =	sadd.s32 s3, s2  }
0x8d: {  	s2 =	sadd.s32 s2, s18  }
0x8e: {  	[smem:$0x3FC6] =	sst s2  }
0x8f: {  	_ = 	snop  }
0x90: {  	s2 =	sld [smem:$0x3FC9]  }
0x91: {  	s19 =	sld [smem:$0x3FC8]  }
0x92: {  	s4 =	sld [smem:$0x3FD0];
	(tm) =	ssettm $0x1  }
0x93: {  	s5 =	sld [smem:$0x3FFB];
	_ =	sdelay $0x3  }
0x94: {  	_ =	strace s5  }
0x95: {  	s5 =	sld [smem:$0x3FFC];
	_ =	sdelay $0x3  }
0x96: {  	_ =	strace s5  }
0x97: {  	s5 =	sld [smem:$0x3FFD];
	_ =	sdelay $0x3  }
0x98: {  	_ =	strace s5  }
0x99: {  	_ =	strace $0x8FFFFFFF  }
0x9a: {  	s20 =	sld [smem:$0x3FDB];
	_ =	sdelay $0x1  }
0x9b: {  	s6 =	simm.s32 $_scs_section_size  }
0x9c: {  	s7 =	simm.s32 $_size__tile_overlayer_lowered;
	s8 =	simm.s32 $_tile_overlayer_lowered  }
0x9d: {  	s23 =	simm.s32 $0x1BFF;
	s22 =	sshll.u32 s8, $0x1;
	s5 =	sadd.s32 s6, s20  }
0x9e: {  	s9 =	simm.s32 $0x0;
	s21 =	sshll.u32 s7, $0x1;
	s7 =	sadd.s32 s22, s5  }
0x9f: {  	[timem:s9], [sflag:s23] =	dma.local [hbm:s7], s21  }
0xa0: {  	_ =	swait.ge [sflag:s23], s21  }
0xa1: {  	s6 =	ssub.s32 $0x0, s21;
	[sflag:s23] =	ssyncset.done $0x0  }
0xa2: {  	[sflag:s23] =	ssyncadd.s32 s6;
	_ =	sdelay $0x1  }
0xa3: {  	s24 =	simm.s32 $0x1B8B  }
0xa4: {  	_ =	swait.ge [sflag:s24], $0x1  }
0xa5: {  	[sflag:s24] =	ssyncset.done $0x0  }
0xa6: {  	s25 =	simm.s32 $0x1B8E;
	[sflag:s24] =	ssyncadd.s32 $0xFFFFFFFF  }
0xa7: {  	s26 =	simm.s32 $execute0_lowered;
	[smem:$0x3FD2] =	sst s25  }
0xa8: {  	s6 =	sshll.u32 s26, $0x1;
	_ =	strace $0x80000046;
	[dreg:$0x1] =	wrdreg $0xFFFFFFFF  }
0xa9: {  	s28 =	simm.s32 $_size_execute0_lowered;
	s5 =	sadd.s32 s5, s6;
	[dreg:$0x0] =	wrdreg $0x0  }
0xaa: {  	s6 =	sshll.u32 s28, $0x1;
	[dreg:$0x2] =	wrdreg s5  }
0xab: {  	[dreg:$0x3] =	wrdreg s6  }
0xac: {  	[dreg:$0x4] =	wrdreg $0xC0  }
0xad: {  	_ =	task [dreg:s9], $0x5FFFF  }
0xae: {  	[dreg:$0x1] =	wrdreg $0xFFFFFFFF  }
0xaf: {  	[dreg:$0x0] =	wrdreg $0x60  }
0xb0: {  	[dreg:$0x2] =	wrdreg s2  }
0xb1: {  	[dreg:$0x3] =	wrdreg s19  }
0xb2: {  	[dreg:$0x4] =	wrdreg s4  }
0xb3: {  	[dreg:$0x5] =	wrdreg $0x111800  }
0xb4: {  	[dreg:$0x6] =	wrdreg $0x9  }
0xb5: {  	_ =	task.clear_ibuf [dreg:s9], $0x7FFFF;
	_ =	strace $0x90000046  }
0xb6: {  	s29 =	simm.s32 $0x9;
	_ =	strace $0x80000048  }
0xb7: {  	_ =	swait.ge [sflag:s29], $0x1  }
0xb8: {  	[sflag:s29] =	ssyncadd.s32 $0xFFFFFFFF  }
0xb9: {  	_ =	strace $0x90000048  }
0xba: {  	_ =	sfence  }
0xbb: {  	s30 =	sld [smem:$0x0];
	_ =	sdelay $0x2  }
0xbc: {  	s31 =	sshll.u32 s1, $0xD;
	s1 =	sshrl.u32 s1, $0x2  }
0xbd: {  	s3 =	sand.u32 $0x4000, s31;
	s1 =	sadd.s32 s1, s30  }
0xbe: {  	s0 =	sor.u32 s3, s0;
	s1 =	sshll.u32 s1, $0x11  }
0xbf: {  	s0 =	sor.u32 s1, s0  }
0xc0: {  	s0 =	sadd.s32 $0x8F2B, s0  }
0xc1: {  	[sflag:s0] =	ssyncadd.remote.s32 $0x1  }
0xc2: {  	_ =	sfence.sel $0xFFFF  }
0xc3: {  	[dreg:$0x0] =	wrdreg $0xFFFFFFFF;
	(pc) =	sbr.abs _section_cstart, $3  }
0xc4: {  	[dreg:$0x1] =	wrdreg $0xFFFFFFFF  }
0xc5: {  	_ =	task.clear_ibuf [dreg:s9], $0x2FFFF;
	_ =	strace $0x9FFFFFFF  }
0xc6: {  	(tm) =	ssettm $0x7FFFFFFF  }
0xc7: {  	_ =	shalt  }
tec
execute0_lowered:
.L_overlay_start_1:
0x0: {  	(tag) =	ssettag $0x1  }
0x1: {  	s1 =	rddreg [dreg:$0x0]  }
0x2: {  	s2 =	rddreg [dreg:$0x1]  }
0x3: {  	s3 =	rddreg [dreg:$0x2]  }
0x4: {  	s5 =	rddreg [dreg:$0x3]  }
0x5: {  	s6 =	simm.s32 $0x0;
	s0 =	srdreg.scid;
	s13 =	stileid.u32  }
0x6: {  	s17 =	simm.s32 $0x3;
	s28 =	simm.s32 $0x2;
	s29 =	simm.s32 $0xE100  }
0x7: {  	s30 =	simm.s32 $0x0;
	[smem:$0x7FF] =	sst s6;
	s0 =	sand.u32 $0x1, s0  }
0x8: {  	s4 =	smul.u32 $0x20800, s13;
	s7 =	sshll.u32 s13, $0xE;
	s13 =	sshll.u32 s13, $0x5  }
0x9: {  	_ =	strace $0x80000047;
	s10 =	ssub.s32 $0x2, s0;
	s8 =	sshll.u32 s0, $0x13  }
0xa: {  	s14 =	sshll.u32 s0, $0xA;
	s4 =	sshrl.u32 s4, $0x2;
	s24 =	sor.u32 s7, s8  }
0xb: {  	s11 =	sshrl.u32 s10, $0x1;
	s9 =	sadd.s32 s4, s5;
	s4 =	sshrl.u32 s24, $0x3  }
0xc: {  	s10 =	ssub.s32 s10, s11;
	s25 =	sadd.s32 $0x4100, s9;
	s11 =	sadd.s32 s1, s4  }
0xd: {  	s12 =	sadd.s32 s2, s4;
	s26 =	smax.u32 s10, $0x1;
	[dreg:$0x5] =	wrdreg s25  }
0xe: {  	[dreg:$0x6] =	wrdreg s26;
	s31 =	sadd.s32 $0x10, s11;
	s20 =	sadd.s32 $0x20, s11  }
0xf: {  	v0 =	vimm.f32 $0.0e+00;
	s25 =	simm.s32 $0x1;
	s26 =	simm.s32 $0x80;
	[dreg:$0x7] =	wrdreg s31  }
.LBB2_1:
0x10: {  	s0 =	simm.s32 $0xA040  }
0x11: {  	[tilespmem:s0+$0xFFFFFFC0] =	vst v0  }
0x12: {  	[tilespmem:s0+$0x30] =	vst v0  }
0x13: {  	[tilespmem:s0+$0x20] =	vst v0  }
0x14: {  	[tilespmem:s0+$0x10] =	vst v0  }
0x15: {  	[tilespmem:s0+$0x0] =	vst v0  }
0x16: {  	[tilespmem:s0+$0xFFFFFFF0] =	vst v0  }
0x17: {  	s4 =	simm.s32 $0x0;
	[tilespmem:s0+$0xFFFFFFE0] =	vst v0  }
.LBB2_2:
0x18: {  	s4 =	sadd.s32 $0x8, s4;
	[tilespmem:s0+$0xFFFFFFD0] =	vst v0;
	s0 =	sadd.s32 $0x80, s0  }
0x19: {  	[tilespmem:s0+$0xFFFFFFC0] =	vst v0;
	p0 =	slt.u32 s4, $0x408  }
0x1a: {  	[tilespmem:s0+$0x30] =	vst v0  }
.Ltmp0:
0x1b: {  	[tilespmem:s0+$0x20] =	vst v0;
	(pc) =	sbr.rel @p0 .LBB2_2-.Ltmp0, $4  }
0x1c: {  	[tilespmem:s0+$0x10] =	vst v0  }
0x1d: {  	[tilespmem:s0+$0x0] =	vst v0  }
0x1e: {  	[tilespmem:s0+$0xFFFFFFF0] =	vst v0  }
0x1f: {  	[tilespmem:s0+$0xFFFFFFE0] =	vst v0  }
0x20: {  	[tilespmem:s0+$0xFFFFFFD0] =	vst v0;
	s4 =	simm.s32 $0xA000  }
0x21: {  	[spmem:s9] =	stream.linear.scatter [tilespmem:s4], [sflag:$0x3], $0x4100, $0x38;
	[tilespmem:$0x19380] =	vst v63  }
0x22: {  	_ =	swait.ge [sflag:s17], $0x4100  }
0x23: {  	[sflag:s17] =	ssyncset.done $0x0  }
0x24: {  	s24 =	rddreg [dreg:$0x5];
	[sflag:s17] =	ssyncadd.s32 $0xFFFFBF00  }
0x25: {  	[spmem:s24] =	stream.linear.scatter [tilespmem:s4], [sflag:$0x3], $0x4100, $0x38;
	[tilespmem:$0x19380] =	vst v63  }
0x26: {  	_ =	swait.ge [sflag:s17], $0x4100  }
0x27: {  	[sflag:s17] =	ssyncset.done $0x0  }
0x28: {  	[sflag:s17] =	ssyncadd.s32 $0xFFFFBF00  }
0x29: {  	s0 =	simm.s32 $0x0;
	[bflag:$0x0] =	sbarrier.arrive $0xFFFF  }
0x2a: {  	[tilespmem:s0], [sflag:$0x1] =	stream.linear.gather [hbm4b:s11+s0], $0x80, $0x38;
	[tilespmem:$0x19380] =	vst v63  }
0x2b: {  	s10 =	simm.s32 $0x100;
	s31 =	rddreg [dreg:$0x7]  }
0x2c: {  	[tilespmem:s10], [sflag:$0x1] =	stream.linear.gather [hbm4b:s31+s0], $0x80, $0x38;
	[tilespmem:$0x19380] =	vst v63  }
0x2d: {  	s15 =	simm.s32 $0x200  }
0x2e: {  	[tilespmem:s15], [sflag:$0x1] =	stream.linear.gather [hbm4b:s20+s0], $0x80, $0x38;
	[tilespmem:$0x19380] =	vst v63  }
0x2f: {  	s16 =	sadd.s32 $0x30, s11;
	s18 =	simm.s32 $0x300  }
0x30: {  	[tilespmem:s18], [sflag:$0x1] =	stream.linear.gather [hbm4b:s16+s0], $0x80, $0x38;
	[tilespmem:$0x19380] =	vst v63  }
0x31: {  	s19 =	sadd.s32 $0x40, s11;
	s21 =	simm.s32 $0x400  }
0x32: {  	[tilespmem:s21], [sflag:$0x1] =	stream.linear.gather [hbm4b:s19+s0], $0x80, $0x38;
	[tilespmem:$0x19380] =	vst v63  }
0x33: {  	s22 =	sadd.s32 $0x50, s11;
	s23 =	simm.s32 $0x500  }
0x34: {  	[tilespmem:s23], [sflag:$0x1] =	stream.linear.gather [hbm4b:s22+s0], $0x80, $0x38;
	[tilespmem:$0x19380] =	vst v63  }
0x35: {  	s24 =	sadd.s32 $0x60, s11;
	s31 =	simm.s32 $0x600  }
0x36: {  	[tilespmem:s31], [sflag:$0x1] =	stream.linear.gather [hbm4b:s24+s0], $0x80, $0x38;
	[tilespmem:$0x19380] =	vst v63  }
0x37: {  	s10 =	sadd.s32 $0x70, s11;
	s15 =	simm.s32 $0x700  }
0x38: {  	[tilespmem:s15], [sflag:$0x1] =	stream.linear.gather [hbm4b:s10+s0], $0x80, $0x38;
	[tilespmem:$0x19380] =	vst v63  }
0x39: {  	s16 =	sadd.s32 $0x80, s11;
	s18 =	simm.s32 $0x800  }
0x3a: {  	[tilespmem:s18], [sflag:$0x1] =	stream.linear.gather [hbm4b:s16+s0], $0x80, $0x38;
	[tilespmem:$0x19380] =	vst v63  }
0x3b: {  	s19 =	sadd.s32 $0x90, s11;
	s21 =	simm.s32 $0x900  }
0x3c: {  	[tilespmem:s21], [sflag:$0x1] =	stream.linear.gather [hbm4b:s19+s0], $0x80, $0x38;
	[tilespmem:$0x19380] =	vst v63  }
0x3d: {  	s22 =	sadd.s32 $0xA0, s11;
	s23 =	simm.s32 $0xA00  }
0x3e: {  	[tilespmem:s23], [sflag:$0x1] =	stream.linear.gather [hbm4b:s22+s0], $0x80, $0x38;
	[tilespmem:$0x19380] =	vst v63  }
0x3f: {  	s24 =	sadd.s32 $0xB0, s11;
	s31 =	simm.s32 $0xB00  }
0x40: {  	[tilespmem:s31], [sflag:$0x1] =	stream.linear.gather [hbm4b:s24+s0], $0x80, $0x38;
	[tilespmem:$0x19380] =	vst v63  }
0x41: {  	s15 =	sadd.s32 $0xC0, s11;
	s16 =	simm.s32 $0xC00  }
0x42: {  	[tilespmem:s16], [sflag:$0x1] =	stream.linear.gather [hbm4b:s15+s0], $0x80, $0x38;
	[tilespmem:$0x19380] =	vst v63  }
0x43: {  	s18 =	sadd.s32 $0xD0, s11;
	s19 =	simm.s32 $0xD00  }
0x44: {  	[tilespmem:s19], [sflag:$0x1] =	stream.linear.gather [hbm4b:s18+s0], $0x80, $0x38;
	[tilespmem:$0x19380] =	vst v63  }
0x45: {  	s21 =	sadd.s32 $0xE0, s11;
	s22 =	simm.s32 $0xE00  }
0x46: {  	[tilespmem:s22], [sflag:$0x1] =	stream.linear.gather [hbm4b:s21+s0], $0x80, $0x38;
	[tilespmem:$0x19380] =	vst v63  }
0x47: {  	s23 =	sadd.s32 $0xF0, s11;
	s24 =	simm.s32 $0xF00  }
0x48: {  	[tilespmem:s24], [sflag:$0x1] =	stream.linear.gather [hbm4b:s23+s0], $0x80, $0x38;
	[tilespmem:$0x19380] =	vst v63  }
0x49: {  	s31 =	simm.s32 $0x1000  }
0x4a: {  	[tilespmem:s31], [sflag:$0x1] =	stream.linear.gather [hbm4b:s12+s0], $0x80, $0x38;
	[tilespmem:$0x19380] =	vst v63  }
0x4b: {  	s10 =	sadd.s32 $0x10, s12;
	s15 =	simm.s32 $0x1100  }
0x4c: {  	[tilespmem:s15], [sflag:$0x1] =	stream.linear.gather [hbm4b:s10+s0], $0x80, $0x38;
	[tilespmem:$0x19380] =	vst v63  }
0x4d: {  	s16 =	sadd.s32 $0x20, s12;
	s18 =	simm.s32 $0x1200  }
0x4e: {  	[tilespmem:s18], [sflag:$0x1] =	stream.linear.gather [hbm4b:s16+s0], $0x80, $0x38;
	[tilespmem:$0x19380] =	vst v63  }
0x4f: {  	s19 =	sadd.s32 $0x30, s12;
	s21 =	simm.s32 $0x1300  }
0x50: {  	[tilespmem:s21], [sflag:$0x1] =	stream.linear.gather [hbm4b:s19+s0], $0x80, $0x38;
	[tilespmem:$0x19380] =	vst v63  }
0x51: {  	s22 =	sadd.s32 $0x40, s12;
	s23 =	simm.s32 $0x1400  }
0x52: {  	[tilespmem:s23], [sflag:$0x1] =	stream.linear.gather [hbm4b:s22+s0], $0x80, $0x38;
	[tilespmem:$0x19380] =	vst v63  }
0x53: {  	s24 =	sadd.s32 $0x50, s12;
	s31 =	simm.s32 $0x1500  }
0x54: {  	[tilespmem:s31], [sflag:$0x1] =	stream.linear.gather [hbm4b:s24+s0], $0x80, $0x38;
	[tilespmem:$0x19380] =	vst v63  }
0x55: {  	s10 =	sadd.s32 $0x60, s12;
	s15 =	simm.s32 $0x1600  }
0x56: {  	[tilespmem:s15], [sflag:$0x1] =	stream.linear.gather [hbm4b:s10+s0], $0x80, $0x38;
	[tilespmem:$0x19380] =	vst v63  }
0x57: {  	s16 =	sadd.s32 $0x70, s12;
	s18 =	simm.s32 $0x1700  }
0x58: {  	[tilespmem:s18], [sflag:$0x1] =	stream.linear.gather [hbm4b:s16+s0], $0x80, $0x38;
	[tilespmem:$0x19380] =	vst v63  }
0x59: {  	s19 =	sadd.s32 $0x80, s12;
	s21 =	simm.s32 $0x1800  }
0x5a: {  	[tilespmem:s21], [sflag:$0x1] =	stream.linear.gather [hbm4b:s19+s0], $0x80, $0x38;
	[tilespmem:$0x19380] =	vst v63  }
0x5b: {  	s22 =	sadd.s32 $0x90, s12;
	s23 =	simm.s32 $0x1900  }
0x5c: {  	[tilespmem:s23], [sflag:$0x1] =	stream.linear.gather [hbm4b:s22+s0], $0x80, $0x38;
	[tilespmem:$0x19380] =	vst v63  }
0x5d: {  	s24 =	sadd.s32 $0xA0, s12;
	s31 =	simm.s32 $0x1A00  }
0x5e: {  	[tilespmem:s31], [sflag:$0x1] =	stream.linear.gather [hbm4b:s24+s0], $0x80, $0x38;
	[tilespmem:$0x19380] =	vst v63  }
0x5f: {  	s10 =	sadd.s32 $0xB0, s12;
	s15 =	simm.s32 $0x1B00  }
0x60: {  	[tilespmem:s15], [sflag:$0x1] =	stream.linear.gather [hbm4b:s10+s0], $0x80, $0x38;
	[tilespmem:$0x19380] =	vst v63  }
0x61: {  	s16 =	sadd.s32 $0xC0, s12;
	s18 =	simm.s32 $0x1C00  }
0x62: {  	[tilespmem:s18], [sflag:$0x1] =	stream.linear.gather [hbm4b:s16+s0], $0x80, $0x38;
	[tilespmem:$0x19380] =	vst v63  }
0x63: {  	s19 =	sadd.s32 $0xD0, s12;
	s21 =	simm.s32 $0x1D00  }
0x64: {  	[tilespmem:s21], [sflag:$0x1] =	stream.linear.gather [hbm4b:s19+s0], $0x80, $0x38;
	[tilespmem:$0x19380] =	vst v63  }
0x65: {  	s22 =	sadd.s32 $0xE0, s12;
	s23 =	simm.s32 $0x1E00  }
0x66: {  	[tilespmem:s23], [sflag:$0x1] =	stream.linear.gather [hbm4b:s22+s0], $0x80, $0x38;
	[tilespmem:$0x19380] =	vst v63  }
0x67: {  	p0 =	por $0x0, $0x0;
	s24 =	sadd.s32 $0xF0, s12;
	s31 =	simm.s32 $0x1F00  }
0x68: {  	[tilespmem:s31], [sflag:$0x1] =	stream.linear.gather [hbm4b:s24+s0], $0x80, $0x38;
	[tilespmem:$0x19380] =	vst v63  }
.LBB2_4:
0x69: {  	p1 =	seq.s32 s0, $0xF  }
.Ltmp1:
0x6a: {  	_ = 	snop;
	(pc) =	sbr.rel @p1 .LBB2_6-.Ltmp1, $2  }
0x6b: {  	_ =	sdelay $0x2  }
0x6c: {  	s31 =	sadd.s32 $0x1, s0  }
0x6d: {  	s4 =	sshll.u32 s31, $0xF  }
0x6e: {  	s10 =	sshll.u32 s31, $0xB;
	s4 =	sand.u32 $0xC0000, s4  }
0x6f: {  	s10 =	sand.u32 $0x3800, s10;
	s4 =	sadd.s32 s8, s4  }
0x70: {  	s4 =	sor.u32 s10, s4  }
0x71: {  	s4 =	sor.u32 s7, s4  }
0x72: {  	s22 =	sshll.u32 s31, $0x7;
	s15 =	sshrl.u32 s4, $0x3  }
0x73: {  	s4 =	sand.u32 $0x80, s22;
	s10 =	sadd.s32 s1, s15  }
0x74: {  	[tilespmem:s4], [sflag:$0x1] =	stream.linear.gather [hbm4b:s10+s6], $0x80, $0x38;
	[tilespmem:$0x19380] =	vst v63  }
0x75: {  	s18 =	sor.u32 $0x100, s4;
	s16 =	sadd.s32 $0x10, s10  }
0x76: {  	[tilespmem:s18], [sflag:$0x1] =	stream.linear.gather [hbm4b:s16+s6], $0x80, $0x38;
	[tilespmem:$0x19380] =	vst v63  }
0x77: {  	s24 =	sor.u32 $0x200, s4;
	s23 =	sadd.s32 $0x20, s10  }
0x78: {  	[tilespmem:s24], [sflag:$0x1] =	stream.linear.gather [hbm4b:s23+s6], $0x80, $0x38;
	[tilespmem:$0x19380] =	vst v63  }
0x79: {  	s19 =	sor.u32 $0x300, s4;
	s18 =	sadd.s32 $0x30, s10  }
0x7a: {  	[tilespmem:s19], [sflag:$0x1] =	stream.linear.gather [hbm4b:s18+s6], $0x80, $0x38;
	[tilespmem:$0x19380] =	vst v63  }
0x7b: {  	s22 =	sor.u32 $0x400, s4;
	s21 =	sadd.s32 $0x40, s10  }
0x7c: {  	[tilespmem:s22], [sflag:$0x1] =	stream.linear.gather [hbm4b:s21+s6], $0x80, $0x38;
	[tilespmem:$0x19380] =	vst v63  }
0x7d: {  	s23 =	sadd.s32 $0x50, s10;
	s24 =	sor.u32 $0x500, s4  }
0x7e: {  	[tilespmem:s24], [sflag:$0x1] =	stream.linear.gather [hbm4b:s23+s6], $0x80, $0x38;
	[tilespmem:$0x19380] =	vst v63  }
0x7f: {  	s18 =	sadd.s32 $0x60, s10;
	s19 =	sor.u32 $0x600, s4  }
0x80: {  	[tilespmem:s19], [sflag:$0x1] =	stream.linear.gather [hbm4b:s18+s6], $0x80, $0x38;
	[tilespmem:$0x19380] =	vst v63  }
0x81: {  	s21 =	sadd.s32 $0x70, s10;
	s22 =	sor.u32 $0x700, s4  }
0x82: {  	[tilespmem:s22], [sflag:$0x1] =	stream.linear.gather [hbm4b:s21+s6], $0x80, $0x38;
	[tilespmem:$0x19380] =	vst v63  }
0x83: {  	s23 =	sadd.s32 $0x80, s10;
	s24 =	sor.u32 $0x800, s4  }
0x84: {  	[tilespmem:s24], [sflag:$0x1] =	stream.linear.gather [hbm4b:s23+s6], $0x80, $0x38;
	[tilespmem:$0x19380] =	vst v63  }
0x85: {  	s18 =	sadd.s32 $0x90, s10;
	s19 =	sor.u32 $0x900, s4  }
0x86: {  	[tilespmem:s19], [sflag:$0x1] =	stream.linear.gather [hbm4b:s18+s6], $0x80, $0x38;
	[tilespmem:$0x19380] =	vst v63  }
0x87: {  	s21 =	sadd.s32 $0xA0, s10;
	s22 =	sor.u32 $0xA00, s4  }
0x88: {  	[tilespmem:s22], [sflag:$0x1] =	stream.linear.gather [hbm4b:s21+s6], $0x80, $0x38;
	[tilespmem:$0x19380] =	vst v63  }
0x89: {  	s23 =	sadd.s32 $0xB0, s10;
	s24 =	sor.u32 $0xB00, s4  }
0x8a: {  	[tilespmem:s24], [sflag:$0x1] =	stream.linear.gather [hbm4b:s23+s6], $0x80, $0x38;
	[tilespmem:$0x19380] =	vst v63  }
0x8b: {  	s18 =	sadd.s32 $0xC0, s10;
	s19 =	sor.u32 $0xC00, s4  }
0x8c: {  	[tilespmem:s19], [sflag:$0x1] =	stream.linear.gather [hbm4b:s18+s6], $0x80, $0x38;
	[tilespmem:$0x19380] =	vst v63  }
0x8d: {  	s21 =	sadd.s32 $0xD0, s10;
	s22 =	sor.u32 $0xD00, s4  }
0x8e: {  	[tilespmem:s22], [sflag:$0x1] =	stream.linear.gather [hbm4b:s21+s6], $0x80, $0x38;
	[tilespmem:$0x19380] =	vst v63  }
0x8f: {  	s23 =	sadd.s32 $0xE0, s10;
	s24 =	sor.u32 $0xE00, s4  }
0x90: {  	[tilespmem:s24], [sflag:$0x1] =	stream.linear.gather [hbm4b:s23+s6], $0x80, $0x38;
	[tilespmem:$0x19380] =	vst v63  }
0x91: {  	s10 =	sadd.s32 $0xF0, s10;
	s18 =	sor.u32 $0xF00, s4  }
0x92: {  	[tilespmem:s18], [sflag:$0x1] =	stream.linear.gather [hbm4b:s10+s6], $0x80, $0x38;
	[tilespmem:$0x19380] =	vst v63  }
0x93: {  	s15 =	sadd.s32 s2, s15;
	s19 =	sor.u32 $0x1000, s4  }
0x94: {  	[tilespmem:s19], [sflag:$0x1] =	stream.linear.gather [hbm4b:s15+s6], $0x80, $0x38;
	[tilespmem:$0x19380] =	vst v63  }
0x95: {  	s21 =	sadd.s32 $0x10, s15;
	s22 =	sor.u32 $0x1100, s4  }
0x96: {  	[tilespmem:s22], [sflag:$0x1] =	stream.linear.gather [hbm4b:s21+s6], $0x80, $0x38;
	[tilespmem:$0x19380] =	vst v63  }
0x97: {  	s23 =	sadd.s32 $0x20, s15;
	s24 =	sor.u32 $0x1200, s4  }
0x98: {  	[tilespmem:s24], [sflag:$0x1] =	stream.linear.gather [hbm4b:s23+s6], $0x80, $0x38;
	[tilespmem:$0x19380] =	vst v63  }
0x99: {  	s18 =	sadd.s32 $0x30, s15;
	s19 =	sor.u32 $0x1300, s4  }
0x9a: {  	[tilespmem:s19], [sflag:$0x1] =	stream.linear.gather [hbm4b:s18+s6], $0x80, $0x38;
	[tilespmem:$0x19380] =	vst v63  }
0x9b: {  	s21 =	sadd.s32 $0x40, s15;
	s22 =	sor.u32 $0x1400, s4  }
0x9c: {  	[tilespmem:s22], [sflag:$0x1] =	stream.linear.gather [hbm4b:s21+s6], $0x80, $0x38;
	[tilespmem:$0x19380] =	vst v63  }
0x9d: {  	s23 =	sadd.s32 $0x50, s15;
	s24 =	sor.u32 $0x1500, s4  }
0x9e: {  	[tilespmem:s24], [sflag:$0x1] =	stream.linear.gather [hbm4b:s23+s6], $0x80, $0x38;
	[tilespmem:$0x19380] =	vst v63  }
0x9f: {  	s18 =	sadd.s32 $0x60, s15;
	s19 =	sor.u32 $0x1600, s4  }
0xa0: {  	[tilespmem:s19], [sflag:$0x1] =	stream.linear.gather [hbm4b:s18+s6], $0x80, $0x38;
	[tilespmem:$0x19380] =	vst v63  }
0xa1: {  	s21 =	sadd.s32 $0x70, s15;
	s22 =	sor.u32 $0x1700, s4  }
0xa2: {  	[tilespmem:s22], [sflag:$0x1] =	stream.linear.gather [hbm4b:s21+s6], $0x80, $0x38;
	[tilespmem:$0x19380] =	vst v63  }
0xa3: {  	s23 =	sadd.s32 $0x80, s15;
	s24 =	sor.u32 $0x1800, s4  }
0xa4: {  	[tilespmem:s24], [sflag:$0x1] =	stream.linear.gather [hbm4b:s23+s6], $0x80, $0x38;
	[tilespmem:$0x19380] =	vst v63  }
0xa5: {  	s18 =	sadd.s32 $0x90, s15;
	s19 =	sor.u32 $0x1900, s4  }
0xa6: {  	[tilespmem:s19], [sflag:$0x1] =	stream.linear.gather [hbm4b:s18+s6], $0x80, $0x38;
	[tilespmem:$0x19380] =	vst v63  }
0xa7: {  	s21 =	sadd.s32 $0xA0, s15;
	s22 =	sor.u32 $0x1A00, s4  }
0xa8: {  	[tilespmem:s22], [sflag:$0x1] =	stream.linear.gather [hbm4b:s21+s6], $0x80, $0x38;
	[tilespmem:$0x19380] =	vst v63  }
0xa9: {  	s23 =	sadd.s32 $0xB0, s15;
	s24 =	sor.u32 $0x1B00, s4  }
0xaa: {  	[tilespmem:s24], [sflag:$0x1] =	stream.linear.gather [hbm4b:s23+s6], $0x80, $0x38;
	[tilespmem:$0x19380] =	vst v63  }
0xab: {  	s16 =	sadd.s32 $0xC0, s15;
	s18 =	sor.u32 $0x1C00, s4  }
0xac: {  	[tilespmem:s18], [sflag:$0x1] =	stream.linear.gather [hbm4b:s16+s6], $0x80, $0x38;
	[tilespmem:$0x19380] =	vst v63  }
0xad: {  	s19 =	sadd.s32 $0xD0, s15;
	s21 =	sor.u32 $0x1D00, s4  }
0xae: {  	[tilespmem:s21], [sflag:$0x1] =	stream.linear.gather [hbm4b:s19+s6], $0x80, $0x38;
	[tilespmem:$0x19380] =	vst v63  }
0xaf: {  	s22 =	sadd.s32 $0xE0, s15;
	s23 =	sor.u32 $0x1E00, s4  }
0xb0: {  	[tilespmem:s23], [sflag:$0x1] =	stream.linear.gather [hbm4b:s22+s6], $0x80, $0x38;
	[tilespmem:$0x19380] =	vst v63  }
0xb1: {  	s24 =	sadd.s32 $0xF0, s15;
	s4 =	sor.u32 $0x1F00, s4  }
0xb2: {  	[tilespmem:s4], [sflag:$0x1] =	stream.linear.gather [hbm4b:s24+s6], $0x80, $0x38;
	[tilespmem:$0x19380] =	vst v63  }
.LBB2_6:
0xb3: {  	_ =	swait.ge [sflag:s25], $0x800  }
0xb4: {  	s4 =	simm.s32 $0x1;
	[sflag:s25] =	ssyncset.done $0x0  }
0xb5: {  	s4 =	simm.s32 @!p0 $0x0;
	[sflag:s25] =	ssyncadd.s32 $0xFFFFF800  }
0xb6: {  	p1 =	slt.u32 s0, $0x2;
	s10 =	sshll.u32 s4, $0x7;
	_ =	swait.ge [sflag:s25], $0x800  }
0xb7: {  	s24 =	sor.u32 $0x1040, s10;
	s16 =	sor.u32 $0x40, s10;
	[sflag:s25] =	ssyncset.done $0x0  }
0xb8: {  	s19 =	sor.u32 $0x8000, s10;
	s10 =	simm.s32 @!p1 $0x2;
	[sflag:s25] =	ssyncadd.s32 $0xFFFFF800  }
0xb9: {  	_ =	swait.ge @!p1 [sflag:s10], $0x2000  }
0xba: {  	[sflag:s10] =	ssyncset.done @!p1 $0x0  }
0xbb: {  	[sflag:s10] =	ssyncadd.s32 @!p1 $0xFFFFE000  }
0xbc: {  	v2 =	vld [tilespmem:s16+$0xFFFFFFC0];
	_ =	sdelay $0x1  }
0xbd: {  	v3 =	vld [tilespmem:s24+$0xFFFFFFC0];
	_ =	sdelay $0x2  }
0xbe: {  	v2 =	vmul.f32 $2.560000000e+02, v2;
	_ =	sdelay $0x1  }
0xbf: {  	v3 =	vmul.f32 $2.560000000e+02, v3;
	v2 =	vadd.f32 $2.570000000e+02, v2;
	_ =	sdelay $0x1  }
0xc0: {  	v3 =	vadd.f32 $2.570000000e+02, v3;
	v2 =	vmax.f32 v2, $0.0e+00  }
0xc1: {  	v2 =	vmin.f32 v2, $5.130000000e+02  }
0xc2: {  	v3 =	vmax.f32 v3, $0.0e+00;
	v4 =	vtrunc.f32 v2  }
0xc3: {  	s23 =	sshrl.u32 s0, $0x3;
	v3 =	vmin.f32 v3, $5.130000000e+02;
	v4 =	vcvt.f32.s32 v4  }
0xc4: {  	s18 =	smul.u32 $0x41000, s23;
	v5 =	vtrunc.f32 v3  }
0xc5: {  	v5 =	vcvt.f32.s32 v5;
	v6 =	vmul.u32 $0x203, v4  }
0xc6: {  	v1 =	vmov s18;
	v4 =	vcvt.s32.f32 v4  }
0xc7: {  	s4 =	sshll.u32 s4, $0xD;
	v7 =	vcvt.s32.f32 v5;
	v6 =	vadd.s32 v1, v6  }
0xc8: {  	s21 =	sadd.s32 $0x3000, s4;
	v2 =	vsub.f32 v2, v4;
	v4 =	vadd.s32 v5, v6  }
0xc9: {  	v3 =	vsub.f32 v3, v7;
	[tilespmem:s21+$0xFFFFF000] =	vst v4;
	v5 =	vadd.s32 $0x204, v4  }
0xca: {  	v38 =	vsub.f32 $1.000000000e+00, v2;
	v39 =	vadd.s32 $0x203, v4;
	[tilespmem:s21+$0x800] =	vst v5  }
0xcb: {  	v4 =	vadd.s32 $0x1, v4;
	v40 =	vmul.f32 v3, v2;
	v5 =	vsub.f32 $1.000000000e+00, v3;
	[tilespmem:s21+$0x0] =	vst v39  }
0xcc: {  	[tilespmem:s21+$0xFFFFF800] =	vst v4;
	v3 =	vmul.f32 v3, v38  }
0xcd: {  	[tilespmem:s19+$0x1000] =	vst v40;
	v4 =	vmul.f32 v5, v38  }
0xce: {  	v2 =	vmul.f32 v5, v2;
	[tilespmem:s19+$0xFFFFF000] =	vst v3  }
0xcf: {  	[tilespmem:s19+$0xFFFFE000] =	vst v4  }
0xd0: {  	[tilespmem:s19+$0x0] =	vst v2  }
0xd1: {  	v2 =	vld [tilespmem:s16+$0xFFFFFFD0];
	_ =	sdelay $0x1  }
0xd2: {  	v3 =	vld [tilespmem:s24+$0xFFFFFFD0];
	_ =	sdelay $0x2  }
0xd3: {  	v2 =	vmul.f32 $2.560000000e+02, v2;
	_ =	sdelay $0x1  }
0xd4: {  	v3 =	vmul.f32 $2.560000000e+02, v3;
	v2 =	vadd.f32 $2.570000000e+02, v2;
	_ =	sdelay $0x1  }
0xd5: {  	v3 =	vadd.f32 $2.570000000e+02, v3;
	v2 =	vmax.f32 v2, $0.0e+00  }
0xd6: {  	v2 =	vmin.f32 v2, $5.130000000e+02  }
0xd7: {  	v3 =	vmax.f32 v3, $0.0e+00;
	v4 =	vtrunc.f32 v2  }
0xd8: {  	v3 =	vmin.f32 v3, $5.130000000e+02;
	v4 =	vcvt.f32.s32 v4  }
0xd9: {  	v5 =	vtrunc.f32 v3  }
0xda: {  	v5 =	vcvt.f32.s32 v5;
	v41 =	vmul.u32 $0x203, v4  }
0xdb: {  	v4 =	vcvt.s32.f32 v4  }
0xdc: {  	v42 =	vcvt.s32.f32 v5;
	v6 =	vadd.s32 v1, v41  }
0xdd: {  	v2 =	vsub.f32 v2, v4;
	v4 =	vadd.s32 v5, v6  }
0xde: {  	v3 =	vsub.f32 v3, v42;
	[tilespmem:s21+$0xFFFFF010] =	vst v4;
	v5 =	vadd.s32 $0x203, v4  }
0xdf: {  	v43 =	vsub.f32 $1.000000000e+00, v2;
	v44 =	vadd.s32 $0x1, v4;
	[tilespmem:s21+$0x10] =	vst v5  }
0xe0: {  	v4 =	vadd.s32 $0x204, v4;
	v8 =	vmul.f32 v3, v2;
	v5 =	vsub.f32 $1.000000000e+00, v3;
	[tilespmem:s21+$0xFFFFF810] =	vst v44  }
0xe1: {  	[tilespmem:s21+$0x810] =	vst v4;
	v3 =	vmul.f32 v3, v43  }
0xe2: {  	[tilespmem:s19+$0x1010] =	vst v8;
	v4 =	vmul.f32 v5, v43  }
0xe3: {  	v2 =	vmul.f32 v5, v2;
	[tilespmem:s19+$0xFFFFF010] =	vst v3  }
0xe4: {  	[tilespmem:s19+$0xFFFFE010] =	vst v4  }
0xe5: {  	[tilespmem:s19+$0x10] =	vst v2  }
0xe6: {  	v2 =	vld [tilespmem:s16+$0xFFFFFFE0]  }
0xe7: {  	v3 =	vld [tilespmem:s24+$0xFFFFFFE0];
	_ =	sdelay $0x3  }
0xe8: {  	v2 =	vmul.f32 $2.560000000e+02, v2  }
0xe9: {  	v3 =	vmul.f32 $2.560000000e+02, v3  }
0xea: {  	v2 =	vadd.f32 $2.570000000e+02, v2  }
0xeb: {  	v3 =	vadd.f32 $2.570000000e+02, v3  }
0xec: {  	v2 =	vmax.f32 v2, $0.0e+00  }
0xed: {  	v3 =	vmax.f32 v3, $0.0e+00;
	v2 =	vmin.f32 v2, $5.130000000e+02  }
0xee: {  	v3 =	vmin.f32 v3, $5.130000000e+02;
	v4 =	vtrunc.f32 v2  }
0xef: {  	v5 =	vtrunc.f32 v3;
	v4 =	vcvt.f32.s32 v4  }
0xf0: {  	v5 =	vcvt.f32.s32 v5  }
0xf1: {  	v45 =	vmul.u32 $0x203, v4  }
0xf2: {  	v4 =	vcvt.s32.f32 v4;
	v46 =	vcvt.s32.f32 v5  }
0xf3: {  	v6 =	vadd.s32 v1, v45  }
0xf4: {  	v2 =	vsub.f32 v2, v4;
	v3 =	vsub.f32 v3, v46;
	v4 =	vadd.s32 v5, v6  }
0xf5: {  	[tilespmem:s21+$0xFFFFF020] =	vst v4;
	v5 =	vadd.s32 $0x203, v4  }
0xf6: {  	v6 =	vadd.s32 $0x1, v4;
	v47 =	vsub.f32 $1.000000000e+00, v2;
	v48 =	vsub.f32 $1.000000000e+00, v3;
	[tilespmem:s21+$0x20] =	vst v5  }
0xf7: {  	v4 =	vadd.s32 $0x204, v4;
	v5 =	vmul.f32 v3, v2;
	[tilespmem:s21+$0xFFFFF820] =	vst v6  }
0xf8: {  	[tilespmem:s21+$0x820] =	vst v4;
	v4 =	vmul.f32 v48, v47  }
0xf9: {  	v3 =	vmul.f32 v3, v47;
	[tilespmem:s19+$0x1020] =	vst v5  }
0xfa: {  	v2 =	vmul.f32 v48, v2;
	[tilespmem:s19+$0xFFFFE020] =	vst v4  }
0xfb: {  	[tilespmem:s19+$0xFFFFF020] =	vst v3  }
0xfc: {  	[tilespmem:s19+$0x20] =	vst v2  }
0xfd: {  	v2 =	vld [tilespmem:s16+$0xFFFFFFF0]  }
0xfe: {  	v3 =	vld [tilespmem:s24+$0xFFFFFFF0];
	_ =	sdelay $0x3  }
0xff: {  	v2 =	vmul.f32 $2.560000000e+02, v2  }
0x100: {  	v3 =	vmul.f32 $2.560000000e+02, v3  }
0x101: {  	v2 =	vadd.f32 $2.570000000e+02, v2  }
0x102: {  	v3 =	vadd.f32 $2.570000000e+02, v3  }
0x103: {  	v2 =	vmax.f32 v2, $0.0e+00  }
0x104: {  	v3 =	vmax.f32 v3, $0.0e+00;
	v2 =	vmin.f32 v2, $5.130000000e+02  }
0x105: {  	v3 =	vmin.f32 v3, $5.130000000e+02;
	v4 =	vtrunc.f32 v2  }
0x106: {  	v5 =	vtrunc.f32 v3;
	v4 =	vcvt.f32.s32 v4  }
0x107: {  	v5 =	vcvt.f32.s32 v5  }
0x108: {  	v49 =	vmul.u32 $0x203, v4  }
0x109: {  	v4 =	vcvt.s32.f32 v4;
	v50 =	vcvt.s32.f32 v5  }
0x10a: {  	v6 =	vadd.s32 v1, v49  }
0x10b: {  	v2 =	vsub.f32 v2, v4;
	v3 =	vsub.f32 v3, v50;
	v4 =	vadd.s32 v5, v6  }
0x10c: {  	[tilespmem:s21+$0xFFFFF030] =	vst v4;
	v5 =	vadd.s32 $0x1, v4  }
0x10d: {  	v6 =	vadd.s32 $0x203, v4;
	v51 =	vsub.f32 $1.000000000e+00, v2;
	v52 =	vsub.f32 $1.000000000e+00, v3;
	[tilespmem:s21+$0xFFFFF830] =	vst v5  }
0x10e: {  	v4 =	vadd.s32 $0x204, v4;
	v5 =	vmul.f32 v3, v2;
	[tilespmem:s21+$0x30] =	vst v6  }
0x10f: {  	[tilespmem:s21+$0x830] =	vst v4;
	v4 =	vmul.f32 v52, v51  }
0x110: {  	v3 =	vmul.f32 v3, v51;
	[tilespmem:s19+$0x1030] =	vst v5  }
0x111: {  	v2 =	vmul.f32 v52, v2;
	[tilespmem:s19+$0xFFFFE030] =	vst v4  }
0x112: {  	[tilespmem:s19+$0xFFFFF030] =	vst v3  }
0x113: {  	[tilespmem:s19+$0x30] =	vst v2  }
0x114: {  	v2 =	vld [tilespmem:s16+$0x0]  }
0x115: {  	v3 =	vld [tilespmem:s24+$0x0];
	_ =	sdelay $0x3  }
0x116: {  	v2 =	vmul.f32 $2.560000000e+02, v2  }
0x117: {  	v3 =	vmul.f32 $2.560000000e+02, v3  }
0x118: {  	v2 =	vadd.f32 $2.570000000e+02, v2  }
0x119: {  	v3 =	vadd.f32 $2.570000000e+02, v3  }
0x11a: {  	v2 =	vmax.f32 v2, $0.0e+00  }
0x11b: {  	v3 =	vmax.f32 v3, $0.0e+00;
	v2 =	vmin.f32 v2, $5.130000000e+02  }
0x11c: {  	v3 =	vmin.f32 v3, $5.130000000e+02;
	v4 =	vtrunc.f32 v2  }
0x11d: {  	v5 =	vtrunc.f32 v3;
	v4 =	vcvt.f32.s32 v4  }
0x11e: {  	v5 =	vcvt.f32.s32 v5  }
0x11f: {  	v53 =	vmul.u32 $0x203, v4  }
0x120: {  	v54 =	vcvt.s32.f32 v5  }
0x121: {  	v4 =	vcvt.s32.f32 v4;
	v6 =	vadd.s32 v1, v53  }
0x122: {  	v3 =	vsub.f32 v3, v54;
	v5 =	vadd.s32 v5, v6  }
0x123: {  	v2 =	vsub.f32 v2, v4;
	[tilespmem:s21+$0xFFFFF040] =	vst v5;
	v4 =	vadd.s32 $0x1, v5  }
0x124: {  	v6 =	vadd.s32 $0x203, v5;
	v7 =	vsub.f32 $1.000000000e+00, v3;
	[tilespmem:s21+$0xFFFFF840] =	vst v4  }
0x125: {  	v55 =	vmul.f32 v3, v2;
	v4 =	vadd.s32 $0x204, v5;
	v5 =	vsub.f32 $1.000000000e+00, v2;
	[tilespmem:s21+$0x40] =	vst v6  }
0x126: {  	[tilespmem:s21+$0x840] =	vst v4;
	v2 =	vmul.f32 v7, v2  }
0x127: {  	v3 =	vmul.f32 v3, v5;
	[tilespmem:s19+$0x1040] =	vst v55  }
0x128: {  	v4 =	vmul.f32 v7, v5;
	[tilespmem:s19+$0x40] =	vst v2  }
0x129: {  	[tilespmem:s19+$0xFFFFF040] =	vst v3  }
0x12a: {  	[tilespmem:s19+$0xFFFFE040] =	vst v4  }
0x12b: {  	v2 =	vld [tilespmem:s16+$0x10]  }
0x12c: {  	v3 =	vld [tilespmem:s24+$0x10];
	_ =	sdelay $0x3  }
0x12d: {  	v2 =	vmul.f32 $2.560000000e+02, v2  }
0x12e: {  	v3 =	vmul.f32 $2.560000000e+02, v3  }
0x12f: {  	v2 =	vadd.f32 $2.570000000e+02, v2  }
0x130: {  	v3 =	vadd.f32 $2.570000000e+02, v3  }
0x131: {  	v2 =	vmax.f32 v2, $0.0e+00  }
0x132: {  	v3 =	vmax.f32 v3, $0.0e+00;
	v2 =	vmin.f32 v2, $5.130000000e+02  }
0x133: {  	v3 =	vmin.f32 v3, $5.130000000e+02;
	v4 =	vtrunc.f32 v2  }
0x134: {  	v5 =	vtrunc.f32 v3;
	v4 =	vcvt.f32.s32 v4  }
0x135: {  	v5 =	vcvt.f32.s32 v5  }
0x136: {  	v56 =	vmul.u32 $0x203, v4  }
0x137: {  	v4 =	vcvt.s32.f32 v4;
	v57 =	vcvt.s32.f32 v5  }
0x138: {  	v6 =	vadd.s32 v1, v56  }
0x139: {  	v2 =	vsub.f32 v2, v4;
	v3 =	vsub.f32 v3, v57;
	v4 =	vadd.s32 v5, v6  }
0x13a: {  	[tilespmem:s21+$0xFFFFF050] =	vst v4;
	v5 =	vadd.s32 $0x1, v4  }
0x13b: {  	v6 =	vadd.s32 $0x203, v4;
	v58 =	vsub.f32 $1.000000000e+00, v2;
	v59 =	vsub.f32 $1.000000000e+00, v3;
	[tilespmem:s21+$0xFFFFF850] =	vst v5  }
0x13c: {  	v4 =	vadd.s32 $0x204, v4;
	v5 =	vmul.f32 v3, v2;
	[tilespmem:s21+$0x50] =	vst v6  }
0x13d: {  	[tilespmem:s21+$0x850] =	vst v4;
	v4 =	vmul.f32 v59, v58  }
0x13e: {  	v2 =	vmul.f32 v59, v2;
	[tilespmem:s19+$0x1050] =	vst v5  }
0x13f: {  	v3 =	vmul.f32 v3, v58;
	[tilespmem:s19+$0xFFFFE050] =	vst v4  }
0x140: {  	[tilespmem:s19+$0x50] =	vst v2  }
0x141: {  	[tilespmem:s19+$0xFFFFF050] =	vst v3  }
0x142: {  	v2 =	vld [tilespmem:s16+$0x20]  }
0x143: {  	v3 =	vld [tilespmem:s24+$0x20];
	_ =	sdelay $0x3  }
0x144: {  	v2 =	vmul.f32 $2.560000000e+02, v2  }
0x145: {  	v3 =	vmul.f32 $2.560000000e+02, v3  }
0x146: {  	v2 =	vadd.f32 $2.570000000e+02, v2  }
0x147: {  	v3 =	vadd.f32 $2.570000000e+02, v3  }
0x148: {  	v2 =	vmax.f32 v2, $0.0e+00  }
0x149: {  	v3 =	vmax.f32 v3, $0.0e+00;
	v2 =	vmin.f32 v2, $5.130000000e+02  }
0x14a: {  	v3 =	vmin.f32 v3, $5.130000000e+02;
	v4 =	vtrunc.f32 v2  }
0x14b: {  	v5 =	vtrunc.f32 v3;
	v4 =	vcvt.f32.s32 v4  }
0x14c: {  	v5 =	vcvt.f32.s32 v5  }
0x14d: {  	v60 =	vmul.u32 $0x203, v4  }
0x14e: {  	v4 =	vcvt.s32.f32 v4;
	v61 =	vcvt.s32.f32 v5  }
0x14f: {  	v6 =	vadd.s32 v1, v60  }
0x150: {  	v2 =	vsub.f32 v2, v4;
	v3 =	vsub.f32 v3, v61;
	v4 =	vadd.s32 v5, v6  }
0x151: {  	[tilespmem:s21+$0xFFFFF060] =	vst v4;
	v5 =	vadd.s32 $0x1, v4  }
0x152: {  	v6 =	vadd.s32 $0x203, v4;
	v62 =	vsub.f32 $1.000000000e+00, v2;
	v63 =	vsub.f32 $1.000000000e+00, v3;
	[tilespmem:s21+$0xFFFFF860] =	vst v5  }
0x153: {  	v4 =	vadd.s32 $0x204, v4;
	v5 =	vmul.f32 v3, v2;
	[tilespmem:s21+$0x60] =	vst v6  }
0x154: {  	[tilespmem:s21+$0x860] =	vst v4;
	v4 =	vmul.f32 v63, v62  }
0x155: {  	v2 =	vmul.f32 v63, v2;
	[tilespmem:s19+$0x1060] =	vst v5  }
0x156: {  	v3 =	vmul.f32 v3, v62;
	[tilespmem:s19+$0xFFFFE060] =	vst v4  }
0x157: {  	[tilespmem:s19+$0x60] =	vst v2  }
0x158: {  	s15 =	sand.u32 $0x1, s0;
	[tilespmem:s19+$0xFFFFF060] =	vst v3  }
0x159: {  	s0 =	sshll.u32 s15, $0x7;
	s4 =	sshll.u32 s15, $0xD;
	v2 =	vld [tilespmem:s16+$0x30]  }
0x15a: {  	s23 =	sor.u32 $0x6000, s0;
	s22 =	sadd.s32 $0x2000, s4;
	v3 =	vld [tilespmem:s24+$0x30]  }
0x15b: {  	s15 =	sadd.s32 $0x80, s21;
	s18 =	sadd.s32 $0x100, s19;
	s10 =	simm.s32 $0x0  }
.LBB2_7:
0x15c: {  	s10 =	sadd.s32 $0x8, s10;
	s24 =	sadd.s32 $0x100, s24;
	s16 =	sadd.s32 $0x100, s16  }
0x15d: {  	p1 =	slt.u32 s10, $0x78  }
0x15e: {  	v2 =	vmul.f32 $2.560000000e+02, v2  }
0x15f: {  	v3 =	vmul.f32 $2.560000000e+02, v3  }
0x160: {  	v2 =	vadd.f32 $2.570000000e+02, v2  }
0x161: {  	v3 =	vadd.f32 $2.570000000e+02, v3  }
0x162: {  	v2 =	vmax.f32 v2, $0.0e+00  }
0x163: {  	v2 =	vmin.f32 v2, $5.130000000e+02;
	v3 =	vmax.f32 v3, $0.0e+00  }
0x164: {  	v3 =	vmin.f32 v3, $5.130000000e+02;
	v4 =	vtrunc.f32 v2  }
0x165: {  	v4 =	vcvt.f32.s32 v4;
	v5 =	vtrunc.f32 v3  }
0x166: {  	v5 =	vcvt.f32.s32 v5  }
0x167: {  	v6 =	vcvt.s32.f32 v4;
	v4 =	vmul.u32 $0x203, v4  }
0x168: {  	v7 =	vcvt.s32.f32 v5  }
0x169: {  	v2 =	vsub.f32 v2, v6;
	v4 =	vadd.s32 v1, v4  }
0x16a: {  	v3 =	vsub.f32 v3, v7;
	v4 =	vadd.s32 v5, v4  }
0x16b: {  	[tilespmem:s21+$0xFFFFF070] =	vst v4;
	v5 =	vadd.s32 $0x1, v4;
	v6 =	vadd.s32 $0x203, v4;
	v4 =	vadd.s32 $0x204, v4  }
0x16c: {  	v7 =	vsub.f32 $1.000000000e+00, v2;
	v8 =	vsub.f32 $1.000000000e+00, v3;
	[tilespmem:s21+$0xFFFFF870] =	vst v5;
	v5 =	vmul.f32 v3, v2  }
0x16d: {  	[tilespmem:s21+$0x70] =	vst v6  }
0x16e: {  	v3 =	vmul.f32 v3, v7;
	[tilespmem:s21+$0x870] =	vst v4;
	v4 =	vmul.f32 v8, v7;
	s21 =	smov.u32 s15  }
0x16f: {  	v2 =	vmul.f32 v8, v2;
	[tilespmem:s19+$0x1070] =	vst v5  }
0x170: {  	[tilespmem:s19+$0xFFFFE070] =	vst v4  }
0x171: {  	[tilespmem:s19+$0x70] =	vst v2  }
0x172: {  	[tilespmem:s19+$0xFFFFF070] =	vst v3;
	s19 =	smov.u32 s18  }
0x173: {  	v2 =	vld [tilespmem:s16+$0xFFFFFFC0];
	_ =	sdelay $0x1  }
0x174: {  	v3 =	vld [tilespmem:s24+$0xFFFFFFC0];
	_ =	sdelay $0x2  }
0x175: {  	v2 =	vmul.f32 $2.560000000e+02, v2;
	_ =	sdelay $0x1  }
0x176: {  	v2 =	vadd.f32 $2.570000000e+02, v2;
	v3 =	vmul.f32 $2.560000000e+02, v3;
	_ =	sdelay $0x1  }
0x177: {  	v3 =	vadd.f32 $2.570000000e+02, v3;
	v2 =	vmax.f32 v2, $0.0e+00  }
0x178: {  	v2 =	vmin.f32 v2, $5.130000000e+02  }
0x179: {  	v3 =	vmax.f32 v3, $0.0e+00;
	v4 =	vtrunc.f32 v2  }
0x17a: {  	v3 =	vmin.f32 v3, $5.130000000e+02;
	v4 =	vcvt.f32.s32 v4  }
0x17b: {  	v5 =	vtrunc.f32 v3  }
0x17c: {  	v5 =	vcvt.f32.s32 v5;
	v6 =	vcvt.s32.f32 v4;
	v4 =	vmul.u32 $0x203, v4;
	_ =	sdelay $0x1  }
0x17d: {  	v2 =	vsub.f32 v2, v6;
	v6 =	vcvt.s32.f32 v5;
	v4 =	vadd.s32 v1, v4  }
0x17e: {  	v4 =	vadd.s32 v5, v4  }
0x17f: {  	v3 =	vsub.f32 v3, v6;
	v5 =	vsub.f32 $1.000000000e+00, v2;
	[tilespmem:s15+$0xFFFFF000] =	vst v4;
	v6 =	vadd.s32 $0x204, v4  }
0x180: {  	v7 =	vadd.s32 $0x1, v4;
	v4 =	vadd.s32 $0x203, v4;
	[tilespmem:s15+$0x800] =	vst v6  }
0x181: {  	v6 =	vsub.f32 $1.000000000e+00, v3;
	[tilespmem:s15+$0x0] =	vst v4;
	v4 =	vmul.f32 v3, v5;
	v3 =	vmul.f32 v3, v2  }
0x182: {  	[tilespmem:s15+$0xFFFFF800] =	vst v7  }
0x183: {  	v5 =	vmul.f32 v6, v5;
	v2 =	vmul.f32 v6, v2;
	[tilespmem:s18+$0x1000] =	vst v3  }
0x184: {  	[tilespmem:s18+$0xFFFFF000] =	vst v4  }
0x185: {  	[tilespmem:s18+$0xFFFFE000] =	vst v5  }
0x186: {  	[tilespmem:s18+$0x0] =	vst v2  }
0x187: {  	v2 =	vld [tilespmem:s16+$0xFFFFFFD0]  }
0x188: {  	v3 =	vld [tilespmem:s24+$0xFFFFFFD0];
	_ =	sdelay $0x3  }
0x189: {  	v2 =	vmul.f32 $2.560000000e+02, v2  }
0x18a: {  	v3 =	vmul.f32 $2.560000000e+02, v3  }
0x18b: {  	v2 =	vadd.f32 $2.570000000e+02, v2  }
0x18c: {  	v3 =	vadd.f32 $2.570000000e+02, v3  }
0x18d: {  	v2 =	vmax.f32 v2, $0.0e+00  }
0x18e: {  	v2 =	vmin.f32 v2, $5.130000000e+02;
	v3 =	vmax.f32 v3, $0.0e+00  }
0x18f: {  	v3 =	vmin.f32 v3, $5.130000000e+02;
	v4 =	vtrunc.f32 v2  }
0x190: {  	v4 =	vcvt.f32.s32 v4;
	v5 =	vtrunc.f32 v3  }
0x191: {  	v5 =	vcvt.f32.s32 v5  }
0x192: {  	v6 =	vcvt.s32.f32 v4;
	v4 =	vmul.u32 $0x203, v4  }
0x193: {  	v7 =	vcvt.s32.f32 v5  }
0x194: {  	v2 =	vsub.f32 v2, v6;
	v4 =	vadd.s32 v1, v4  }
0x195: {  	v3 =	vsub.f32 v3, v7;
	v4 =	vadd.s32 v5, v4  }
0x196: {  	v5 =	vsub.f32 $1.000000000e+00, v2;
	[tilespmem:s15+$0xFFFFF010] =	vst v4;
	v6 =	vadd.s32 $0x1, v4;
	v7 =	vadd.s32 $0x203, v4  }
0x197: {  	v4 =	vadd.s32 $0x204, v4;
	v8 =	vsub.f32 $1.000000000e+00, v3;
	[tilespmem:s15+$0x10] =	vst v7;
	v7 =	vmul.f32 v3, v2  }
0x198: {  	[tilespmem:s15+$0xFFFFF810] =	vst v6;
	v3 =	vmul.f32 v3, v5  }
0x199: {  	[tilespmem:s15+$0x810] =	vst v4;
	v4 =	vmul.f32 v8, v5;
	v2 =	vmul.f32 v8, v2  }
0x19a: {  	[tilespmem:s18+$0x1010] =	vst v7  }
0x19b: {  	[tilespmem:s18+$0xFFFFF010] =	vst v3  }
0x19c: {  	[tilespmem:s18+$0xFFFFE010] =	vst v4  }
0x19d: {  	[tilespmem:s18+$0x10] =	vst v2  }
0x19e: {  	v2 =	vld [tilespmem:s16+$0xFFFFFFE0]  }
0x19f: {  	v3 =	vld [tilespmem:s24+$0xFFFFFFE0];
	_ =	sdelay $0x3  }
0x1a0: {  	v2 =	vmul.f32 $2.560000000e+02, v2  }
0x1a1: {  	v3 =	vmul.f32 $2.560000000e+02, v3  }
0x1a2: {  	v2 =	vadd.f32 $2.570000000e+02, v2  }
0x1a3: {  	v3 =	vadd.f32 $2.570000000e+02, v3  }
0x1a4: {  	v2 =	vmax.f32 v2, $0.0e+00  }
0x1a5: {  	v2 =	vmin.f32 v2, $5.130000000e+02;
	v3 =	vmax.f32 v3, $0.0e+00  }
0x1a6: {  	v3 =	vmin.f32 v3, $5.130000000e+02;
	v4 =	vtrunc.f32 v2  }
0x1a7: {  	v4 =	vcvt.f32.s32 v4;
	v5 =	vtrunc.f32 v3  }
0x1a8: {  	v5 =	vcvt.f32.s32 v5  }
0x1a9: {  	v6 =	vcvt.s32.f32 v4;
	v4 =	vmul.u32 $0x203, v4  }
0x1aa: {  	v7 =	vcvt.s32.f32 v5  }
0x1ab: {  	v2 =	vsub.f32 v2, v6;
	v4 =	vadd.s32 v1, v4  }
0x1ac: {  	v3 =	vsub.f32 v3, v7;
	v4 =	vadd.s32 v5, v4  }
0x1ad: {  	[tilespmem:s15+$0xFFFFF020] =	vst v4;
	v5 =	vadd.s32 $0x1, v4;
	v6 =	vadd.s32 $0x203, v4;
	v4 =	vadd.s32 $0x204, v4  }
0x1ae: {  	v7 =	vsub.f32 $1.000000000e+00, v2;
	v8 =	vsub.f32 $1.000000000e+00, v3;
	[tilespmem:s15+$0x20] =	vst v6;
	v6 =	vmul.f32 v3, v2  }
0x1af: {  	[tilespmem:s15+$0xFFFFF820] =	vst v5  }
0x1b0: {  	[tilespmem:s15+$0x820] =	vst v4;
	v4 =	vmul.f32 v8, v7;
	v2 =	vmul.f32 v8, v2  }
0x1b1: {  	v3 =	vmul.f32 v3, v7;
	[tilespmem:s18+$0x1020] =	vst v6  }
0x1b2: {  	[tilespmem:s18+$0xFFFFE020] =	vst v4  }
0x1b3: {  	[tilespmem:s18+$0xFFFFF020] =	vst v3  }
0x1b4: {  	[tilespmem:s18+$0x20] =	vst v2  }
0x1b5: {  	v2 =	vld [tilespmem:s16+$0xFFFFFFF0]  }
0x1b6: {  	v3 =	vld [tilespmem:s24+$0xFFFFFFF0];
	_ =	sdelay $0x3  }
0x1b7: {  	v2 =	vmul.f32 $2.560000000e+02, v2  }
0x1b8: {  	v3 =	vmul.f32 $2.560000000e+02, v3  }
0x1b9: {  	v2 =	vadd.f32 $2.570000000e+02, v2  }
0x1ba: {  	v3 =	vadd.f32 $2.570000000e+02, v3  }
0x1bb: {  	v2 =	vmax.f32 v2, $0.0e+00  }
0x1bc: {  	v2 =	vmin.f32 v2, $5.130000000e+02;
	v3 =	vmax.f32 v3, $0.0e+00  }
0x1bd: {  	v3 =	vmin.f32 v3, $5.130000000e+02;
	v4 =	vtrunc.f32 v2  }
0x1be: {  	v4 =	vcvt.f32.s32 v4;
	v5 =	vtrunc.f32 v3  }
0x1bf: {  	v5 =	vcvt.f32.s32 v5  }
0x1c0: {  	v6 =	vcvt.s32.f32 v4;
	v4 =	vmul.u32 $0x203, v4  }
0x1c1: {  	v7 =	vcvt.s32.f32 v5  }
0x1c2: {  	v2 =	vsub.f32 v2, v6;
	v4 =	vadd.s32 v1, v4  }
0x1c3: {  	v3 =	vsub.f32 v3, v7;
	v4 =	vadd.s32 v5, v4  }
0x1c4: {  	[tilespmem:s15+$0xFFFFF030] =	vst v4;
	v5 =	vadd.s32 $0x1, v4;
	v6 =	vadd.s32 $0x203, v4;
	v4 =	vadd.s32 $0x204, v4  }
0x1c5: {  	v7 =	vsub.f32 $1.000000000e+00, v2;
	v8 =	vsub.f32 $1.000000000e+00, v3;
	[tilespmem:s15+$0xFFFFF830] =	vst v5;
	v5 =	vmul.f32 v3, v2  }
0x1c6: {  	[tilespmem:s15+$0x30] =	vst v6  }
0x1c7: {  	[tilespmem:s15+$0x830] =	vst v4;
	v4 =	vmul.f32 v8, v7;
	v2 =	vmul.f32 v8, v2  }
0x1c8: {  	v3 =	vmul.f32 v3, v7;
	[tilespmem:s18+$0x1030] =	vst v5  }
0x1c9: {  	[tilespmem:s18+$0xFFFFE030] =	vst v4  }
0x1ca: {  	[tilespmem:s18+$0xFFFFF030] =	vst v3  }
0x1cb: {  	[tilespmem:s18+$0x30] =	vst v2  }
0x1cc: {  	v2 =	vld [tilespmem:s16+$0x0]  }
0x1cd: {  	v3 =	vld [tilespmem:s24+$0x0];
	_ =	sdelay $0x3  }
0x1ce: {  	v2 =	vmul.f32 $2.560000000e+02, v2  }
0x1cf: {  	v3 =	vmul.f32 $2.560000000e+02, v3  }
0x1d0: {  	v2 =	vadd.f32 $2.570000000e+02, v2  }
0x1d1: {  	v3 =	vadd.f32 $2.570000000e+02, v3  }
0x1d2: {  	v2 =	vmax.f32 v2, $0.0e+00  }
0x1d3: {  	v2 =	vmin.f32 v2, $5.130000000e+02;
	v3 =	vmax.f32 v3, $0.0e+00  }
0x1d4: {  	v3 =	vmin.f32 v3, $5.130000000e+02;
	v4 =	vtrunc.f32 v2  }
0x1d5: {  	v4 =	vcvt.f32.s32 v4;
	v5 =	vtrunc.f32 v3  }
0x1d6: {  	v5 =	vcvt.f32.s32 v5  }
0x1d7: {  	v6 =	vcvt.s32.f32 v4;
	v4 =	vmul.u32 $0x203, v4  }
0x1d8: {  	v7 =	vcvt.s32.f32 v5  }
0x1d9: {  	v2 =	vsub.f32 v2, v6;
	v4 =	vadd.s32 v1, v4  }
0x1da: {  	v3 =	vsub.f32 v3, v7;
	v4 =	vadd.s32 v5, v4  }
0x1db: {  	[tilespmem:s15+$0xFFFFF040] =	vst v4;
	v5 =	vadd.s32 $0x1, v4;
	v6 =	vadd.s32 $0x203, v4;
	v4 =	vadd.s32 $0x204, v4  }
0x1dc: {  	v7 =	vsub.f32 $1.000000000e+00, v2;
	v8 =	vsub.f32 $1.000000000e+00, v3;
	[tilespmem:s15+$0xFFFFF840] =	vst v5;
	v5 =	vmul.f32 v3, v2  }
0x1dd: {  	[tilespmem:s15+$0x40] =	vst v6  }
0x1de: {  	[tilespmem:s15+$0x840] =	vst v4;
	v4 =	vmul.f32 v8, v7;
	v2 =	vmul.f32 v8, v2  }
0x1df: {  	v3 =	vmul.f32 v3, v7;
	[tilespmem:s18+$0x1040] =	vst v5  }
0x1e0: {  	[tilespmem:s18+$0x40] =	vst v2  }
0x1e1: {  	[tilespmem:s18+$0xFFFFF040] =	vst v3  }
0x1e2: {  	[tilespmem:s18+$0xFFFFE040] =	vst v4  }
0x1e3: {  	v2 =	vld [tilespmem:s16+$0x10]  }
0x1e4: {  	v3 =	vld [tilespmem:s24+$0x10];
	_ =	sdelay $0x3  }
0x1e5: {  	v2 =	vmul.f32 $2.560000000e+02, v2  }
0x1e6: {  	v3 =	vmul.f32 $2.560000000e+02, v3  }
0x1e7: {  	v2 =	vadd.f32 $2.570000000e+02, v2  }
0x1e8: {  	v3 =	vadd.f32 $2.570000000e+02, v3  }
0x1e9: {  	v2 =	vmax.f32 v2, $0.0e+00  }
0x1ea: {  	v2 =	vmin.f32 v2, $5.130000000e+02;
	v3 =	vmax.f32 v3, $0.0e+00  }
0x1eb: {  	v3 =	vmin.f32 v3, $5.130000000e+02;
	v4 =	vtrunc.f32 v2  }
0x1ec: {  	v4 =	vcvt.f32.s32 v4;
	v5 =	vtrunc.f32 v3  }
0x1ed: {  	v5 =	vcvt.f32.s32 v5  }
0x1ee: {  	v6 =	vcvt.s32.f32 v4;
	v4 =	vmul.u32 $0x203, v4  }
0x1ef: {  	v7 =	vcvt.s32.f32 v5  }
0x1f0: {  	v2 =	vsub.f32 v2, v6;
	v4 =	vadd.s32 v1, v4  }
0x1f1: {  	v3 =	vsub.f32 v3, v7;
	v4 =	vadd.s32 v5, v4  }
0x1f2: {  	[tilespmem:s15+$0xFFFFF050] =	vst v4;
	v5 =	vadd.s32 $0x1, v4;
	v6 =	vadd.s32 $0x203, v4;
	v4 =	vadd.s32 $0x204, v4  }
0x1f3: {  	v7 =	vsub.f32 $1.000000000e+00, v2;
	v8 =	vsub.f32 $1.000000000e+00, v3;
	[tilespmem:s15+$0xFFFFF850] =	vst v5;
	v5 =	vmul.f32 v3, v2  }
0x1f4: {  	[tilespmem:s15+$0x50] =	vst v6  }
0x1f5: {  	[tilespmem:s15+$0x850] =	vst v4;
	v4 =	vmul.f32 v8, v7;
	v2 =	vmul.f32 v8, v2  }
0x1f6: {  	v3 =	vmul.f32 v3, v7;
	[tilespmem:s18+$0x1050] =	vst v5  }
0x1f7: {  	[tilespmem:s18+$0xFFFFE050] =	vst v4  }
0x1f8: {  	[tilespmem:s18+$0x50] =	vst v2  }
0x1f9: {  	[tilespmem:s18+$0xFFFFF050] =	vst v3  }
0x1fa: {  	v2 =	vld [tilespmem:s16+$0x20]  }
0x1fb: {  	v3 =	vld [tilespmem:s24+$0x20];
	_ =	sdelay $0x3  }
0x1fc: {  	v2 =	vmul.f32 $2.560000000e+02, v2  }
0x1fd: {  	v3 =	vmul.f32 $2.560000000e+02, v3  }
0x1fe: {  	v2 =	vadd.f32 $2.570000000e+02, v2  }
0x1ff: {  	v3 =	vadd.f32 $2.570000000e+02, v3  }
0x200: {  	v2 =	vmax.f32 v2, $0.0e+00  }
0x201: {  	v2 =	vmin.f32 v2, $5.130000000e+02;
	v3 =	vmax.f32 v3, $0.0e+00  }
0x202: {  	v3 =	vmin.f32 v3, $5.130000000e+02;
	v4 =	vtrunc.f32 v2  }
0x203: {  	v4 =	vcvt.f32.s32 v4;
	v5 =	vtrunc.f32 v3  }
0x204: {  	v5 =	vcvt.f32.s32 v5  }
0x205: {  	v6 =	vmul.u32 $0x203, v4  }
0x206: {  	v4 =	vcvt.s32.f32 v4;
	v7 =	vcvt.s32.f32 v5  }
0x207: {  	v6 =	vadd.s32 v1, v6  }
0x208: {  	v2 =	vsub.f32 v2, v4;
	v3 =	vsub.f32 v3, v7;
	v4 =	vadd.s32 v5, v6  }
0x209: {  	[tilespmem:s15+$0xFFFFF060] =	vst v4;
	v5 =	vadd.s32 $0x1, v4;
	v6 =	vadd.s32 $0x203, v4;
	v4 =	vadd.s32 $0x204, v4  }
0x20a: {  	v7 =	vsub.f32 $1.000000000e+00, v2;
	v8 =	vsub.f32 $1.000000000e+00, v3;
	[tilespmem:s15+$0xFFFFF860] =	vst v5;
	v5 =	vmul.f32 v3, v2  }
0x20b: {  	[tilespmem:s15+$0x60] =	vst v6  }
0x20c: {  	[tilespmem:s15+$0x860] =	vst v4;
	v4 =	vmul.f32 v8, v7;
	v2 =	vmul.f32 v8, v2  }
0x20d: {  	v3 =	vmul.f32 v3, v7;
	[tilespmem:s18+$0x1060] =	vst v5  }
0x20e: {  	[tilespmem:s18+$0xFFFFE060] =	vst v4  }
.Ltmp2:
0x20f: {  	[tilespmem:s18+$0x60] =	vst v2;
	(pc) =	sbr.rel @p1 .LBB2_7-.Ltmp2, $4  }
0x210: {  	[tilespmem:s18+$0xFFFFF060] =	vst v3  }
0x211: {  	v2 =	vld [tilespmem:s16+$0x30]  }
0x212: {  	v3 =	vld [tilespmem:s24+$0x30]  }
0x213: {  	s15 =	sadd.s32 $0x80, s15;
	s18 =	sadd.s32 $0x100, s18  }
0x214: {  	_ =	sdelay $0x1  }
0x215: {  	v2 =	vmul.f32 $2.560000000e+02, v2;
	_ =	sdelay $0x1  }
0x216: {  	v3 =	vmul.f32 $2.560000000e+02, v3;
	v2 =	vadd.f32 $2.570000000e+02, v2;
	_ =	sdelay $0x1  }
0x217: {  	v3 =	vadd.f32 $2.570000000e+02, v3;
	v2 =	vmax.f32 v2, $0.0e+00  }
0x218: {  	v2 =	vmin.f32 v2, $5.130000000e+02  }
0x219: {  	v3 =	vmax.f32 v3, $0.0e+00;
	v4 =	vtrunc.f32 v2  }
0x21a: {  	v3 =	vmin.f32 v3, $5.130000000e+02;
	v4 =	vcvt.f32.s32 v4  }
0x21b: {  	v5 =	vtrunc.f32 v3  }
0x21c: {  	v5 =	vcvt.f32.s32 v5;
	v6 =	vmul.u32 $0x203, v4  }
0x21d: {  	v4 =	vcvt.s32.f32 v4  }
0x21e: {  	v7 =	vcvt.s32.f32 v5;
	v1 =	vadd.s32 v1, v6  }
0x21f: {  	v2 =	vsub.f32 v2, v4;
	v1 =	vadd.s32 v5, v1  }
0x220: {  	v3 =	vsub.f32 v3, v7;
	[tilespmem:s21+$0xFFFFF070] =	vst v1;
	v61 =	vadd.s32 $0x1, v1  }
0x221: {  	v5 =	vadd.s32 $0x203, v1;
	v62 =	vsub.f32 $1.000000000e+00, v2;
	[tilespmem:s21+$0xFFFFF870] =	vst v61  }
0x222: {  	v1 =	vadd.s32 $0x204, v1;
	v7 =	vsub.f32 $1.000000000e+00, v3;
	v63 =	vmul.f32 v3, v2;
	[tilespmem:s21+$0x70] =	vst v5  }
0x223: {  	[tilespmem:s21+$0x870] =	vst v1;
	v3 =	vmul.f32 v3, v62  }
0x224: {  	v1 =	vmul.f32 v7, v62;
	[tilespmem:s19+$0x1070] =	vst v63  }
0x225: {  	v2 =	vmul.f32 v7, v2;
	[tilespmem:s19+$0xFFFFF070] =	vst v3  }
0x226: {  	[tilespmem:s19+$0xFFFFE070] =	vst v1  }
0x227: {  	[tilespmem:s19+$0x70] =	vst v2  }
0x228: {  	[spmem:s5] =	stream.indirect.scatter.add.f32 [tilespmem:s23], [sflag:$0x2], $0x1, s22, s26, $0xb8;
	[tilespmem:$0x19380] =	vst v63  }
0x229: {  	s10 =	sor.u32 $0x6100, s0;
	s15 =	sadd.s32 $0x2080, s4  }
0x22a: {  	[spmem:s5] =	stream.indirect.scatter.add.f32 [tilespmem:s10], [sflag:$0x2], $0x1, s15, s26, $0xb8;
	[tilespmem:$0x19380] =	vst v63  }
0x22b: {  	s21 =	sor.u32 $0x6200, s0;
	s22 =	sadd.s32 $0x2100, s4  }
0x22c: {  	[spmem:s5] =	stream.indirect.scatter.add.f32 [tilespmem:s21], [sflag:$0x2], $0x1, s22, s26, $0xb8;
	[tilespmem:$0x19380] =	vst v63  }
0x22d: {  	s24 =	sadd.s32 $0x2180, s4;
	s23 =	sor.u32 $0x6300, s0  }
0x22e: {  	[spmem:s5] =	stream.indirect.scatter.add.f32 [tilespmem:s23], [sflag:$0x2], $0x1, s24, s26, $0xb8;
	[tilespmem:$0x19380] =	vst v63  }
0x22f: {  	s16 =	sadd.s32 $0x2200, s4;
	s15 =	sor.u32 $0x6400, s0  }
0x230: {  	[spmem:s5] =	stream.indirect.scatter.add.f32 [tilespmem:s15], [sflag:$0x2], $0x1, s16, s26, $0xb8;
	[tilespmem:$0x19380] =	vst v63  }
0x231: {  	s18 =	sor.u32 $0x6500, s0;
	s19 =	sadd.s32 $0x2280, s4  }
0x232: {  	[spmem:s5] =	stream.indirect.scatter.add.f32 [tilespmem:s18], [sflag:$0x2], $0x1, s19, s26, $0xb8;
	[tilespmem:$0x19380] =	vst v63  }
0x233: {  	s21 =	sor.u32 $0x6600, s0;
	s22 =	sadd.s32 $0x2300, s4  }
0x234: {  	[spmem:s5] =	stream.indirect.scatter.add.f32 [tilespmem:s21], [sflag:$0x2], $0x1, s22, s26, $0xb8;
	[tilespmem:$0x19380] =	vst v63  }
0x235: {  	s23 =	sor.u32 $0x6700, s0;
	s24 =	sadd.s32 $0x2380, s4  }
0x236: {  	[spmem:s5] =	stream.indirect.scatter.add.f32 [tilespmem:s23], [sflag:$0x2], $0x1, s24, s26, $0xb8;
	[tilespmem:$0x19380] =	vst v63  }
0x237: {  	s15 =	sor.u32 $0x6800, s0;
	s16 =	sadd.s32 $0x2400, s4  }
0x238: {  	[spmem:s5] =	stream.indirect.scatter.add.f32 [tilespmem:s15], [sflag:$0x2], $0x1, s16, s26, $0xb8;
	[tilespmem:$0x19380] =	vst v63  }
0x239: {  	s18 =	sor.u32 $0x6900, s0;
	s19 =	sadd.s32 $0x2480, s4  }
0x23a: {  	[spmem:s5] =	stream.indirect.scatter.add.f32 [tilespmem:s18], [sflag:$0x2], $0x1, s19, s26, $0xb8;
	[tilespmem:$0x19380] =	vst v63  }
0x23b: {  	s21 =	sor.u32 $0x6A00, s0;
	s22 =	sadd.s32 $0x2500, s4  }
0x23c: {  	[spmem:s5] =	stream.indirect.scatter.add.f32 [tilespmem:s21], [sflag:$0x2], $0x1, s22, s26, $0xb8;
	[tilespmem:$0x19380] =	vst v63  }
0x23d: {  	s23 =	sor.u32 $0x6B00, s0;
	s24 =	sadd.s32 $0x2580, s4  }
0x23e: {  	[spmem:s5] =	stream.indirect.scatter.add.f32 [tilespmem:s23], [sflag:$0x2], $0x1, s24, s26, $0xb8;
	[tilespmem:$0x19380] =	vst v63  }
0x23f: {  	s15 =	sor.u32 $0x6C00, s0;
	s16 =	sadd.s32 $0x2600, s4  }
0x240: {  	[spmem:s5] =	stream.indirect.scatter.add.f32 [tilespmem:s15], [sflag:$0x2], $0x1, s16, s26, $0xb8;
	[tilespmem:$0x19380] =	vst v63  }
0x241: {  	s18 =	sor.u32 $0x6D00, s0;
	s19 =	sadd.s32 $0x2680, s4  }
0x242: {  	[spmem:s5] =	stream.indirect.scatter.add.f32 [tilespmem:s18], [sflag:$0x2], $0x1, s19, s26, $0xb8;
	[tilespmem:$0x19380] =	vst v63  }
0x243: {  	s21 =	sor.u32 $0x6E00, s0;
	s22 =	sadd.s32 $0x2700, s4  }
0x244: {  	[spmem:s5] =	stream.indirect.scatter.add.f32 [tilespmem:s21], [sflag:$0x2], $0x1, s22, s26, $0xb8;
	[tilespmem:$0x19380] =	vst v63  }
0x245: {  	s23 =	sor.u32 $0x6F00, s0;
	s24 =	sadd.s32 $0x2780, s4  }
0x246: {  	[spmem:s5] =	stream.indirect.scatter.add.f32 [tilespmem:s23], [sflag:$0x2], $0x1, s24, s26, $0xb8;
	[tilespmem:$0x19380] =	vst v63  }
0x247: {  	s15 =	sor.u32 $0x7000, s0;
	s16 =	sadd.s32 $0x2800, s4  }
0x248: {  	[spmem:s5] =	stream.indirect.scatter.add.f32 [tilespmem:s15], [sflag:$0x2], $0x1, s16, s26, $0xb8;
	[tilespmem:$0x19380] =	vst v63  }
0x249: {  	s18 =	sor.u32 $0x7100, s0;
	s19 =	sadd.s32 $0x2880, s4  }
0x24a: {  	[spmem:s5] =	stream.indirect.scatter.add.f32 [tilespmem:s18], [sflag:$0x2], $0x1, s19, s26, $0xb8;
	[tilespmem:$0x19380] =	vst v63  }
0x24b: {  	s21 =	sor.u32 $0x7200, s0;
	s22 =	sadd.s32 $0x2900, s4  }
0x24c: {  	[spmem:s5] =	stream.indirect.scatter.add.f32 [tilespmem:s21], [sflag:$0x2], $0x1, s22, s26, $0xb8;
	[tilespmem:$0x19380] =	vst v63  }
0x24d: {  	s23 =	sor.u32 $0x7300, s0;
	s24 =	sadd.s32 $0x2980, s4  }
0x24e: {  	[spmem:s5] =	stream.indirect.scatter.add.f32 [tilespmem:s23], [sflag:$0x2], $0x1, s24, s26, $0xb8;
	[tilespmem:$0x19380] =	vst v63  }
0x24f: {  	s15 =	sor.u32 $0x7400, s0;
	s16 =	sadd.s32 $0x2A00, s4  }
0x250: {  	[spmem:s5] =	stream.indirect.scatter.add.f32 [tilespmem:s15], [sflag:$0x2], $0x1, s16, s26, $0xb8;
	[tilespmem:$0x19380] =	vst v63  }
0x251: {  	s18 =	sor.u32 $0x7500, s0;
	s19 =	sadd.s32 $0x2A80, s4  }
0x252: {  	[spmem:s5] =	stream.indirect.scatter.add.f32 [tilespmem:s18], [sflag:$0x2], $0x1, s19, s26, $0xb8;
	[tilespmem:$0x19380] =	vst v63  }
0x253: {  	s21 =	sor.u32 $0x7600, s0;
	s22 =	sadd.s32 $0x2B00, s4  }
0x254: {  	[spmem:s5] =	stream.indirect.scatter.add.f32 [tilespmem:s21], [sflag:$0x2], $0x1, s22, s26, $0xb8;
	[tilespmem:$0x19380] =	vst v63  }
0x255: {  	s23 =	sor.u32 $0x7700, s0;
	s24 =	sadd.s32 $0x2B80, s4  }
0x256: {  	[spmem:s5] =	stream.indirect.scatter.add.f32 [tilespmem:s23], [sflag:$0x2], $0x1, s24, s26, $0xb8;
	[tilespmem:$0x19380] =	vst v63  }
0x257: {  	s15 =	sor.u32 $0x7800, s0;
	s16 =	sadd.s32 $0x2C00, s4  }
0x258: {  	[spmem:s5] =	stream.indirect.scatter.add.f32 [tilespmem:s15], [sflag:$0x2], $0x1, s16, s26, $0xb8;
	[tilespmem:$0x19380] =	vst v63  }
0x259: {  	s18 =	sor.u32 $0x7900, s0;
	s19 =	sadd.s32 $0x2C80, s4  }
0x25a: {  	[spmem:s5] =	stream.indirect.scatter.add.f32 [tilespmem:s18], [sflag:$0x2], $0x1, s19, s26, $0xb8;
	[tilespmem:$0x19380] =	vst v63  }
0x25b: {  	s21 =	sor.u32 $0x7A00, s0;
	s22 =	sadd.s32 $0x2D00, s4  }
0x25c: {  	[spmem:s5] =	stream.indirect.scatter.add.f32 [tilespmem:s21], [sflag:$0x2], $0x1, s22, s26, $0xb8;
	[tilespmem:$0x19380] =	vst v63  }
0x25d: {  	s23 =	sor.u32 $0x7B00, s0;
	s24 =	sadd.s32 $0x2D80, s4  }
0x25e: {  	[spmem:s5] =	stream.indirect.scatter.add.f32 [tilespmem:s23], [sflag:$0x2], $0x1, s24, s26, $0xb8;
	[tilespmem:$0x19380] =	vst v63  }
0x25f: {  	s15 =	sor.u32 $0x7C00, s0;
	s16 =	sadd.s32 $0x2E00, s4  }
0x260: {  	[spmem:s5] =	stream.indirect.scatter.add.f32 [tilespmem:s15], [sflag:$0x2], $0x1, s16, s26, $0xb8;
	[tilespmem:$0x19380] =	vst v63  }
0x261: {  	s18 =	sor.u32 $0x7D00, s0;
	s19 =	sadd.s32 $0x2E80, s4  }
0x262: {  	[spmem:s5] =	stream.indirect.scatter.add.f32 [tilespmem:s18], [sflag:$0x2], $0x1, s19, s26, $0xb8;
	[tilespmem:$0x19380] =	vst v63  }
0x263: {  	s21 =	sor.u32 $0x7E00, s0;
	s22 =	sadd.s32 $0x2F00, s4  }
0x264: {  	[spmem:s5] =	stream.indirect.scatter.add.f32 [tilespmem:s21], [sflag:$0x2], $0x1, s22, s26, $0xb8;
	[tilespmem:$0x19380] =	vst v63  }
0x265: {  	s23 =	sor.u32 $0x7F00, s0;
	s24 =	sadd.s32 $0x2F80, s4  }
0x266: {  	[spmem:s5] =	stream.indirect.scatter.add.f32 [tilespmem:s23], [sflag:$0x2], $0x1, s24, s26, $0xb8;
	[tilespmem:$0x19380] =	vst v63  }
0x267: {  	s15 =	sor.u32 $0x8000, s0;
	s16 =	sadd.s32 $0x3000, s4  }
0x268: {  	[spmem:s5] =	stream.indirect.scatter.add.f32 [tilespmem:s15], [sflag:$0x2], $0x1, s16, s26, $0xb8;
	[tilespmem:$0x19380] =	vst v63  }
0x269: {  	s18 =	sor.u32 $0x8100, s0;
	s19 =	sadd.s32 $0x3080, s4  }
0x26a: {  	[spmem:s5] =	stream.indirect.scatter.add.f32 [tilespmem:s18], [sflag:$0x2], $0x1, s19, s26, $0xb8;
	[tilespmem:$0x19380] =	vst v63  }
0x26b: {  	s21 =	sor.u32 $0x8200, s0;
	s22 =	sadd.s32 $0x3100, s4  }
0x26c: {  	[spmem:s5] =	stream.indirect.scatter.add.f32 [tilespmem:s21], [sflag:$0x2], $0x1, s22, s26, $0xb8;
	[tilespmem:$0x19380] =	vst v63  }
0x26d: {  	s23 =	sor.u32 $0x8300, s0;
	s24 =	sadd.s32 $0x3180, s4  }
0x26e: {  	[spmem:s5] =	stream.indirect.scatter.add.f32 [tilespmem:s23], [sflag:$0x2], $0x1, s24, s26, $0xb8;
	[tilespmem:$0x19380] =	vst v63  }
0x26f: {  	s15 =	sor.u32 $0x8400, s0;
	s16 =	sadd.s32 $0x3200, s4  }
0x270: {  	[spmem:s5] =	stream.indirect.scatter.add.f32 [tilespmem:s15], [sflag:$0x2], $0x1, s16, s26, $0xb8;
	[tilespmem:$0x19380] =	vst v63  }
0x271: {  	s18 =	sor.u32 $0x8500, s0;
	s19 =	sadd.s32 $0x3280, s4  }
0x272: {  	[spmem:s5] =	stream.indirect.scatter.add.f32 [tilespmem:s18], [sflag:$0x2], $0x1, s19, s26, $0xb8;
	[tilespmem:$0x19380] =	vst v63  }
0x273: {  	s21 =	sor.u32 $0x8600, s0;
	s22 =	sadd.s32 $0x3300, s4  }
0x274: {  	[spmem:s5] =	stream.indirect.scatter.add.f32 [tilespmem:s21], [sflag:$0x2], $0x1, s22, s26, $0xb8;
	[tilespmem:$0x19380] =	vst v63  }
0x275: {  	s23 =	sor.u32 $0x8700, s0;
	s24 =	sadd.s32 $0x3380, s4  }
0x276: {  	[spmem:s5] =	stream.indirect.scatter.add.f32 [tilespmem:s23], [sflag:$0x2], $0x1, s24, s26, $0xb8;
	[tilespmem:$0x19380] =	vst v63  }
0x277: {  	s15 =	sor.u32 $0x8800, s0;
	s16 =	sadd.s32 $0x3400, s4  }
0x278: {  	[spmem:s5] =	stream.indirect.scatter.add.f32 [tilespmem:s15], [sflag:$0x2], $0x1, s16, s26, $0xb8;
	[tilespmem:$0x19380] =	vst v63  }
0x279: {  	s18 =	sor.u32 $0x8900, s0;
	s19 =	sadd.s32 $0x3480, s4  }
0x27a: {  	[spmem:s5] =	stream.indirect.scatter.add.f32 [tilespmem:s18], [sflag:$0x2], $0x1, s19, s26, $0xb8;
	[tilespmem:$0x19380] =	vst v63  }
0x27b: {  	s21 =	sor.u32 $0x8A00, s0;
	s22 =	sadd.s32 $0x3500, s4  }
0x27c: {  	[spmem:s5] =	stream.indirect.scatter.add.f32 [tilespmem:s21], [sflag:$0x2], $0x1, s22, s26, $0xb8;
	[tilespmem:$0x19380] =	vst v63  }
0x27d: {  	s23 =	sor.u32 $0x8B00, s0;
	s24 =	sadd.s32 $0x3580, s4  }
0x27e: {  	[spmem:s5] =	stream.indirect.scatter.add.f32 [tilespmem:s23], [sflag:$0x2], $0x1, s24, s26, $0xb8;
	[tilespmem:$0x19380] =	vst v63  }
0x27f: {  	s15 =	sor.u32 $0x8C00, s0;
	s16 =	sadd.s32 $0x3600, s4  }
0x280: {  	[spmem:s5] =	stream.indirect.scatter.add.f32 [tilespmem:s15], [sflag:$0x2], $0x1, s16, s26, $0xb8;
	[tilespmem:$0x19380] =	vst v63  }
0x281: {  	s18 =	sor.u32 $0x8D00, s0;
	s19 =	sadd.s32 $0x3680, s4  }
0x282: {  	[spmem:s5] =	stream.indirect.scatter.add.f32 [tilespmem:s18], [sflag:$0x2], $0x1, s19, s26, $0xb8;
	[tilespmem:$0x19380] =	vst v63  }
0x283: {  	s21 =	sor.u32 $0x8E00, s0;
	s22 =	sadd.s32 $0x3700, s4  }
0x284: {  	[spmem:s5] =	stream.indirect.scatter.add.f32 [tilespmem:s21], [sflag:$0x2], $0x1, s22, s26, $0xb8;
	[tilespmem:$0x19380] =	vst v63  }
0x285: {  	s23 =	sor.u32 $0x8F00, s0;
	s24 =	sadd.s32 $0x3780, s4  }
0x286: {  	[spmem:s5] =	stream.indirect.scatter.add.f32 [tilespmem:s23], [sflag:$0x2], $0x1, s24, s26, $0xb8;
	[tilespmem:$0x19380] =	vst v63  }
0x287: {  	s15 =	sor.u32 $0x9000, s0;
	s16 =	sadd.s32 $0x3800, s4  }
0x288: {  	[spmem:s5] =	stream.indirect.scatter.add.f32 [tilespmem:s15], [sflag:$0x2], $0x1, s16, s26, $0xb8;
	[tilespmem:$0x19380] =	vst v63  }
0x289: {  	s18 =	sor.u32 $0x9100, s0;
	s19 =	sadd.s32 $0x3880, s4  }
0x28a: {  	[spmem:s5] =	stream.indirect.scatter.add.f32 [tilespmem:s18], [sflag:$0x2], $0x1, s19, s26, $0xb8;
	[tilespmem:$0x19380] =	vst v63  }
0x28b: {  	s21 =	sor.u32 $0x9200, s0;
	s22 =	sadd.s32 $0x3900, s4  }
0x28c: {  	[spmem:s5] =	stream.indirect.scatter.add.f32 [tilespmem:s21], [sflag:$0x2], $0x1, s22, s26, $0xb8;
	[tilespmem:$0x19380] =	vst v63  }
0x28d: {  	s23 =	sor.u32 $0x9300, s0;
	s24 =	sadd.s32 $0x3980, s4  }
0x28e: {  	[spmem:s5] =	stream.indirect.scatter.add.f32 [tilespmem:s23], [sflag:$0x2], $0x1, s24, s26, $0xb8;
	[tilespmem:$0x19380] =	vst v63  }
0x28f: {  	s15 =	sor.u32 $0x9400, s0;
	s16 =	sadd.s32 $0x3A00, s4  }
0x290: {  	[spmem:s5] =	stream.indirect.scatter.add.f32 [tilespmem:s15], [sflag:$0x2], $0x1, s16, s26, $0xb8;
	[tilespmem:$0x19380] =	vst v63  }
0x291: {  	s18 =	sor.u32 $0x9500, s0;
	s19 =	sadd.s32 $0x3A80, s4  }
0x292: {  	[spmem:s5] =	stream.indirect.scatter.add.f32 [tilespmem:s18], [sflag:$0x2], $0x1, s19, s26, $0xb8;
	[tilespmem:$0x19380] =	vst v63  }
0x293: {  	s21 =	sor.u32 $0x9600, s0;
	s22 =	sadd.s32 $0x3B00, s4  }
0x294: {  	[spmem:s5] =	stream.indirect.scatter.add.f32 [tilespmem:s21], [sflag:$0x2], $0x1, s22, s26, $0xb8;
	[tilespmem:$0x19380] =	vst v63  }
0x295: {  	s23 =	sor.u32 $0x9700, s0;
	s24 =	sadd.s32 $0x3B80, s4  }
0x296: {  	[spmem:s5] =	stream.indirect.scatter.add.f32 [tilespmem:s23], [sflag:$0x2], $0x1, s24, s26, $0xb8;
	[tilespmem:$0x19380] =	vst v63  }
0x297: {  	s15 =	sor.u32 $0x9800, s0;
	s16 =	sadd.s32 $0x3C00, s4  }
0x298: {  	[spmem:s5] =	stream.indirect.scatter.add.f32 [tilespmem:s15], [sflag:$0x2], $0x1, s16, s26, $0xb8;
	[tilespmem:$0x19380] =	vst v63  }
0x299: {  	s18 =	sor.u32 $0x9900, s0;
	s19 =	sadd.s32 $0x3C80, s4  }
0x29a: {  	[spmem:s5] =	stream.indirect.scatter.add.f32 [tilespmem:s18], [sflag:$0x2], $0x1, s19, s26, $0xb8;
	[tilespmem:$0x19380] =	vst v63  }
0x29b: {  	s21 =	sor.u32 $0x9A00, s0;
	s22 =	sadd.s32 $0x3D00, s4  }
0x29c: {  	[spmem:s5] =	stream.indirect.scatter.add.f32 [tilespmem:s21], [sflag:$0x2], $0x1, s22, s26, $0xb8;
	[tilespmem:$0x19380] =	vst v63  }
0x29d: {  	s23 =	sor.u32 $0x9B00, s0;
	s24 =	sadd.s32 $0x3D80, s4  }
0x29e: {  	[spmem:s5] =	stream.indirect.scatter.add.f32 [tilespmem:s23], [sflag:$0x2], $0x1, s24, s26, $0xb8;
	[tilespmem:$0x19380] =	vst v63  }
0x29f: {  	s15 =	sor.u32 $0x9C00, s0;
	s16 =	sadd.s32 $0x3E00, s4  }
0x2a0: {  	[spmem:s5] =	stream.indirect.scatter.add.f32 [tilespmem:s15], [sflag:$0x2], $0x1, s16, s26, $0xb8;
	[tilespmem:$0x19380] =	vst v63  }
0x2a1: {  	p1 =	seq.s32 s31, $0x10;
	s18 =	sor.u32 $0x9D00, s0;
	s19 =	sadd.s32 $0x3E80, s4  }
0x2a2: {  	[spmem:s5] =	stream.indirect.scatter.add.f32 [tilespmem:s18], [sflag:$0x2], $0x1, s19, s26, $0xb8;
	[tilespmem:$0x19380] =	vst v63  }
.Ltmp3:
0x2a3: {  	_ = 	snop;
	(pc) =	sbr.rel @!p1 .LBB2_4-.Ltmp3, $4  }
0x2a4: {  	p0 =	por !p0, !p0;
	s21 =	sor.u32 $0x9E00, s0;
	s22 =	sadd.s32 $0x3F00, s4  }
0x2a5: {  	[spmem:s5] =	stream.indirect.scatter.add.f32 [tilespmem:s21], [sflag:$0x2], $0x1, s22, s26, $0xb8;
	[tilespmem:$0x19380] =	vst v63  }
0x2a6: {  	s23 =	sor.u32 $0x9F00, s0;
	s24 =	sadd.s32 $0x3F80, s4;
	s0 =	smov.u32 s31  }
0x2a7: {  	[spmem:s5] =	stream.indirect.scatter.add.f32 [tilespmem:s23], [sflag:$0x2], $0x1, s24, s26, $0xb8;
	[tilespmem:$0x19380] =	vst v63  }
0x2a8: {  	_ =	swait.ge [sflag:s28], $0x2000  }
0x2a9: {  	[sflag:s28] =	ssyncset.done $0x0  }
0x2aa: {  	[sflag:s28] =	ssyncadd.s32 $0xFFFFE000  }
0x2ab: {  	_ =	swait.ge [sflag:s28], $0x2000  }
0x2ac: {  	[sflag:s28] =	ssyncset.done $0x0  }
0x2ad: {  	s0 =	simm.s32 $0x0;
	[sflag:s28] =	ssyncadd.s32 $0xFFFFE000  }
0x2ae: {  	p0 =	por $0x0, $0x0;
	s4 =	simm.s32 $0x0;
	[bflag:$0x0] =	sbarrier.arrive $0xFFFF  }
.LBB2_10:
0x2af: {  	s10 =	sshll.u32 s4, $0x3  }
0x2b0: {  	s15 =	sshrl.u32 s4, $0x2;
	s10 =	sand.u32 $0x18, s10  }
0x2b1: {  	s16 =	smul.u32 $0x41000, s15;
	s10 =	sor.u32 s13, s10  }
0x2b2: {  	s18 =	smul.u32 $0x203, s10;
	_ =	sdelay $0x1  }
0x2b3: {  	s16 =	sadd.s32 s16, s18  }
0x2b4: {  	s16 =	sadd.s32 $0x200, s16  }
0x2b5: {  	s16 =	sand.u32 $0x7FFFFFF8, s16  }
0x2b6: {  	s16 =	sadd.s32 s16, s5  }
0x2b7: {  	[tilespmem:s29], [sflag:$0x3] =	stream.linear.gather [spmem:s16], $0x1020, $0x38;
	[tilespmem:$0x19380] =	vst v63  }
0x2b8: {  	_ =	swait.ge [sflag:s17], $0x1020  }
0x2b9: {  	p1 =	slt.u32 s4, $0x2;
	s22 =	simm.s32 $0x0;
	[sflag:s17] =	ssyncset.done $0x0  }
0x2ba: {  	s18 =	simm.s32 @!p1 $0x1;
	s16 =	smul.u32 $0x80C, s22;
	[sflag:s17] =	ssyncadd.s32 $0xFFFFEFE0  }
0x2bb: {  	s19 =	sand.u32 $0x1, s4;
	_ =	swait.ge @!p1 [sflag:s18], $0x1000  }
0x2bc: {  	s21 =	sand.u32 $0x180, s0;
	s16 =	sshra.s32 s16, $0x2;
	[sflag:s18] =	ssyncset.done @!p1 $0x0  }
0x2bd: {  	s19 =	sshll.u32 s19, $0x7;
	[sflag:s18] =	ssyncadd.s32 @!p1 $0xFFFFF000;
	s18 =	sadd.s32 s21, s16  }
0x2be: {  	v1 =	vmov s19;
	v2 =	vld [tilespmem:s18+$0xE104]  }
0x2bf: {  	s23 =	simm.s32 $0x0  }
0x2c0: {  	s16 =	sand.u32 $0x3FFFFC00, s23  }
0x2c1: {  	s24 =	sshll.u32 s21, $0x1;
	s16 =	sadd.s32 $0xF180, s16  }
0x2c2: {  	s19 =	sadd.s32 s24, s16  }
0x2c3: {  	[tilespmem:v1+s19+$0x0 ss:$0x1] =	vst.idx.msk $0xffff, v2  }
0x2c4: {  	v2 =	vld [tilespmem:s18+$0xE114];
	_ =	sdelay $0x2  }
0x2c5: {  	s31 =	sand.u32 $0x300, s0  }
0x2c6: {  	s19 =	sadd.s32 s31, s16  }
0x2c7: {  	[tilespmem:v1+s19+$0x10 ss:$0x1] =	vst.idx.msk $0xffff, v2  }
0x2c8: {  	v2 =	vld [tilespmem:s18+$0xE124];
	_ =	sdelay $0x4  }
0x2c9: {  	[tilespmem:v1+s19+$0x20 ss:$0x1] =	vst.idx.msk $0xffff, v2  }
0x2ca: {  	v2 =	vld [tilespmem:s18+$0xE134];
	_ =	sdelay $0x4  }
0x2cb: {  	[tilespmem:v1+s19+$0x30 ss:$0x1] =	vst.idx.msk $0xffff, v2  }
0x2cc: {  	v2 =	vld [tilespmem:s18+$0xE144];
	_ =	sdelay $0x4  }
0x2cd: {  	[tilespmem:v1+s19+$0x40 ss:$0x1] =	vst.idx.msk $0xffff, v2  }
0x2ce: {  	v2 =	vld [tilespmem:s18+$0xE154];
	_ =	sdelay $0x4  }
0x2cf: {  	[tilespmem:v1+s19+$0x50 ss:$0x1] =	vst.idx.msk $0xffff, v2  }
0x2d0: {  	v2 =	vld [tilespmem:s18+$0xE164];
	_ =	sdelay $0x1  }
0x2d1: {  	s16 =	simm.s32 $0x1  }
0x2d2: {  	s16 =	simm.s32 @!p0 $0x0  }
0x2d3: {  	s22 =	simm.s32 $0x0;
	s16 =	sshll.u32 s16, $0x7  }
0x2d4: {  	s21 =	simm.s32 $0x0;
	s23 =	simm.s32 $0x0;
	s16 =	sadd.s32 $0xF180, s16;
	[tilespmem:v1+s19+$0x60 ss:$0x1] =	vst.idx.msk $0xffff, v2  }
.LBB2_11:
0x2d5: {  	s21 =	sadd.s32 $0x8, s21;
	v2 =	vld [tilespmem:s18+$0xE174]  }
0x2d6: {  	s18 =	sshrl.u32 s21, $0x5;
	s24 =	sshll.u32 s21, $0x5;
	p1 =	slt.u32 s21, $0xF8  }
0x2d7: {  	s18 =	smul.u32 $0x80C, s18;
	s24 =	sand.u32 $0x3FFFFC00, s24  }
0x2d8: {  	s22 =	sadd.s32 $0x80, s22  }
0x2d9: {  	s31 =	sand.u32 $0x180, s22;
	s18 =	sshra.s32 s18, $0x2  }
0x2da: {  	s18 =	sadd.s32 s31, s18;
	s31 =	sshll.u32 s31, $0x1;
	[tilespmem:v1+s19+$0x70 ss:$0x1] =	vst.idx.msk $0xffff, v2  }
0x2db: {  	v2 =	vld [tilespmem:s18+$0xE104];
	_ =	sdelay $0x2  }
0x2dc: {  	s19 =	sadd.s32 $0xF180, s24  }
0x2dd: {  	s24 =	sadd.s32 s31, s19  }
0x2de: {  	[tilespmem:v1+s24+$0x0 ss:$0x1] =	vst.idx.msk $0xffff, v2  }
0x2df: {  	v2 =	vld [tilespmem:s18+$0xE114];
	_ =	sdelay $0x1  }
0x2e0: {  	s23 =	sadd.s32 $0x100, s23  }
0x2e1: {  	s24 =	sand.u32 $0x300, s23  }
0x2e2: {  	s19 =	sadd.s32 s24, s19  }
0x2e3: {  	[tilespmem:v1+s19+$0x10 ss:$0x1] =	vst.idx.msk $0xffff, v2  }
0x2e4: {  	v2 =	vld [tilespmem:s18+$0xE124];
	_ =	sdelay $0x4  }
0x2e5: {  	[tilespmem:v1+s19+$0x20 ss:$0x1] =	vst.idx.msk $0xffff, v2  }
0x2e6: {  	v2 =	vld [tilespmem:s18+$0xE134];
	_ =	sdelay $0x4  }
0x2e7: {  	[tilespmem:v1+s19+$0x30 ss:$0x1] =	vst.idx.msk $0xffff, v2  }
0x2e8: {  	v2 =	vld [tilespmem:s18+$0xE144];
	_ =	sdelay $0x4  }
0x2e9: {  	[tilespmem:v1+s19+$0x40 ss:$0x1] =	vst.idx.msk $0xffff, v2  }
0x2ea: {  	v2 =	vld [tilespmem:s18+$0xE154];
	_ =	sdelay $0x4  }
0x2eb: {  	[tilespmem:v1+s19+$0x50 ss:$0x1] =	vst.idx.msk $0xffff, v2  }
0x2ec: {  	v2 =	vld [tilespmem:s18+$0xE164]  }
.Ltmp4:
0x2ed: {  	(pc) =	sbr.rel @p1 .LBB2_11-.Ltmp4, $2  }
0x2ee: {  	_ =	sdelay $0x2  }
0x2ef: {  	[tilespmem:v1+s19+$0x60 ss:$0x1] =	vst.idx.msk $0xffff, v2  }
0x2f0: {  	s15 =	sshll.u32 s15, $0x9  }
0x2f1: {  	v2 =	vld [tilespmem:s18+$0xE174];
	s15 =	sadd.s32 s14, s15  }
0x2f2: {  	s10 =	sor.u32 s10, s15  }
0x2f3: {  	s10 =	sshll.u32 s10, $0x6  }
0x2f4: {  	s10 =	sand.u32 $0x1FFFFE00, s10  }
0x2f5: {  	s10 =	sadd.s32 s3, s10  }
0x2f6: {  	s18 =	sadd.s32 $0x100, s16;
	s15 =	simm.s32 $0x10;
	[tilespmem:v1+s19+$0x70 ss:$0x1] =	vst.idx.msk $0xffff, v2;
	s19 =	sadd.s32 $0x0, s10  }
.LBB2_13:
0x2f7: {  	[hbm4b:s19+s6] =	stream.linear.scatter [tilespmem:s16], [sflag:$0x1], $0x80, $0x38;
	[tilespmem:$0x19380] =	vst v63  }
0x2f8: {  	s19 =	smov.u32 s15;
	s16 =	smov.u32 s18;
	p1 =	sne.s32 s15, $0x1F0  }
.Ltmp5:
0x2f9: {  	s15 =	sadd.s32 $0x10, s15;
	(pc) =	sbr.rel @p1 .LBB2_13-.Ltmp5, $2  }
0x2fa: {  	_ =	sdelay $0x2  }
0x2fb: {  	s18 =	sadd.s32 $0x100, s18;
	s19 =	sadd.s32 s19, s10  }
0x2fc: {  	s4 =	sadd.s32 $0x1, s4  }
0x2fd: {  	p1 =	sne.s32 s4, $0x8  }
.Ltmp6:
0x2fe: {  	_ = 	snop;
	(pc) =	sbr.rel @p1 .LBB2_10-.Ltmp6, $3  }
0x2ff: {  	_ =	sdelay $0x1  }
0x300: {  	[hbm4b:s19+s6] =	stream.linear.scatter [tilespmem:s16], [sflag:$0x1], $0x80, $0x38;
	[tilespmem:$0x19380] =	vst v63  }
0x301: {  	p0 =	por !p0, !p0  }
0x302: {  	_ =	swait.ge [sflag:s25], $0x1000  }
0x303: {  	[sflag:s25] =	ssyncset.done $0x0  }
0x304: {  	[sflag:s25] =	ssyncadd.s32 $0xFFFFF000  }
0x305: {  	_ =	swait.ge [sflag:s25], $0x1000  }
0x306: {  	s30 =	sadd.s32 $0x1, s30;
	s0 =	rddreg [dreg:$0x6]  }
0x307: {  	p0 =	sne.s32 s30, s0  }
.Ltmp7:
0x308: {  	_ = 	snop;
	(pc) =	sbr.rel @p0 .LBB2_1-.Ltmp7, $3  }
0x309: {  	_ =	sdelay $0x1  }
0x30a: {  	[sflag:s25] =	ssyncset.done $0x0  }
0x30b: {  	[sflag:s25] =	ssyncadd.s32 $0xFFFFF000  }
0x30c: {  	_ =	sfence.sel $0x180000  }
0x30d: {  	[bflag:$0x0] =	sbarrier.arrive $0xFFFF  }
0x30e: {  	_ =	strace $0x90000047  }
0x30f: {  	s0 =	stileid.u32;
	[bflag:$0x2] =	sbarrier.arrive $0xFFFF  }
0x310: {  	p0 =	sne.s32 s0, $0x0;
	s0 =	rddreg [dreg:$0x4]  }
0x311: {  	s0 =	sadd.s32 @!p0 $0x100000, s0  }
0x312: {  	[sflag:s0] =	ssyncadd.tile.s32 @!p0 $0x1;
	_ =	shalt  }
.Lfunc_end2:
_tile_overlayer_lowered:
.L_overlay_start_2:
0x313: {  	(tag) =	ssettag $0x2  }
0x314: {  	s0 =	rddreg [dreg:$0x0];
	s2 =	stileid.u32  }
0x315: {  	s1 =	rddreg [dreg:$0x1];
	p0 =	sne.s32 s2, $0x0  }
0x316: {  	s3 =	rddreg [dreg:$0x2];
	[bflag:$0x3] =	sbarrier.arrive $0xFFFF;
	s2 =	simm.s32 @!p0 $0x1C03  }
0x317: {  	[timem:s3], [sflag:s2] =	dma.local @!p0 [hbm:s0], s1  }
0x318: {  	s0 =	simm.s32 @!p0 $0x3  }
0x319: {  	_ =	swait.ge @!p0 [sflag:s0], s1  }
0x31a: {  	s1 =	ssub.s32 @!p0 $0x0, s1;
	[sflag:s0] =	ssyncset.done @!p0 $0x0  }
0x31b: {  	[sflag:s0] =	ssyncadd.s32 @!p0 s1  }
0x31c: {  	[bflag:$0x3] =	sbarrier.arrive $0xFFFF  }
0x31d: {  	_ =	shalt  }

</sc_bundles>
